<compile_context>
chip_gen: v7x
topology: tpu7x:2x2x1
jax: 0.10.2.dev20260603
libtpu: 0.0.44.dev20260713+nightly
codegen_flags: <defaults>
</compile_context>

<pallas_src>
import functools

import jax
import jax.numpy as jnp
from jax import lax
from jax.experimental import pallas as pl
from jax.experimental.pallas import tpu as pltpu
from jax.experimental.pallas import tpu_sc as plsc

N = 10000
E = 320000
IN = 128
OUT = 128
H = 8
C = OUT // H
NE = E + N
NC, NS, L = 2, 16, 16
NW = NC * NS
G = 128
KT = 82
EP = NW * G * KT
ER = EP // G
NEG = 0.2

_MESH = dict(core_axis_name="c", subcore_axis_name="s", num_cores=NC,
             num_subcores=NS)
_SC_PARAMS = pltpu.CompilerParams(needs_layout_passes=False,
                                  use_tc_tiling_on_sc=False)



def _mm_body(x_ref, w_ref, a_ref, xh_ref, ad_ref):
    xh = jnp.dot(x_ref[...], w_ref[...], preferred_element_type=jnp.float32)
    xh_ref[...] = xh
    ad_ref[...] = jnp.dot(xh, a_ref[...], preferred_element_type=jnp.float32)


def _stage_a(x, W, A):
    blk = 400
    return pl.pallas_call(
        _mm_body,
        grid=(N // blk,),
        in_specs=[
            pl.BlockSpec((blk, IN), lambda i: (i, 0)),
            pl.BlockSpec((IN, OUT), lambda i: (0, 0)),
            pl.BlockSpec((OUT, 2 * H), lambda i: (0, 0)),
        ],
        out_specs=[
            pl.BlockSpec((blk, OUT), lambda i: (i, 0)),
            pl.BlockSpec((blk, 2 * H), lambda i: (i, 0)),
        ],
        out_shape=[
            jax.ShapeDtypeStruct((N, OUT), jnp.float32),
            jax.ShapeDtypeStruct((N, 2 * H), jnp.float32),
        ],
    )(x, W, A)



@functools.partial(
    pl.kernel,
    out_type=(jax.ShapeDtypeStruct((EP, H), jnp.float32),
              jax.ShapeDtypeStruct((NC, N, H), jnp.float32)),
    mesh=plsc.VectorSubcoreMesh(**_MESH),
    compiler_params=_SC_PARAMS,
    scratch_types=[
        pltpu.VMEM((G,), jnp.int32), pltpu.VMEM((G,), jnp.int32),
        pltpu.VMEM((G,), jnp.int32), pltpu.VMEM((G,), jnp.int32),
        pltpu.VMEM((G, 2 * H), jnp.float32), pltpu.VMEM((G, 2 * H), jnp.float32),
        pltpu.VMEM((G, 2 * H), jnp.float32), pltpu.VMEM((G, 2 * H), jnp.float32),
        pltpu.VMEM((G, H), jnp.float32), pltpu.VMEM((G, H), jnp.float32),
        pltpu.VMEM_SHARED((N, H), jnp.float32),
        pltpu.SemaphoreType.DMA, pltpu.SemaphoreType.DMA,
        pltpu.SemaphoreType.DMA, pltpu.SemaphoreType.DMA,
        pltpu.SemaphoreType.DMA, pltpu.SemaphoreType.DMA,
    ],
)
def _pass1(ad_hbm, srcp_hbm, dstp_hbm, zero8_hbm, ex_hbm, dpart_hbm,
           srcA, srcB, dstA, dstB, adsA, adsB, addA, addB, exA, exB, den_sp,
           semIA, semIB, semGA, semGB, semSA, semSB):
    c = lax.axis_index("c")
    s = lax.axis_index("s")
    wid = c * NS + s

    @pl.when(s == 0)
    def _init():
        pltpu.sync_copy(zero8_hbm, den_sp)

    plsc.subcore_barrier()
    iota = lax.iota(jnp.int32, L)

    SL = (dict(src=srcA, dst=dstA, ads=adsA, add=addA, ex=exA,
               semI=semIA, semG=semGA, semS=semSA),
          dict(src=srcB, dst=dstB, ads=adsB, add=addB, ex=exB,
               semI=semIB, semG=semGB, semS=semSB))

    def issue_idx(k, S):
        kr = wid * KT + k
        pltpu.async_copy(srcp_hbm.at[kr], S["src"], S["semI"])
        pltpu.async_copy(dstp_hbm.at[kr], S["dst"], S["semI"])

    def drain_idx(S):
        pltpu.make_async_copy(srcp_hbm.at[0], S["src"], S["semI"]).wait()
        pltpu.make_async_copy(dstp_hbm.at[0], S["dst"], S["semI"]).wait()

    def issue_gather(S):
        pltpu.async_copy(ad_hbm.at[S["src"]], S["ads"], S["semG"])
        pltpu.async_copy(ad_hbm.at[S["dst"]], S["add"], S["semG"])

    def drain_gather(S):
        pltpu.make_async_copy(ad_hbm.at[pl.ds(0, G)], S["ads"], S["semG"]).wait()
        pltpu.make_async_copy(ad_hbm.at[pl.ds(0, G)], S["add"], S["semG"]).wait()

    def compute(k, S):
        base_e = (wid * KT + k) * G
        ads_v, add_v, ex_v = S["ads"], S["add"], S["ex"]

        def group(g, carry2):
            e_loc = g * L + iota
            mask = (base_e + e_loc) < NE
            for h in range(H):
                hs = jnp.full((L,), h, jnp.int32)
                hd = jnp.full((L,), H + h, jnp.int32)
                a = (plsc.load_gather(ads_v, [e_loc, hs])
                     + plsc.load_gather(add_v, [e_loc, hd]))
                a = jnp.where(a < 0, a * NEG, a)
                exv = jnp.where(mask, jnp.exp(a), 0.0)
                plsc.store_scatter(ex_v, [e_loc, hs], exv)
            return carry2

        lax.fori_loop(0, G // L, group, 0)

    def _maybe(cond, fn):
        if isinstance(cond, bool):
            if cond:
                fn()
        else:
            pl.when(cond)(fn)

    def step(k, S, Snxt, do_prefetch, do_idx, not_first):
        def _pf():
            drain_idx(Snxt)
            issue_gather(Snxt)
        _maybe(do_prefetch, _pf)
        drain_gather(S)

        def _ds():
            pltpu.make_async_copy(S["ex"], ex_hbm.at[pl.ds(0, G)],
                                  S["semS"]).wait()
        _maybe(not_first, _ds)
        compute(k, S)
        pltpu.sync_copy(S["ex"], den_sp.at[S["dst"]], add=True)
        base_e = (wid * KT + k) * G
        pltpu.async_copy(S["ex"], ex_hbm.at[pl.ds(base_e, G)], S["semS"])

        def _ni():
            issue_idx(k + 2, S)
        _maybe(do_idx, _ni)

    issue_idx(0, SL[0])
    drain_idx(SL[0])
    issue_gather(SL[0])
    issue_idx(1, SL[1])

    def pair(i, carry):
        nl = i < KT // 2 - 1
        step(2 * i, SL[0], SL[1], True, nl, i > 0)
        step(2 * i + 1, SL[1], SL[0], nl, nl, i > 0)
        return carry

    lax.fori_loop(0, KT // 2, pair, 0)
    for S in SL:
        pltpu.make_async_copy(S["ex"], ex_hbm.at[pl.ds(0, G)], S["semS"]).wait()
    plsc.subcore_barrier()

    @pl.when(s == 0)
    def _fin():
        pltpu.sync_copy(den_sp, dpart_hbm.at[c])



def _rd_body(dp_ref, rd_ref):
    r = 1.0 / (dp_ref[0] + dp_ref[1])
    rd_ref[...] = jnp.concatenate([r, r], axis=-1)


def _stage_c(dparts):
    blk = 400
    return pl.pallas_call(
        _rd_body,
        grid=(N // blk,),
        in_specs=[pl.BlockSpec((NC, blk, H), lambda i: (0, i, 0))],
        out_specs=pl.BlockSpec((blk, 2 * H), lambda i: (i, 0)),
        out_shape=jax.ShapeDtypeStruct((N, 2 * H), jnp.float32),
    )(dparts)



def _bcast(v, j):
    idx = jnp.full((L, 1), j, jnp.int32)
    dn = lax.GatherDimensionNumbers(offset_dims=(), collapsed_slice_dims=(0,),
                                    start_index_map=(0,))
    return lax.gather(v, idx, dn, (1,),
                      mode=lax.GatherScatterMode.PROMISE_IN_BOUNDS)


@functools.partial(
    pl.kernel,
    out_type=jax.ShapeDtypeStruct((NC, N, OUT), jnp.float32),
    mesh=plsc.VectorSubcoreMesh(**_MESH),
    compiler_params=_SC_PARAMS,
    scratch_types=[
        pltpu.VMEM((G,), jnp.int32), pltpu.VMEM((G,), jnp.int32),
        pltpu.VMEM((G,), jnp.int32), pltpu.VMEM((G,), jnp.int32),
        pltpu.VMEM((G, OUT), jnp.float32), pltpu.VMEM((G, OUT), jnp.float32),
        pltpu.VMEM((G, H), jnp.float32), pltpu.VMEM((G, H), jnp.float32),
        pltpu.VMEM((G, 2 * H), jnp.float32), pltpu.VMEM((G, 2 * H), jnp.float32),
        pltpu.VMEM_SHARED((N, OUT), jnp.float32),
        pltpu.SemaphoreType.DMA, pltpu.SemaphoreType.DMA,
        pltpu.SemaphoreType.DMA, pltpu.SemaphoreType.DMA,
        pltpu.SemaphoreType.DMA, pltpu.SemaphoreType.DMA,
    ],
)
def _pass2(xh_hbm, srcp_hbm, dstp_hbm, ex_hbm, rd_hbm, zeroO_hbm, opart_hbm,
           srcA, srcB, dstA, dstB, rowsA, rowsB, exA, exB, rdA, rdB, out_sp,
           semIA, semIB, semGA, semGB, semDA, semDB):
    c = lax.axis_index("c")
    s = lax.axis_index("s")
    wid = c * NS + s

    @pl.when(s == 0)
    def _init():
        pltpu.sync_copy(zeroO_hbm, out_sp)

    plsc.subcore_barrier()
    iota = lax.iota(jnp.int32, L)
    mask8 = iota < H

    SL = (dict(src=srcA, dst=dstA, rows=rowsA, ex=exA, rd=rdA,
               semI=semIA, semG=semGA, semD=semDA),
          dict(src=srcB, dst=dstB, rows=rowsB, ex=exB, rd=rdB,
               semI=semIB, semG=semGB, semD=semDB))

    def issue_idx(k, S):
        kr = wid * KT + k
        pltpu.async_copy(srcp_hbm.at[kr], S["src"], S["semI"])
        pltpu.async_copy(dstp_hbm.at[kr], S["dst"], S["semI"])
        pltpu.async_copy(ex_hbm.at[pl.ds(kr * G, G)], S["ex"], S["semI"])

    def drain_idx(S):
        pltpu.make_async_copy(srcp_hbm.at[0], S["src"], S["semI"]).wait()
        pltpu.make_async_copy(dstp_hbm.at[0], S["dst"], S["semI"]).wait()
        pltpu.make_async_copy(ex_hbm.at[pl.ds(0, G)], S["ex"], S["semI"]).wait()

    def issue_gather(S):
        pltpu.async_copy(xh_hbm.at[S["src"]], S["rows"], S["semG"])
        pltpu.async_copy(rd_hbm.at[S["dst"]], S["rd"], S["semD"])

    def drain_gather(S):
        pltpu.make_async_copy(xh_hbm.at[pl.ds(0, G)], S["rows"], S["semG"]).wait()
        pltpu.make_async_copy(rd_hbm.at[pl.ds(0, G)], S["rd"], S["semD"]).wait()

    def compute(S):
        rows_v, ex_v, rd_v = S["rows"], S["ex"], S["rd"]

        def edge(e, carry2):
            ef = jnp.full((L,), e, jnp.int32)
            ex_row = plsc.load_gather(ex_v, [ef, iota], mask=mask8)
            rd_row = plsc.load_gather(rd_v, [ef, iota])
            att = ex_row * rd_row
            for j in range(H):
                bj = _bcast(att, j)
                r = rows_v[e, pl.ds(j * L, L)]
                rows_v[e, pl.ds(j * L, L)] = r * bj
            return carry2

        lax.fori_loop(0, G, edge, 0)

    def _maybe(cond, fn):
        if isinstance(cond, bool):
            if cond:
                fn()
        else:
            pl.when(cond)(fn)

    def step(k, S, Snxt, do_prefetch, do_idx):
        def _pf():
            drain_idx(Snxt)
            issue_gather(Snxt)
        _maybe(do_prefetch, _pf)
        drain_gather(S)
        compute(S)
        pltpu.sync_copy(S["rows"], out_sp.at[S["dst"]], add=True)

        def _ni():
            issue_idx(k + 2, S)
        _maybe(do_idx, _ni)

    issue_idx(0, SL[0])
    drain_idx(SL[0])
    issue_gather(SL[0])
    issue_idx(1, SL[1])

    def pair(i, carry):
        nl = i < KT // 2 - 1
        step(2 * i, SL[0], SL[1], True, nl)
        step(2 * i + 1, SL[1], SL[0], nl, nl)
        return carry

    lax.fori_loop(0, KT // 2, pair, 0)
    plsc.subcore_barrier()

    @pl.when(s == 0)
    def _fin():
        pltpu.sync_copy(out_sp, opart_hbm.at[c])



def _fin_body(op_ref, x_ref, b_ref, g_ref, be_ref, o_ref):
    y = op_ref[0] + op_ref[1] + b_ref[...] + x_ref[...]
    mean = jnp.mean(y, axis=-1, keepdims=True)
    var = jnp.mean((y - mean) ** 2, axis=-1, keepdims=True)
    o_ref[...] = (y - mean) * lax.rsqrt(var + 1e-5) * g_ref[...] + be_ref[...]


def _stage_e(oparts, x, bias, gamma, beta):
    blk = 400
    return pl.pallas_call(
        _fin_body,
        grid=(N // blk,),
        in_specs=[
            pl.BlockSpec((NC, blk, OUT), lambda i: (0, i, 0)),
            pl.BlockSpec((blk, OUT), lambda i: (i, 0)),
            pl.BlockSpec((1, OUT), lambda i: (0, 0)),
            pl.BlockSpec((1, OUT), lambda i: (0, 0)),
            pl.BlockSpec((1, OUT), lambda i: (0, 0)),
        ],
        out_specs=pl.BlockSpec((blk, OUT), lambda i: (i, 0)),
        out_shape=jax.ShapeDtypeStruct((N, OUT), jnp.float32),
    )(oparts, x, bias, gamma, beta)



def kernel(x, edge_index, W, att_src, att_dst, bias, gamma, beta):
    src = edge_index[0]
    dst = edge_index[1]
    loop = jnp.arange(N, dtype=jnp.int32)
    pad = jnp.arange(EP - NE, dtype=jnp.int32) % N
    srcp = jnp.concatenate([src, loop, pad]).reshape(ER, G)
    dstp = jnp.concatenate([dst, loop, pad]).reshape(ER, G)

    eyeH = jnp.eye(H, dtype=jnp.float32)
    A1 = (att_src[:, :, None] * eyeH[:, None, :]).reshape(OUT, H)
    A2 = (att_dst[:, :, None] * eyeH[:, None, :]).reshape(OUT, H)
    A = jnp.concatenate([A1, A2], axis=1)

    xh, ad = _stage_a(x, W, A)
    zero8 = jnp.zeros((N, H), jnp.float32)
    ex, dparts = _pass1(ad, srcp, dstp, zero8)
    rd = _stage_c(dparts)
    zeroO = jnp.zeros((N, OUT), jnp.float32)
    oparts = _pass2(xh, srcp, dstp, ex, rd, zeroO)
    return _stage_e(oparts, x, bias.reshape(1, OUT), gamma.reshape(1, OUT),
                    beta.reshape(1, OUT))

# --- scband reference (transcript-rebuilt; emitter-appended) ---
"""Pipeline reference for scband-res-gatlayer-76596446757096 (READ-ONLY COPY).

The authoritative reference and input builder live on the scoring server;
editing this copy changes nothing except your own understanding.
"""

import jax, jax.numpy as jnp
import numpy as np

N = 10000
E = 320000
IN = 128
OUT = 128
H = 8
C = OUT // H  # 16 per-head channels


def setup_inputs(seed: int = 0) -> dict:
    key = jax.random.key(seed)
    ks = jax.random.split(key, 8)
    x = jax.random.normal(ks[0], (N, IN), dtype=jnp.float32)
    edge_index = jax.random.randint(ks[1], (2, E), 0, N, dtype=jnp.int32)
    # GATConv parameters (lin weight, attention vectors, bias)
    W = jax.random.normal(ks[2], (IN, H * C), dtype=jnp.float32) * (1.0 / np.sqrt(IN))
    att_src = jax.random.normal(ks[3], (H, C), dtype=jnp.float32) * 0.1
    att_dst = jax.random.normal(ks[4], (H, C), dtype=jnp.float32) * 0.1
    bias = jnp.zeros((H * C,), dtype=jnp.float32)
    # LayerNorm parameters
    gamma = jnp.ones((OUT,), dtype=jnp.float32)
    beta = jnp.zeros((OUT,), dtype=jnp.float32)
    return {"x": x, "edge_index": edge_index, "W": W, "att_src": att_src,
            "att_dst": att_dst, "bias": bias, "gamma": gamma, "beta": beta}


def reference(x, edge_index, W, att_src, att_dst, bias, gamma, beta):
    # --- GATConv (heads=H, concat=True, eval mode so dropout is a no-op,
    #     add_self_loops=True as in PyG default) ---
    src = edge_index[0]
    dst = edge_index[1]
    loop = jnp.arange(N, dtype=src.dtype)
    src = jnp.concatenate([src, loop])
    dst = jnp.concatenate([dst, loop])

    xh = (x @ W).reshape(N, H, C)                      # [N, H, C]
    a_src = jnp.sum(xh * att_src[None, :, :], axis=-1)  # [N, H]
    a_dst = jnp.sum(xh * att_dst[None, :, :], axis=-1)  # [N, H]

    alpha = a_src[src] + a_dst[dst]                    # [E', H] (gather)
    alpha = jax.nn.leaky_relu(alpha, negative_slope=0.2)

    # softmax over incoming edges per destination node (segment softmax)
    amax = jax.ops.segment_max(alpha, dst, num_segments=N)
    amax = jnp.where(jnp.isfinite(amax), amax, 0.0)
    ex = jnp.exp(alpha - amax[dst])
    denom = jax.ops.segment_sum(ex, dst, num_segments=N)
    att = ex / jnp.maximum(denom[dst], 1e-16)           # [E', H]

    msg = xh[src] * att[..., None]                      # [E', H, C] (gather)
    out = jax.ops.segment_sum(msg, dst, num_segments=N)  # [N, H, C] (scatter-add)
    out = out.reshape(N, H * C) + bias

    # --- residual (in_channels == out_channels -> identity residual) ---
    out = out + x

    # --- LayerNorm (eps=1e-5, biased variance, elementwise affine) ---
    mean = jnp.mean(out, axis=-1, keepdims=True)
    var = jnp.var(out, axis=-1, keepdims=True)
    out = (out - mean) / jnp.sqrt(var + 1e-5) * gamma + beta
    return out

if __name__ == "__main__":
    import jax
    _d = setup_inputs()
    print(jax.jit(kernel)(*tuple(_d.values())))

</pallas_src>

<mosaic_0001>
#map = affine_map<(d0, d1) -> (0, 0)>
#map1 = affine_map<(d0, d1) -> (0, 0, 0)>
module attributes {stable_mosaic.version = 14 : i64} {
  func.func @_pass1(%arg0: i32, %arg1: i32, %arg2: memref<10000x16xf32, #tpu.memory_space<hbm>>, %arg3: memref<2624x128xi32, #tpu.memory_space<hbm>>, %arg4: memref<2624x128xi32, #tpu.memory_space<hbm>>, %arg5: memref<10000x8xf32, #tpu.memory_space<hbm>>, %arg6: memref<335872x8xf32, #tpu.memory_space<hbm>>, %arg7: memref<2x10000x8xf32, #tpu.memory_space<hbm>>, %arg8: memref<128xi32, #tpu.memory_space<vmem>>, %arg9: memref<128xi32, #tpu.memory_space<vmem>>, %arg10: memref<128xi32, #tpu.memory_space<vmem>>, %arg11: memref<128xi32, #tpu.memory_space<vmem>>, %arg12: memref<128x16xf32, #tpu.memory_space<vmem>>, %arg13: memref<128x16xf32, #tpu.memory_space<vmem>>, %arg14: memref<128x16xf32, #tpu.memory_space<vmem>>, %arg15: memref<128x16xf32, #tpu.memory_space<vmem>>, %arg16: memref<128x8xf32, #tpu.memory_space<vmem>>, %arg17: memref<128x8xf32, #tpu.memory_space<vmem>>, %arg18: memref<10000x8xf32, #tpu.memory_space<vmem_shared>>, %arg19: memref<!tpu.dma_semaphore, #tpu.memory_space<semaphore_mem>>, %arg20: memref<!tpu.dma_semaphore, #tpu.memory_space<semaphore_mem>>, %arg21: memref<!tpu.dma_semaphore, #tpu.memory_space<semaphore_mem>>, %arg22: memref<!tpu.dma_semaphore, #tpu.memory_space<semaphore_mem>>, %arg23: memref<!tpu.dma_semaphore, #tpu.memory_space<semaphore_mem>>, %arg24: memref<!tpu.dma_semaphore, #tpu.memory_space<semaphore_mem>>) attributes {dimension_semantics = [#tpu.dimension_semantics<core_parallel>, #tpu.dimension_semantics<subcore_parallel>], iteration_bounds = array<i64: 2, 16>, scalar_prefetch = 0 : i64, scratch_operands = 17 : i64, tpu.core_type = #tpu.core_type<sc_vector_subcore>, window_params = [{transform_indices = #map}, {transform_indices = #map}, {transform_indices = #map}, {transform_indices = #map}, {transform_indices = #map}, {transform_indices = #map1}]} {
    %mul3A = arith.constant 16 : i32
    %mul3A_0 = arith.muli %arg0, %mul3A : i32
    %add3A = arith.addi %mul3A_0, %arg1 : i32
    %eq3A = arith.constant 0 : i32
    %eq3A_1 = arith.cmpi eq, %arg1, %eq3A : i32
    %convert_element_type3A = arith.extui %eq3A_1 : i1 to i32
    %cond3A = arith.constant 0 : i32
    %cond3A_2 = arith.cmpi ne, %convert_element_type3A, %cond3A : i32
    scf.if %cond3A_2 {
      "tpu.region"() ({
        %run_scoped3A = tpu.sem_alloc : memref<!tpu.dma_semaphore, #tpu.memory_space<semaphore_mem>>
        tpu.enqueue_dma source(%arg5 : memref<10000x8xf32, #tpu.memory_space<hbm>>) target(%arg18 : memref<10000x8xf32, #tpu.memory_space<vmem_shared>>) target_semaphore(%run_scoped3A : memref<!tpu.dma_semaphore, #tpu.memory_space<semaphore_mem>>)
        tpu.wait_dma2 semaphore(%run_scoped3A : memref<!tpu.dma_semaphore, #tpu.memory_space<semaphore_mem>>) src(%arg5 : memref<10000x8xf32, #tpu.memory_space<hbm>>) dst(%arg18 : memref<10000x8xf32, #tpu.memory_space<vmem_shared>>)
        tpu.yield
      }) : () -> ()
    } else {
    }
    %barrier3A = arith.constant 0 : index
    tpu.barrier barrier_id(%barrier3A)
    %iota3A = tpu.iota {dimensions = array<i32: 0>} : vector<16xi32>
    %mul3A_3 = arith.constant 82 : i32
    %mul3A_4 = arith.muli %add3A, %mul3A_3 : i32
    %add3A_5 = arith.constant 0 : i32
    %add3A_6 = arith.addi %mul3A_4, %add3A_5 : i32
    %dma_start3A = arith.constant 0 : i32
    %dma_start3A_7 = tpu.memref_slice %arg3[%add3A_6, %dma_start3A] : memref<2624x128xi32, #tpu.memory_space<hbm>> -> memref<1x128xi32, #tpu.memory_space<hbm>>
    %dma_start3A_8 = tpu.memref_squeeze %dma_start3A_7 : memref<1x128xi32, #tpu.memory_space<hbm>> -> memref<128xi32, #tpu.memory_space<hbm>>
    %dma_start3A_9 = arith.constant 0 : i32
    %dma_start3A_10 = tpu.memref_slice %arg3[%add3A_6, %dma_start3A_9] : memref<2624x128xi32, #tpu.memory_space<hbm>> -> memref<1x128xi32, #tpu.memory_space<hbm>>
    %dma_start3A_11 = tpu.memref_squeeze %dma_start3A_10 : memref<1x128xi32, #tpu.memory_space<hbm>> -> memref<128xi32, #tpu.memory_space<hbm>>
    tpu.enqueue_dma source(%dma_start3A_11 : memref<128xi32, #tpu.memory_space<hbm>>) target(%arg8 : memref<128xi32, #tpu.memory_space<vmem>>) target_semaphore(%arg19 : memref<!tpu.dma_semaphore, #tpu.memory_space<semaphore_mem>>)
    %dma_start3A_12 = arith.constant 0 : i32
    %dma_start3A_13 = tpu.memref_slice %arg4[%add3A_6, %dma_start3A_12] : memref<2624x128xi32, #tpu.memory_space<hbm>> -> memref<1x128xi32, #tpu.memory_space<hbm>>
    %dma_start3A_14 = tpu.memref_squeeze %dma_start3A_13 : memref<1x128xi32, #tpu.memory_space<hbm>> -> memref<128xi32, #tpu.memory_space<hbm>>
    %dma_start3A_15 = arith.constant 0 : i32
    %dma_start3A_16 = tpu.memref_slice %arg4[%add3A_6, %dma_start3A_15] : memref<2624x128xi32, #tpu.memory_space<hbm>> -> memref<1x128xi32, #tpu.memory_space<hbm>>
    %dma_start3A_17 = tpu.memref_squeeze %dma_start3A_16 : memref<1x128xi32, #tpu.memory_space<hbm>> -> memref<128xi32, #tpu.memory_space<hbm>>
    tpu.enqueue_dma source(%dma_start3A_17 : memref<128xi32, #tpu.memory_space<hbm>>) target(%arg10 : memref<128xi32, #tpu.memory_space<vmem>>) target_semaphore(%arg19 : memref<!tpu.dma_semaphore, #tpu.memory_space<semaphore_mem>>)
    %dma_wait3A = arith.constant 0 : i32
    %dma_wait3A_18 = arith.constant 0 : i32
    %dma_wait3A_19 = tpu.memref_slice %arg3[%dma_wait3A, %dma_wait3A_18] : memref<2624x128xi32, #tpu.memory_space<hbm>> -> memref<1x128xi32, #tpu.memory_space<hbm>>
    %dma_wait3A_20 = tpu.memref_squeeze %dma_wait3A_19 : memref<1x128xi32, #tpu.memory_space<hbm>> -> memref<128xi32, #tpu.memory_space<hbm>>
    %dma_wait3A_21 = arith.constant 0 : i32
    %dma_wait3A_22 = tpu.memref_slice %arg3[%dma_wait3A, %dma_wait3A_21] : memref<2624x128xi32, #tpu.memory_space<hbm>> -> memref<1x128xi32, #tpu.memory_space<hbm>>
    %dma_wait3A_23 = tpu.memref_squeeze %dma_wait3A_22 : memref<1x128xi32, #tpu.memory_space<hbm>> -> memref<128xi32, #tpu.memory_space<hbm>>
    tpu.wait_dma2 semaphore(%arg19 : memref<!tpu.dma_semaphore, #tpu.memory_space<semaphore_mem>>) src(%dma_wait3A_23 : memref<128xi32, #tpu.memory_space<hbm>>) dst(%arg8 : memref<128xi32, #tpu.memory_space<vmem>>)
    %dma_wait3A_24 = arith.constant 0 : i32
    %dma_wait3A_25 = arith.constant 0 : i32
    %dma_wait3A_26 = tpu.memref_slice %arg4[%dma_wait3A_24, %dma_wait3A_25] : memref<2624x128xi32, #tpu.memory_space<hbm>> -> memref<1x128xi32, #tpu.memory_space<hbm>>
    %dma_wait3A_27 = tpu.memref_squeeze %dma_wait3A_26 : memref<1x128xi32, #tpu.memory_space<hbm>> -> memref<128xi32, #tpu.memory_space<hbm>>
    %dma_wait3A_28 = arith.constant 0 : i32
    %dma_wait3A_29 = tpu.memref_slice %arg4[%dma_wait3A_24, %dma_wait3A_28] : memref<2624x128xi32, #tpu.memory_space<hbm>> -> memref<1x128xi32, #tpu.memory_space<hbm>>
    %dma_wait3A_30 = tpu.memref_squeeze %dma_wait3A_29 : memref<1x128xi32, #tpu.memory_space<hbm>> -> memref<128xi32, #tpu.memory_space<hbm>>
    tpu.wait_dma2 semaphore(%arg19 : memref<!tpu.dma_semaphore, #tpu.memory_space<semaphore_mem>>) src(%dma_wait3A_30 : memref<128xi32, #tpu.memory_space<hbm>>) dst(%arg10 : memref<128xi32, #tpu.memory_space<vmem>>)
    %dma_start3A_31 = arith.constant 0 : i32
    %dma_start3A_32 = arith.constant 0 : i32
    %dma_start3A_33 = tpu.memref_slice %arg2[%dma_start3A_31, %dma_start3A_32] : memref<10000x16xf32, #tpu.memory_space<hbm>> -> memref<10000x16xf32, #tpu.memory_space<hbm>>
    tpu.enqueue_indirect_dma source(%dma_start3A_33 : memref<10000x16xf32, #tpu.memory_space<hbm>>) target(%arg12 : memref<128x16xf32, #tpu.memory_space<vmem>>) offsets(%arg8 : memref<128xi32, #tpu.memory_space<vmem>>) semaphore(%arg21 : memref<!tpu.dma_semaphore, #tpu.memory_space<semaphore_mem>>)
    %dma_start3A_34 = arith.constant 0 : i32
    %dma_start3A_35 = arith.constant 0 : i32
    %dma_start3A_36 = tpu.memref_slice %arg2[%dma_start3A_34, %dma_start3A_35] : memref<10000x16xf32, #tpu.memory_space<hbm>> -> memref<10000x16xf32, #tpu.memory_space<hbm>>
    tpu.enqueue_indirect_dma source(%dma_start3A_36 : memref<10000x16xf32, #tpu.memory_space<hbm>>) target(%arg14 : memref<128x16xf32, #tpu.memory_space<vmem>>) offsets(%arg10 : memref<128xi32, #tpu.memory_space<vmem>>) semaphore(%arg21 : memref<!tpu.dma_semaphore, #tpu.memory_space<semaphore_mem>>)
    %mul3A_37 = arith.constant 82 : i32
    %mul3A_38 = arith.muli %add3A, %mul3A_37 : i32
    %add3A_39 = arith.constant 1 : i32
    %add3A_40 = arith.addi %mul3A_38, %add3A_39 : i32
    %dma_start3A_41 = arith.constant 0 : i32
    %dma_start3A_42 = tpu.memref_slice %arg3[%add3A_40, %dma_start3A_41] : memref<2624x128xi32, #tpu.memory_space<hbm>> -> memref<1x128xi32, #tpu.memory_space<hbm>>
    %dma_start3A_43 = tpu.memref_squeeze %dma_start3A_42 : memref<1x128xi32, #tpu.memory_space<hbm>> -> memref<128xi32, #tpu.memory_space<hbm>>
    %dma_start3A_44 = arith.constant 0 : i32
    %dma_start3A_45 = tpu.memref_slice %arg3[%add3A_40, %dma_start3A_44] : memref<2624x128xi32, #tpu.memory_space<hbm>> -> memref<1x128xi32, #tpu.memory_space<hbm>>
    %dma_start3A_46 = tpu.memref_squeeze %dma_start3A_45 : memref<1x128xi32, #tpu.memory_space<hbm>> -> memref<128xi32, #tpu.memory_space<hbm>>
    tpu.enqueue_dma source(%dma_start3A_46 : memref<128xi32, #tpu.memory_space<hbm>>) target(%arg9 : memref<128xi32, #tpu.memory_space<vmem>>) target_semaphore(%arg20 : memref<!tpu.dma_semaphore, #tpu.memory_space<semaphore_mem>>)
    %dma_start3A_47 = arith.constant 0 : i32
    %dma_start3A_48 = tpu.memref_slice %arg4[%add3A_40, %dma_start3A_47] : memref<2624x128xi32, #tpu.memory_space<hbm>> -> memref<1x128xi32, #tpu.memory_space<hbm>>
    %dma_start3A_49 = tpu.memref_squeeze %dma_start3A_48 : memref<1x128xi32, #tpu.memory_space<hbm>> -> memref<128xi32, #tpu.memory_space<hbm>>
    %dma_start3A_50 = arith.constant 0 : i32
    %dma_start3A_51 = tpu.memref_slice %arg4[%add3A_40, %dma_start3A_50] : memref<2624x128xi32, #tpu.memory_space<hbm>> -> memref<1x128xi32, #tpu.memory_space<hbm>>
    %dma_start3A_52 = tpu.memref_squeeze %dma_start3A_51 : memref<1x128xi32, #tpu.memory_space<hbm>> -> memref<128xi32, #tpu.memory_space<hbm>>
    tpu.enqueue_dma source(%dma_start3A_52 : memref<128xi32, #tpu.memory_space<hbm>>) target(%arg11 : memref<128xi32, #tpu.memory_space<vmem>>) target_semaphore(%arg20 : memref<!tpu.dma_semaphore, #tpu.memory_space<semaphore_mem>>)
    %scan3A = arith.constant 0 : i32
    %scan3A_53 = arith.constant 0 : i32
    %scan3A_54 = arith.constant 41 : i32
    %scan3A_55 = arith.addi %scan3A_53, %scan3A_54 : i32
    %scan3A_56 = arith.constant 1 : i32
    scf.for %scan3A_76 = %scan3A_53 to %scan3A_55 step %scan3A_56  : i32 {
      %lt3A = arith.constant 40 : i32
      %lt3A_77 = arith.cmpi slt, %scan3A_76, %lt3A : i32
      %mul3A_78 = arith.constant 2 : i32
      %mul3A_79 = arith.muli %mul3A_78, %scan3A_76 : i32
      %gt3A = arith.constant 0 : i32
      %gt3A_80 = arith.cmpi sgt, %scan3A_76, %gt3A : i32
      %dma_wait3A_81 = arith.constant 0 : i32
      %dma_wait3A_82 = arith.constant 0 : i32
      %dma_wait3A_83 = tpu.memref_slice %arg3[%dma_wait3A_81, %dma_wait3A_82] : memref<2624x128xi32, #tpu.memory_space<hbm>> -> memref<1x128xi32, #tpu.memory_space<hbm>>
      %dma_wait3A_84 = tpu.memref_squeeze %dma_wait3A_83 : memref<1x128xi32, #tpu.memory_space<hbm>> -> memref<128xi32, #tpu.memory_space<hbm>>
      %dma_wait3A_85 = arith.constant 0 : i32
      %dma_wait3A_86 = tpu.memref_slice %arg3[%dma_wait3A_81, %dma_wait3A_85] : memref<2624x128xi32, #tpu.memory_space<hbm>> -> memref<1x128xi32, #tpu.memory_space<hbm>>
      %dma_wait3A_87 = tpu.memref_squeeze %dma_wait3A_86 : memref<1x128xi32, #tpu.memory_space<hbm>> -> memref<128xi32, #tpu.memory_space<hbm>>
      tpu.wait_dma2 semaphore(%arg20 : memref<!tpu.dma_semaphore, #tpu.memory_space<semaphore_mem>>) src(%dma_wait3A_87 : memref<128xi32, #tpu.memory_space<hbm>>) dst(%arg9 : memref<128xi32, #tpu.memory_space<vmem>>)
      %dma_wait3A_88 = arith.constant 0 : i32
      %dma_wait3A_89 = arith.constant 0 : i32
      %dma_wait3A_90 = tpu.memref_slice %arg4[%dma_wait3A_88, %dma_wait3A_89] : memref<2624x128xi32, #tpu.memory_space<hbm>> -> memref<1x128xi32, #tpu.memory_space<hbm>>
      %dma_wait3A_91 = tpu.memref_squeeze %dma_wait3A_90 : memref<1x128xi32, #tpu.memory_space<hbm>> -> memref<128xi32, #tpu.memory_space<hbm>>
      %dma_wait3A_92 = arith.constant 0 : i32
      %dma_wait3A_93 = tpu.memref_slice %arg4[%dma_wait3A_88, %dma_wait3A_92] : memref<2624x128xi32, #tpu.memory_space<hbm>> -> memref<1x128xi32, #tpu.memory_space<hbm>>
      %dma_wait3A_94 = tpu.memref_squeeze %dma_wait3A_93 : memref<1x128xi32, #tpu.memory_space<hbm>> -> memref<128xi32, #tpu.memory_space<hbm>>
      tpu.wait_dma2 semaphore(%arg20 : memref<!tpu.dma_semaphore, #tpu.memory_space<semaphore_mem>>) src(%dma_wait3A_94 : memref<128xi32, #tpu.memory_space<hbm>>) dst(%arg11 : memref<128xi32, #tpu.memory_space<vmem>>)
      %dma_start3A_95 = arith.constant 0 : i32
      %dma_start3A_96 = arith.constant 0 : i32
      %dma_start3A_97 = tpu.memref_slice %arg2[%dma_start3A_95, %dma_start3A_96] : memref<10000x16xf32, #tpu.memory_space<hbm>> -> memref<10000x16xf32, #tpu.memory_space<hbm>>
      tpu.enqueue_indirect_dma source(%dma_start3A_97 : memref<10000x16xf32, #tpu.memory_space<hbm>>) target(%arg13 : memref<128x16xf32, #tpu.memory_space<vmem>>) offsets(%arg9 : memref<128xi32, #tpu.memory_space<vmem>>) semaphore(%arg22 : memref<!tpu.dma_semaphore, #tpu.memory_space<semaphore_mem>>)
      %dma_start3A_98 = arith.constant 0 : i32
      %dma_start3A_99 = arith.constant 0 : i32
      %dma_start3A_100 = tpu.memref_slice %arg2[%dma_start3A_98, %dma_start3A_99] : memref<10000x16xf32, #tpu.memory_space<hbm>> -> memref<10000x16xf32, #tpu.memory_space<hbm>>
      tpu.enqueue_indirect_dma source(%dma_start3A_100 : memref<10000x16xf32, #tpu.memory_space<hbm>>) target(%arg15 : memref<128x16xf32, #tpu.memory_space<vmem>>) offsets(%arg11 : memref<128xi32, #tpu.memory_space<vmem>>) semaphore(%arg22 : memref<!tpu.dma_semaphore, #tpu.memory_space<semaphore_mem>>)
      %dma_wait3A_101 = arith.constant 0 : i32
      %dma_wait3A_102 = arith.constant 0 : i32
      %dma_wait3A_103 = tpu.memref_slice %arg2[%dma_wait3A_101, %dma_wait3A_102] : memref<10000x16xf32, #tpu.memory_space<hbm>> -> memref<128x16xf32, #tpu.memory_space<hbm>>
      %dma_wait3A_104 = arith.constant 0 : i32
      %dma_wait3A_105 = arith.constant 0 : i32
      %dma_wait3A_106 = tpu.memref_slice %arg2[%dma_wait3A_104, %dma_wait3A_105] : memref<10000x16xf32, #tpu.memory_space<hbm>> -> memref<128x16xf32, #tpu.memory_space<hbm>>
      tpu.wait_dma2 semaphore(%arg21 : memref<!tpu.dma_semaphore, #tpu.memory_space<semaphore_mem>>) src(%dma_wait3A_106 : memref<128x16xf32, #tpu.memory_space<hbm>>) dst(%arg12 : memref<128x16xf32, #tpu.memory_space<vmem>>)
      %dma_wait3A_107 = arith.constant 0 : i32
      %dma_wait3A_108 = arith.constant 0 : i32
      %dma_wait3A_109 = tpu.memref_slice %arg2[%dma_wait3A_107, %dma_wait3A_108] : memref<10000x16xf32, #tpu.memory_space<hbm>> -> memref<128x16xf32, #tpu.memory_space<hbm>>
      %dma_wait3A_110 = arith.constant 0 : i32
      %dma_wait3A_111 = arith.constant 0 : i32
      %dma_wait3A_112 = tpu.memref_slice %arg2[%dma_wait3A_110, %dma_wait3A_111] : memref<10000x16xf32, #tpu.memory_space<hbm>> -> memref<128x16xf32, #tpu.memory_space<hbm>>
      tpu.wait_dma2 semaphore(%arg21 : memref<!tpu.dma_semaphore, #tpu.memory_space<semaphore_mem>>) src(%dma_wait3A_112 : memref<128x16xf32, #tpu.memory_space<hbm>>) dst(%arg14 : memref<128x16xf32, #tpu.memory_space<vmem>>)
      %convert_element_type3A_113 = arith.extui %gt3A_80 : i1 to i32
      %cond3A_114 = arith.constant 0 : i32
      %cond3A_115 = arith.cmpi ne, %convert_element_type3A_113, %cond3A_114 : i32
      scf.if %cond3A_115 {
        %dma_wait3A_186 = arith.constant 0 : i32
        %dma_wait3A_187 = arith.constant 0 : i32
        %dma_wait3A_188 = tpu.memref_slice %arg6[%dma_wait3A_186, %dma_wait3A_187] : memref<335872x8xf32, #tpu.memory_space<hbm>> -> memref<128x8xf32, #tpu.memory_space<hbm>>
        %dma_wait3A_189 = arith.constant 0 : i32
        %dma_wait3A_190 = arith.constant 0 : i32
        %dma_wait3A_191 = tpu.memref_slice %arg6[%dma_wait3A_189, %dma_wait3A_190] : memref<335872x8xf32, #tpu.memory_space<hbm>> -> memref<128x8xf32, #tpu.memory_space<hbm>>
        tpu.wait_dma2 semaphore(%arg23 : memref<!tpu.dma_semaphore, #tpu.memory_space<semaphore_mem>>) src(%arg16 : memref<128x8xf32, #tpu.memory_space<vmem>>) dst(%dma_wait3A_191 : memref<128x8xf32, #tpu.memory_space<hbm>>)
      } else {
      }
      %mul3A_116 = arith.constant 82 : i32
      %mul3A_117 = arith.muli %add3A, %mul3A_116 : i32
      %add3A_118 = arith.addi %mul3A_117, %mul3A_79 : i32
      %mul3A_119 = arith.constant 128 : i32
      %mul3A_120 = arith.muli %add3A_118, %mul3A_119 : i32
      %scan3A_121 = arith.constant 0 : i32
      %scan3A_122 = arith.constant 0 : i32
      %scan3A_123 = arith.constant 8 : i32
      %scan3A_124 = arith.addi %scan3A_122, %scan3A_123 : i32
      %scan3A_125 = arith.constant 1 : i32
      scf.for %scan3A_186 = %scan3A_122 to %scan3A_124 step %scan3A_125  : i32 {
        %mul3A_187 = arith.constant 16 : i32
        %mul3A_188 = arith.muli %scan3A_186, %mul3A_187 : i32
        %add3A_189 = vector.broadcast %mul3A_188 : i32 to vector<16xi32>
        %add3A_190 = arith.addi %add3A_189, %iota3A : vector<16xi32>
        %add3A_191 = vector.broadcast %mul3A_120 : i32 to vector<16xi32>
        %add3A_192 = arith.addi %add3A_191, %add3A_190 : vector<16xi32>
        %lt3A_193 = arith.constant 330000 : i32
        %lt3A_194 = vector.broadcast %lt3A_193 : i32 to vector<16xi32>
        %lt3A_195 = arith.cmpi slt, %add3A_192, %lt3A_194 : vector<16xi32>
        %broadcast_in_dim3A = arith.constant 0 : i32
        %broadcast_in_dim3A_196 = vector.broadcast %broadcast_in_dim3A : i32 to vector<16xi32>
        %broadcast_in_dim3A_197 = arith.constant 8 : i32
        %broadcast_in_dim3A_198 = vector.broadcast %broadcast_in_dim3A_197 : i32 to vector<16xi32>
        %gather3A = tpu.vector_load_idx %arg12[%add3A_190, %broadcast_in_dim3A_196] : memref<128x16xf32, #tpu.memory_space<vmem>>[vector<16xi32>, vector<16xi32>], vector<16xf32>,
        %gather3A_199 = tpu.vector_load_idx %arg14[%add3A_190, %broadcast_in_dim3A_198] : memref<128x16xf32, #tpu.memory_space<vmem>>[vector<16xi32>, vector<16xi32>], vector<16xf32>,
        %add3A_200 = arith.addf %gather3A, %gather3A_199 : vector<16xf32>
        %lt3A_201 = arith.constant 0.000000e+00 : f32
        %lt3A_202 = vector.broadcast %lt3A_201 : f32 to vector<16xf32>
        %lt3A_203 = arith.cmpf olt, %add3A_200, %lt3A_202 : vector<16xf32>
        %mul3A_204 = arith.constant 2.000000e-01 : f32
        %mul3A_205 = vector.broadcast %mul3A_204 : f32 to vector<16xf32>
        %mul3A_206 = arith.mulf %add3A_200, %mul3A_205 : vector<16xf32>
        %select_n3A = arith.select %lt3A_203, %mul3A_206, %add3A_200 : vector<16xi1>, vector<16xf32>
        %exp3A = math.exp %select_n3A : vector<16xf32>
        %jit3A = arith.constant 0.000000e+00 : f32
        %broadcast_in_dim3A_207 = vector.broadcast %jit3A : f32 to vector<16xf32>
        %select_n3A_208 = arith.select %lt3A_195, %exp3A, %broadcast_in_dim3A_207 : vector<16xi1>, vector<16xf32>
        tpu.vector_store_idx %arg16[%add3A_190, %broadcast_in_dim3A_196], %select_n3A_208 : memref<128x8xf32, #tpu.memory_space<vmem>>[vector<16xi32>, vector<16xi32>], vector<16xf32>,
        %broadcast_in_dim3A_209 = arith.constant 1 : i32
        %broadcast_in_dim3A_210 = vector.broadcast %broadcast_in_dim3A_209 : i32 to vector<16xi32>
        %broadcast_in_dim3A_211 = arith.constant 9 : i32
        %broadcast_in_dim3A_212 = vector.broadcast %broadcast_in_dim3A_211 : i32 to vector<16xi32>
        %gather3A_213 = tpu.vector_load_idx %arg12[%add3A_190, %broadcast_in_dim3A_210] : memref<128x16xf32, #tpu.memory_space<vmem>>[vector<16xi32>, vector<16xi32>], vector<16xf32>,
        %gather3A_214 = tpu.vector_load_idx %arg14[%add3A_190, %broadcast_in_dim3A_212] : memref<128x16xf32, #tpu.memory_space<vmem>>[vector<16xi32>, vector<16xi32>], vector<16xf32>,
        %add3A_215 = arith.addf %gather3A_213, %gather3A_214 : vector<16xf32>
        %lt3A_216 = arith.constant 0.000000e+00 : f32
        %lt3A_217 = vector.broadcast %lt3A_216 : f32 to vector<16xf32>
        %lt3A_218 = arith.cmpf olt, %add3A_215, %lt3A_217 : vector<16xf32>
        %mul3A_219 = arith.constant 2.000000e-01 : f32
        %mul3A_220 = vector.broadcast %mul3A_219 : f32 to vector<16xf32>
        %mul3A_221 = arith.mulf %add3A_215, %mul3A_220 : vector<16xf32>
        %select_n3A_222 = arith.select %lt3A_218, %mul3A_221, %add3A_215 : vector<16xi1>, vector<16xf32>
        %exp3A_223 = math.exp %select_n3A_222 : vector<16xf32>
        %jit3A_224 = arith.constant 0.000000e+00 : f32
        %broadcast_in_dim3A_225 = vector.broadcast %jit3A_224 : f32 to vector<16xf32>
        %select_n3A_226 = arith.select %lt3A_195, %exp3A_223, %broadcast_in_dim3A_225 : vector<16xi1>, vector<16xf32>
        tpu.vector_store_idx %arg16[%add3A_190, %broadcast_in_dim3A_210], %select_n3A_226 : memref<128x8xf32, #tpu.memory_space<vmem>>[vector<16xi32>, vector<16xi32>], vector<16xf32>,
        %broadcast_in_dim3A_227 = arith.constant 2 : i32
        %broadcast_in_dim3A_228 = vector.broadcast %broadcast_in_dim3A_227 : i32 to vector<16xi32>
        %broadcast_in_dim3A_229 = arith.constant 10 : i32
        %broadcast_in_dim3A_230 = vector.broadcast %broadcast_in_dim3A_229 : i32 to vector<16xi32>
        %gather3A_231 = tpu.vector_load_idx %arg12[%add3A_190, %broadcast_in_dim3A_228] : memref<128x16xf32, #tpu.memory_space<vmem>>[vector<16xi32>, vector<16xi32>], vector<16xf32>,
        %gather3A_232 = tpu.vector_load_idx %arg14[%add3A_190, %broadcast_in_dim3A_230] : memref<128x16xf32, #tpu.memory_space<vmem>>[vector<16xi32>, vector<16xi32>], vector<16xf32>,
        %add3A_233 = arith.addf %gather3A_231, %gather3A_232 : vector<16xf32>
        %lt3A_234 = arith.constant 0.000000e+00 : f32
        %lt3A_235 = vector.broadcast %lt3A_234 : f32 to vector<16xf32>
        %lt3A_236 = arith.cmpf olt, %add3A_233, %lt3A_235 : vector<16xf32>
        %mul3A_237 = arith.constant 2.000000e-01 : f32
        %mul3A_238 = vector.broadcast %mul3A_237 : f32 to vector<16xf32>
        %mul3A_239 = arith.mulf %add3A_233, %mul3A_238 : vector<16xf32>
        %select_n3A_240 = arith.select %lt3A_236, %mul3A_239, %add3A_233 : vector<16xi1>, vector<16xf32>
        %exp3A_241 = math.exp %select_n3A_240 : vector<16xf32>
        %jit3A_242 = arith.constant 0.000000e+00 : f32
        %broadcast_in_dim3A_243 = vector.broadcast %jit3A_242 : f32 to vector<16xf32>
        %select_n3A_244 = arith.select %lt3A_195, %exp3A_241, %broadcast_in_dim3A_243 : vector<16xi1>, vector<16xf32>
        tpu.vector_store_idx %arg16[%add3A_190, %broadcast_in_dim3A_228], %select_n3A_244 : memref<128x8xf32, #tpu.memory_space<vmem>>[vector<16xi32>, vector<16xi32>], vector<16xf32>,
        %broadcast_in_dim3A_245 = arith.constant 3 : i32
        %broadcast_in_dim3A_246 = vector.broadcast %broadcast_in_dim3A_245 : i32 to vector<16xi32>
        %broadcast_in_dim3A_247 = arith.constant 11 : i32
        %broadcast_in_dim3A_248 = vector.broadcast %broadcast_in_dim3A_247 : i32 to vector<16xi32>
        %gather3A_249 = tpu.vector_load_idx %arg12[%add3A_190, %broadcast_in_dim3A_246] : memref<128x16xf32, #tpu.memory_space<vmem>>[vector<16xi32>, vector<16xi32>], vector<16xf32>,
        %gather3A_250 = tpu.vector_load_idx %arg14[%add3A_190, %broadcast_in_dim3A_248] : memref<128x16xf32, #tpu.memory_space<vmem>>[vector<16xi32>, vector<16xi32>], vector<16xf32>,
        %add3A_251 = arith.addf %gather3A_249, %gather3A_250 : vector<16xf32>
        %lt3A_252 = arith.constant 0.000000e+00 : f32
        %lt3A_253 = vector.broadcast %lt3A_252 : f32 to vector<16xf32>
        %lt3A_254 = arith.cmpf olt, %add3A_251, %lt3A_253 : vector<16xf32>
        %mul3A_255 = arith.constant 2.000000e-01 : f32
        %mul3A_256 = vector.broadcast %mul3A_255 : f32 to vector<16xf32>
        %mul3A_257 = arith.mulf %add3A_251, %mul3A_256 : vector<16xf32>
        %select_n3A_258 = arith.select %lt3A_254, %mul3A_257, %add3A_251 : vector<16xi1>, vector<16xf32>
        %exp3A_259 = math.exp %select_n3A_258 : vector<16xf32>
        %jit3A_260 = arith.constant 0.000000e+00 : f32
        %broadcast_in_dim3A_261 = vector.broadcast %jit3A_260 : f32 to vector<16xf32>
        %select_n3A_262 = arith.select %lt3A_195, %exp3A_259, %broadcast_in_dim3A_261 : vector<16xi1>, vector<16xf32>
        tpu.vector_store_idx %arg16[%add3A_190, %broadcast_in_dim3A_246], %select_n3A_262 : memref<128x8xf32, #tpu.memory_space<vmem>>[vector<16xi32>, vector<16xi32>], vector<16xf32>,
        %broadcast_in_dim3A_263 = arith.constant 4 : i32
        %broadcast_in_dim3A_264 = vector.broadcast %broadcast_in_dim3A_263 : i32 to vector<16xi32>
        %broadcast_in_dim3A_265 = arith.constant 12 : i32
        %broadcast_in_dim3A_266 = vector.broadcast %broadcast_in_dim3A_265 : i32 to vector<16xi32>
        %gather3A_267 = tpu.vector_load_idx %arg12[%add3A_190, %broadcast_in_dim3A_264] : memref<128x16xf32, #tpu.memory_space<vmem>>[vector<16xi32>, vector<16xi32>], vector<16xf32>,
        %gather3A_268 = tpu.vector_load_idx %arg14[%add3A_190, %broadcast_in_dim3A_266] : memref<128x16xf32, #tpu.memory_space<vmem>>[vector<16xi32>, vector<16xi32>], vector<16xf32>,
        %add3A_269 = arith.addf %gather3A_267, %gather3A_268 : vector<16xf32>
        %lt3A_270 = arith.constant 0.000000e+00 : f32
        %lt3A_271 = vector.broadcast %lt3A_270 : f32 to vector<16xf32>
        %lt3A_272 = arith.cmpf olt, %add3A_269, %lt3A_271 : vector<16xf32>
        %mul3A_273 = arith.constant 2.000000e-01 : f32
        %mul3A_274 = vector.broadcast %mul3A_273 : f32 to vector<16xf32>
        %mul3A_275 = arith.mulf %add3A_269, %mul3A_274 : vector<16xf32>
        %select_n3A_276 = arith.select %lt3A_272, %mul3A_275, %add3A_269 : vector<16xi1>, vector<16xf32>
        %exp3A_277 = math.exp %select_n3A_276 : vector<16xf32>
        %jit3A_278 = arith.constant 0.000000e+00 : f32
        %broadcast_in_dim3A_279 = vector.broadcast %jit3A_278 : f32 to vector<16xf32>
        %select_n3A_280 = arith.select %lt3A_195, %exp3A_277, %broadcast_in_dim3A_279 : vector<16xi1>, vector<16xf32>
        tpu.vector_store_idx %arg16[%add3A_190, %broadcast_in_dim3A_264], %select_n3A_280 : memref<128x8xf32, #tpu.memory_space<vmem>>[vector<16xi32>, vector<16xi32>], vector<16xf32>,
        %broadcast_in_dim3A_281 = arith.constant 5 : i32
        %broadcast_in_dim3A_282 = vector.broadcast %broadcast_in_dim3A_281 : i32 to vector<16xi32>
        %broadcast_in_dim3A_283 = arith.constant 13 : i32
        %broadcast_in_dim3A_284 = vector.broadcast %broadcast_in_dim3A_283 : i32 to vector<16xi32>
        %gather3A_285 = tpu.vector_load_idx %arg12[%add3A_190, %broadcast_in_dim3A_282] : memref<128x16xf32, #tpu.memory_space<vmem>>[vector<16xi32>, vector<16xi32>], vector<16xf32>,
        %gather3A_286 = tpu.vector_load_idx %arg14[%add3A_190, %broadcast_in_dim3A_284] : memref<128x16xf32, #tpu.memory_space<vmem>>[vector<16xi32>, vector<16xi32>], vector<16xf32>,
        %add3A_287 = arith.addf %gather3A_285, %gather3A_286 : vector<16xf32>
        %lt3A_288 = arith.constant 0.000000e+00 : f32
        %lt3A_289 = vector.broadcast %lt3A_288 : f32 to vector<16xf32>
        %lt3A_290 = arith.cmpf olt, %add3A_287, %lt3A_289 : vector<16xf32>
        %mul3A_291 = arith.constant 2.000000e-01 : f32
        %mul3A_292 = vector.broadcast %mul3A_291 : f32 to vector<16xf32>
        %mul3A_293 = arith.mulf %add3A_287, %mul3A_292 : vector<16xf32>
        %select_n3A_294 = arith.select %lt3A_290, %mul3A_293, %add3A_287 : vector<16xi1>, vector<16xf32>
        %exp3A_295 = math.exp %select_n3A_294 : vector<16xf32>
        %jit3A_296 = arith.constant 0.000000e+00 : f32
        %broadcast_in_dim3A_297 = vector.broadcast %jit3A_296 : f32 to vector<16xf32>
        %select_n3A_298 = arith.select %lt3A_195, %exp3A_295, %broadcast_in_dim3A_297 : vector<16xi1>, vector<16xf32>
        tpu.vector_store_idx %arg16[%add3A_190, %broadcast_in_dim3A_282], %select_n3A_298 : memref<128x8xf32, #tpu.memory_space<vmem>>[vector<16xi32>, vector<16xi32>], vector<16xf32>,
        %broadcast_in_dim3A_299 = arith.constant 6 : i32
        %broadcast_in_dim3A_300 = vector.broadcast %broadcast_in_dim3A_299 : i32 to vector<16xi32>
        %broadcast_in_dim3A_301 = arith.constant 14 : i32
        %broadcast_in_dim3A_302 = vector.broadcast %broadcast_in_dim3A_301 : i32 to vector<16xi32>
        %gather3A_303 = tpu.vector_load_idx %arg12[%add3A_190, %broadcast_in_dim3A_300] : memref<128x16xf32, #tpu.memory_space<vmem>>[vector<16xi32>, vector<16xi32>], vector<16xf32>,
        %gather3A_304 = tpu.vector_load_idx %arg14[%add3A_190, %broadcast_in_dim3A_302] : memref<128x16xf32, #tpu.memory_space<vmem>>[vector<16xi32>, vector<16xi32>], vector<16xf32>,
        %add3A_305 = arith.addf %gather3A_303, %gather3A_304 : vector<16xf32>
        %lt3A_306 = arith.constant 0.000000e+00 : f32
        %lt3A_307 = vector.broadcast %lt3A_306 : f32 to vector<16xf32>
        %lt3A_308 = arith.cmpf olt, %add3A_305, %lt3A_307 : vector<16xf32>
        %mul3A_309 = arith.constant 2.000000e-01 : f32
        %mul3A_310 = vector.broadcast %mul3A_309 : f32 to vector<16xf32>
        %mul3A_311 = arith.mulf %add3A_305, %mul3A_310 : vector<16xf32>
        %select_n3A_312 = arith.select %lt3A_308, %mul3A_311, %add3A_305 : vector<16xi1>, vector<16xf32>
        %exp3A_313 = math.exp %select_n3A_312 : vector<16xf32>
        %jit3A_314 = arith.constant 0.000000e+00 : f32
        %broadcast_in_dim3A_315 = vector.broadcast %jit3A_314 : f32 to vector<16xf32>
        %select_n3A_316 = arith.select %lt3A_195, %exp3A_313, %broadcast_in_dim3A_315 : vector<16xi1>, vector<16xf32>
        tpu.vector_store_idx %arg16[%add3A_190, %broadcast_in_dim3A_300], %select_n3A_316 : memref<128x8xf32, #tpu.memory_space<vmem>>[vector<16xi32>, vector<16xi32>], vector<16xf32>,
        %broadcast_in_dim3A_317 = arith.constant 7 : i32
        %broadcast_in_dim3A_318 = vector.broadcast %broadcast_in_dim3A_317 : i32 to vector<16xi32>
        %broadcast_in_dim3A_319 = arith.constant 15 : i32
        %broadcast_in_dim3A_320 = vector.broadcast %broadcast_in_dim3A_319 : i32 to vector<16xi32>
        %gather3A_321 = tpu.vector_load_idx %arg12[%add3A_190, %broadcast_in_dim3A_318] : memref<128x16xf32, #tpu.memory_space<vmem>>[vector<16xi32>, vector<16xi32>], vector<16xf32>,
        %gather3A_322 = tpu.vector_load_idx %arg14[%add3A_190, %broadcast_in_dim3A_320] : memref<128x16xf32, #tpu.memory_space<vmem>>[vector<16xi32>, vector<16xi32>], vector<16xf32>,
        %add3A_323 = arith.addf %gather3A_321, %gather3A_322 : vector<16xf32>
        %lt3A_324 = arith.constant 0.000000e+00 : f32
        %lt3A_325 = vector.broadcast %lt3A_324 : f32 to vector<16xf32>
        %lt3A_326 = arith.cmpf olt, %add3A_323, %lt3A_325 : vector<16xf32>
        %mul3A_327 = arith.constant 2.000000e-01 : f32
        %mul3A_328 = vector.broadcast %mul3A_327 : f32 to vector<16xf32>
        %mul3A_329 = arith.mulf %add3A_323, %mul3A_328 : vector<16xf32>
        %select_n3A_330 = arith.select %lt3A_326, %mul3A_329, %add3A_323 : vector<16xi1>, vector<16xf32>
        %exp3A_331 = math.exp %select_n3A_330 : vector<16xf32>
        %jit3A_332 = arith.constant 0.000000e+00 : f32
        %broadcast_in_dim3A_333 = vector.broadcast %jit3A_332 : f32 to vector<16xf32>
        %select_n3A_334 = arith.select %lt3A_195, %exp3A_331, %broadcast_in_dim3A_333 : vector<16xi1>, vector<16xf32>
        tpu.vector_store_idx %arg16[%add3A_190, %broadcast_in_dim3A_318], %select_n3A_334 : memref<128x8xf32, #tpu.memory_space<vmem>>[vector<16xi32>, vector<16xi32>], vector<16xf32>,
      }
      %scan3A_126 = arith.constant 8 : i32
      "tpu.region"() ({
        %run_scoped3A = tpu.sem_alloc : memref<!tpu.dma_semaphore, #tpu.memory_space<semaphore_mem>>
        %dma_start3A_186 = arith.constant 0 : i32
        %dma_start3A_187 = arith.constant 0 : i32
        %dma_start3A_188 = tpu.memref_slice %arg18[%dma_start3A_186, %dma_start3A_187] : memref<10000x8xf32, #tpu.memory_space<vmem_shared>> -> memref<10000x8xf32, #tpu.memory_space<vmem_shared>>
        tpu.enqueue_indirect_dma source(%arg16 : memref<128x8xf32, #tpu.memory_space<vmem>>) target(%dma_start3A_188 : memref<10000x8xf32, #tpu.memory_space<vmem_shared>>) offsets(%arg10 : memref<128xi32, #tpu.memory_space<vmem>>) semaphore(%run_scoped3A : memref<!tpu.dma_semaphore, #tpu.memory_space<semaphore_mem>>) {add = true}
        %dma_wait3A_189 = arith.constant 0 : i32
        %dma_wait3A_190 = arith.constant 0 : i32
        %dma_wait3A_191 = tpu.memref_slice %arg18[%dma_wait3A_189, %dma_wait3A_190] : memref<10000x8xf32, #tpu.memory_space<vmem_shared>> -> memref<10000x8xf32, #tpu.memory_space<vmem_shared>>
        tpu.wait_indirect_dma semaphore(%run_scoped3A : memref<!tpu.dma_semaphore, #tpu.memory_space<semaphore_mem>>) src(%arg16 : memref<128x8xf32, #tpu.memory_space<vmem>>) dst(%dma_wait3A_191 : memref<10000x8xf32, #tpu.memory_space<vmem_shared>>)
        tpu.yield
      }) : () -> ()
      %mul3A_127 = arith.constant 82 : i32
      %mul3A_128 = arith.muli %add3A, %mul3A_127 : i32
      %add3A_129 = arith.addi %mul3A_128, %mul3A_79 : i32
      %mul3A_130 = arith.constant 128 : i32
      %mul3A_131 = arith.muli %add3A_129, %mul3A_130 : i32
      %dma_start3A_132 = arith.constant 0 : i32
      %dma_start3A_133 = tpu.memref_slice %arg6[%mul3A_131, %dma_start3A_132] : memref<335872x8xf32, #tpu.memory_space<hbm>> -> memref<128x8xf32, #tpu.memory_space<hbm>>
      %dma_start3A_134 = arith.constant 0 : i32
      %dma_start3A_135 = tpu.memref_slice %arg6[%mul3A_131, %dma_start3A_134] : memref<335872x8xf32, #tpu.memory_space<hbm>> -> memref<128x8xf32, #tpu.memory_space<hbm>>
      tpu.enqueue_dma source(%arg16 : memref<128x8xf32, #tpu.memory_space<vmem>>) target(%dma_start3A_135 : memref<128x8xf32, #tpu.memory_space<hbm>>) target_semaphore(%arg23 : memref<!tpu.dma_semaphore, #tpu.memory_space<semaphore_mem>>)
      %convert_element_type3A_136 = arith.extui %lt3A_77 : i1 to i32
      %cond3A_137 = arith.constant 0 : i32
      %cond3A_138 = arith.cmpi ne, %convert_element_type3A_136, %cond3A_137 : i32
      scf.if %cond3A_138 {
        %add3A_186 = arith.constant 2 : i32
        %add3A_187 = arith.addi %mul3A_79, %add3A_186 : i32
        %mul3A_188 = arith.constant 82 : i32
        %mul3A_189 = arith.muli %add3A, %mul3A_188 : i32
        %add3A_190 = arith.addi %mul3A_189, %add3A_187 : i32
        %dma_start3A_191 = arith.constant 0 : i32
        %dma_start3A_192 = tpu.memref_slice %arg3[%add3A_190, %dma_start3A_191] : memref<2624x128xi32, #tpu.memory_space<hbm>> -> memref<1x128xi32, #tpu.memory_space<hbm>>
        %dma_start3A_193 = tpu.memref_squeeze %dma_start3A_192 : memref<1x128xi32, #tpu.memory_space<hbm>> -> memref<128xi32, #tpu.memory_space<hbm>>
        %dma_start3A_194 = arith.constant 0 : i32
        %dma_start3A_195 = tpu.memref_slice %arg3[%add3A_190, %dma_start3A_194] : memref<2624x128xi32, #tpu.memory_space<hbm>> -> memref<1x128xi32, #tpu.memory_space<hbm>>
        %dma_start3A_196 = tpu.memref_squeeze %dma_start3A_195 : memref<1x128xi32, #tpu.memory_space<hbm>> -> memref<128xi32, #tpu.memory_space<hbm>>
        tpu.enqueue_dma source(%dma_start3A_196 : memref<128xi32, #tpu.memory_space<hbm>>) target(%arg8 : memref<128xi32, #tpu.memory_space<vmem>>) target_semaphore(%arg19 : memref<!tpu.dma_semaphore, #tpu.memory_space<semaphore_mem>>)
        %dma_start3A_197 = arith.constant 0 : i32
        %dma_start3A_198 = tpu.memref_slice %arg4[%add3A_190, %dma_start3A_197] : memref<2624x128xi32, #tpu.memory_space<hbm>> -> memref<1x128xi32, #tpu.memory_space<hbm>>
        %dma_start3A_199 = tpu.memref_squeeze %dma_start3A_198 : memref<1x128xi32, #tpu.memory_space<hbm>> -> memref<128xi32, #tpu.memory_space<hbm>>
        %dma_start3A_200 = arith.constant 0 : i32
        %dma_start3A_201 = tpu.memref_slice %arg4[%add3A_190, %dma_start3A_200] : memref<2624x128xi32, #tpu.memory_space<hbm>> -> memref<1x128xi32, #tpu.memory_space<hbm>>
        %dma_start3A_202 = tpu.memref_squeeze %dma_start3A_201 : memref<1x128xi32, #tpu.memory_space<hbm>> -> memref<128xi32, #tpu.memory_space<hbm>>
        tpu.enqueue_dma source(%dma_start3A_202 : memref<128xi32, #tpu.memory_space<hbm>>) target(%arg10 : memref<128xi32, #tpu.memory_space<vmem>>) target_semaphore(%arg19 : memref<!tpu.dma_semaphore, #tpu.memory_space<semaphore_mem>>)
      } else {
      }
      %mul3A_139 = arith.constant 2 : i32
      %mul3A_140 = arith.muli %mul3A_139, %scan3A_76 : i32
      %add3A_141 = arith.constant 1 : i32
      %add3A_142 = arith.addi %mul3A_140, %add3A_141 : i32
      %gt3A_143 = arith.constant 0 : i32
      %gt3A_144 = arith.cmpi sgt, %scan3A_76, %gt3A_143 : i32
      %convert_element_type3A_145 = arith.extui %lt3A_77 : i1 to i32
      %cond3A_146 = arith.constant 0 : i32
      %cond3A_147 = arith.cmpi ne, %convert_element_type3A_145, %cond3A_146 : i32
      scf.if %cond3A_147 {
        %dma_wait3A_186 = arith.constant 0 : i32
        %dma_wait3A_187 = arith.constant 0 : i32
        %dma_wait3A_188 = tpu.memref_slice %arg3[%dma_wait3A_186, %dma_wait3A_187] : memref<2624x128xi32, #tpu.memory_space<hbm>> -> memref<1x128xi32, #tpu.memory_space<hbm>>
        %dma_wait3A_189 = tpu.memref_squeeze %dma_wait3A_188 : memref<1x128xi32, #tpu.memory_space<hbm>> -> memref<128xi32, #tpu.memory_space<hbm>>
        %dma_wait3A_190 = arith.constant 0 : i32
        %dma_wait3A_191 = tpu.memref_slice %arg3[%dma_wait3A_186, %dma_wait3A_190] : memref<2624x128xi32, #tpu.memory_space<hbm>> -> memref<1x128xi32, #tpu.memory_space<hbm>>
        %dma_wait3A_192 = tpu.memref_squeeze %dma_wait3A_191 : memref<1x128xi32, #tpu.memory_space<hbm>> -> memref<128xi32, #tpu.memory_space<hbm>>
        tpu.wait_dma2 semaphore(%arg19 : memref<!tpu.dma_semaphore, #tpu.memory_space<semaphore_mem>>) src(%dma_wait3A_192 : memref<128xi32, #tpu.memory_space<hbm>>) dst(%arg8 : memref<128xi32, #tpu.memory_space<vmem>>)
        %dma_wait3A_193 = arith.constant 0 : i32
        %dma_wait3A_194 = arith.constant 0 : i32
        %dma_wait3A_195 = tpu.memref_slice %arg4[%dma_wait3A_193, %dma_wait3A_194] : memref<2624x128xi32, #tpu.memory_space<hbm>> -> memref<1x128xi32, #tpu.memory_space<hbm>>
        %dma_wait3A_196 = tpu.memref_squeeze %dma_wait3A_195 : memref<1x128xi32, #tpu.memory_space<hbm>> -> memref<128xi32, #tpu.memory_space<hbm>>
        %dma_wait3A_197 = arith.constant 0 : i32
        %dma_wait3A_198 = tpu.memref_slice %arg4[%dma_wait3A_193, %dma_wait3A_197] : memref<2624x128xi32, #tpu.memory_space<hbm>> -> memref<1x128xi32, #tpu.memory_space<hbm>>
        %dma_wait3A_199 = tpu.memref_squeeze %dma_wait3A_198 : memref<1x128xi32, #tpu.memory_space<hbm>> -> memref<128xi32, #tpu.memory_space<hbm>>
        tpu.wait_dma2 semaphore(%arg19 : memref<!tpu.dma_semaphore, #tpu.memory_space<semaphore_mem>>) src(%dma_wait3A_199 : memref<128xi32, #tpu.memory_space<hbm>>) dst(%arg10 : memref<128xi32, #tpu.memory_space<vmem>>)
        %dma_start3A_200 = arith.constant 0 : i32
        %dma_start3A_201 = arith.constant 0 : i32
        %dma_start3A_202 = tpu.memref_slice %arg2[%dma_start3A_200, %dma_start3A_201] : memref<10000x16xf32, #tpu.memory_space<hbm>> -> memref<10000x16xf32, #tpu.memory_space<hbm>>
        tpu.enqueue_indirect_dma source(%dma_start3A_202 : memref<10000x16xf32, #tpu.memory_space<hbm>>) target(%arg12 : memref<128x16xf32, #tpu.memory_space<vmem>>) offsets(%arg8 : memref<128xi32, #tpu.memory_space<vmem>>) semaphore(%arg21 : memref<!tpu.dma_semaphore, #tpu.memory_space<semaphore_mem>>)
        %dma_start3A_203 = arith.constant 0 : i32
        %dma_start3A_204 = arith.constant 0 : i32
        %dma_start3A_205 = tpu.memref_slice %arg2[%dma_start3A_203, %dma_start3A_204] : memref<10000x16xf32, #tpu.memory_space<hbm>> -> memref<10000x16xf32, #tpu.memory_space<hbm>>
        tpu.enqueue_indirect_dma source(%dma_start3A_205 : memref<10000x16xf32, #tpu.memory_space<hbm>>) target(%arg14 : memref<128x16xf32, #tpu.memory_space<vmem>>) offsets(%arg10 : memref<128xi32, #tpu.memory_space<vmem>>) semaphore(%arg21 : memref<!tpu.dma_semaphore, #tpu.memory_space<semaphore_mem>>)
      } else {
      }
      %dma_wait3A_148 = arith.constant 0 : i32
      %dma_wait3A_149 = arith.constant 0 : i32
      %dma_wait3A_150 = tpu.memref_slice %arg2[%dma_wait3A_148, %dma_wait3A_149] : memref<10000x16xf32, #tpu.memory_space<hbm>> -> memref<128x16xf32, #tpu.memory_space<hbm>>
      %dma_wait3A_151 = arith.constant 0 : i32
      %dma_wait3A_152 = arith.constant 0 : i32
      %dma_wait3A_153 = tpu.memref_slice %arg2[%dma_wait3A_151, %dma_wait3A_152] : memref<10000x16xf32, #tpu.memory_space<hbm>> -> memref<128x16xf32, #tpu.memory_space<hbm>>
      tpu.wait_dma2 semaphore(%arg22 : memref<!tpu.dma_semaphore, #tpu.memory_space<semaphore_mem>>) src(%dma_wait3A_153 : memref<128x16xf32, #tpu.memory_space<hbm>>) dst(%arg13 : memref<128x16xf32, #tpu.memory_space<vmem>>)
      %dma_wait3A_154 = arith.constant 0 : i32
      %dma_wait3A_155 = arith.constant 0 : i32
      %dma_wait3A_156 = tpu.memref_slice %arg2[%dma_wait3A_154, %dma_wait3A_155] : memref<10000x16xf32, #tpu.memory_space<hbm>> -> memref<128x16xf32, #tpu.memory_space<hbm>>
      %dma_wait3A_157 = arith.constant 0 : i32
      %dma_wait3A_158 = arith.constant 0 : i32
      %dma_wait3A_159 = tpu.memref_slice %arg2[%dma_wait3A_157, %dma_wait3A_158] : memref<10000x16xf32, #tpu.memory_space<hbm>> -> memref<128x16xf32, #tpu.memory_space<hbm>>
      tpu.wait_dma2 semaphore(%arg22 : memref<!tpu.dma_semaphore, #tpu.memory_space<semaphore_mem>>) src(%dma_wait3A_159 : memref<128x16xf32, #tpu.memory_space<hbm>>) dst(%arg15 : memref<128x16xf32, #tpu.memory_space<vmem>>)
      %convert_element_type3A_160 = arith.extui %gt3A_144 : i1 to i32
      %cond3A_161 = arith.constant 0 : i32
      %cond3A_162 = arith.cmpi ne, %convert_element_type3A_160, %cond3A_161 : i32
      scf.if %cond3A_162 {
        %dma_wait3A_186 = arith.constant 0 : i32
        %dma_wait3A_187 = arith.constant 0 : i32
        %dma_wait3A_188 = tpu.memref_slice %arg6[%dma_wait3A_186, %dma_wait3A_187] : memref<335872x8xf32, #tpu.memory_space<hbm>> -> memref<128x8xf32, #tpu.memory_space<hbm>>
        %dma_wait3A_189 = arith.constant 0 : i32
        %dma_wait3A_190 = arith.constant 0 : i32
        %dma_wait3A_191 = tpu.memref_slice %arg6[%dma_wait3A_189, %dma_wait3A_190] : memref<335872x8xf32, #tpu.memory_space<hbm>> -> memref<128x8xf32, #tpu.memory_space<hbm>>
        tpu.wait_dma2 semaphore(%arg24 : memref<!tpu.dma_semaphore, #tpu.memory_space<semaphore_mem>>) src(%arg17 : memref<128x8xf32, #tpu.memory_space<vmem>>) dst(%dma_wait3A_191 : memref<128x8xf32, #tpu.memory_space<hbm>>)
      } else {
      }
      %mul3A_163 = arith.constant 82 : i32
      %mul3A_164 = arith.muli %add3A, %mul3A_163 : i32
      %add3A_165 = arith.addi %mul3A_164, %add3A_142 : i32
      %mul3A_166 = arith.constant 128 : i32
      %mul3A_167 = arith.muli %add3A_165, %mul3A_166 : i32
      %scan3A_168 = arith.constant 0 : i32
      %scan3A_169 = arith.constant 0 : i32
      %scan3A_170 = arith.constant 8 : i32
      %scan3A_171 = arith.addi %scan3A_169, %scan3A_170 : i32
      %scan3A_172 = arith.constant 1 : i32
      scf.for %scan3A_186 = %scan3A_169 to %scan3A_171 step %scan3A_172  : i32 {
        %mul3A_187 = arith.constant 16 : i32
        %mul3A_188 = arith.muli %scan3A_186, %mul3A_187 : i32
        %add3A_189 = vector.broadcast %mul3A_188 : i32 to vector<16xi32>
        %add3A_190 = arith.addi %add3A_189, %iota3A : vector<16xi32>
        %add3A_191 = vector.broadcast %mul3A_167 : i32 to vector<16xi32>
        %add3A_192 = arith.addi %add3A_191, %add3A_190 : vector<16xi32>
        %lt3A_193 = arith.constant 330000 : i32
        %lt3A_194 = vector.broadcast %lt3A_193 : i32 to vector<16xi32>
        %lt3A_195 = arith.cmpi slt, %add3A_192, %lt3A_194 : vector<16xi32>
        %broadcast_in_dim3A = arith.constant 0 : i32
        %broadcast_in_dim3A_196 = vector.broadcast %broadcast_in_dim3A : i32 to vector<16xi32>
        %broadcast_in_dim3A_197 = arith.constant 8 : i32
        %broadcast_in_dim3A_198 = vector.broadcast %broadcast_in_dim3A_197 : i32 to vector<16xi32>
        %gather3A = tpu.vector_load_idx %arg13[%add3A_190, %broadcast_in_dim3A_196] : memref<128x16xf32, #tpu.memory_space<vmem>>[vector<16xi32>, vector<16xi32>], vector<16xf32>,
        %gather3A_199 = tpu.vector_load_idx %arg15[%add3A_190, %broadcast_in_dim3A_198] : memref<128x16xf32, #tpu.memory_space<vmem>>[vector<16xi32>, vector<16xi32>], vector<16xf32>,
        %add3A_200 = arith.addf %gather3A, %gather3A_199 : vector<16xf32>
        %lt3A_201 = arith.constant 0.000000e+00 : f32
        %lt3A_202 = vector.broadcast %lt3A_201 : f32 to vector<16xf32>
        %lt3A_203 = arith.cmpf olt, %add3A_200, %lt3A_202 : vector<16xf32>
        %mul3A_204 = arith.constant 2.000000e-01 : f32
        %mul3A_205 = vector.broadcast %mul3A_204 : f32 to vector<16xf32>
        %mul3A_206 = arith.mulf %add3A_200, %mul3A_205 : vector<16xf32>
        %select_n3A = arith.select %lt3A_203, %mul3A_206, %add3A_200 : vector<16xi1>, vector<16xf32>
        %exp3A = math.exp %select_n3A : vector<16xf32>
        %jit3A = arith.constant 0.000000e+00 : f32
        %broadcast_in_dim3A_207 = vector.broadcast %jit3A : f32 to vector<16xf32>
        %select_n3A_208 = arith.select %lt3A_195, %exp3A, %broadcast_in_dim3A_207 : vector<16xi1>, vector<16xf32>
        tpu.vector_store_idx %arg17[%add3A_190, %broadcast_in_dim3A_196], %select_n3A_208 : memref<128x8xf32, #tpu.memory_space<vmem>>[vector<16xi32>, vector<16xi32>], vector<16xf32>,
        %broadcast_in_dim3A_209 = arith.constant 1 : i32
        %broadcast_in_dim3A_210 = vector.broadcast %broadcast_in_dim3A_209 : i32 to vector<16xi32>
        %broadcast_in_dim3A_211 = arith.constant 9 : i32
        %broadcast_in_dim3A_212 = vector.broadcast %broadcast_in_dim3A_211 : i32 to vector<16xi32>
        %gather3A_213 = tpu.vector_load_idx %arg13[%add3A_190, %broadcast_in_dim3A_210] : memref<128x16xf32, #tpu.memory_space<vmem>>[vector<16xi32>, vector<16xi32>], vector<16xf32>,
        %gather3A_214 = tpu.vector_load_idx %arg15[%add3A_190, %broadcast_in_dim3A_212] : memref<128x16xf32, #tpu.memory_space<vmem>>[vector<16xi32>, vector<16xi32>], vector<16xf32>,
        %add3A_215 = arith.addf %gather3A_213, %gather3A_214 : vector<16xf32>
        %lt3A_216 = arith.constant 0.000000e+00 : f32
        %lt3A_217 = vector.broadcast %lt3A_216 : f32 to vector<16xf32>
        %lt3A_218 = arith.cmpf olt, %add3A_215, %lt3A_217 : vector<16xf32>
        %mul3A_219 = arith.constant 2.000000e-01 : f32
        %mul3A_220 = vector.broadcast %mul3A_219 : f32 to vector<16xf32>
        %mul3A_221 = arith.mulf %add3A_215, %mul3A_220 : vector<16xf32>
        %select_n3A_222 = arith.select %lt3A_218, %mul3A_221, %add3A_215 : vector<16xi1>, vector<16xf32>
        %exp3A_223 = math.exp %select_n3A_222 : vector<16xf32>
        %jit3A_224 = arith.constant 0.000000e+00 : f32
        %broadcast_in_dim3A_225 = vector.broadcast %jit3A_224 : f32 to vector<16xf32>
        %select_n3A_226 = arith.select %lt3A_195, %exp3A_223, %broadcast_in_dim3A_225 : vector<16xi1>, vector<16xf32>
        tpu.vector_store_idx %arg17[%add3A_190, %broadcast_in_dim3A_210], %select_n3A_226 : memref<128x8xf32, #tpu.memory_space<vmem>>[vector<16xi32>, vector<16xi32>], vector<16xf32>,
        %broadcast_in_dim3A_227 = arith.constant 2 : i32
        %broadcast_in_dim3A_228 = vector.broadcast %broadcast_in_dim3A_227 : i32 to vector<16xi32>
        %broadcast_in_dim3A_229 = arith.constant 10 : i32
        %broadcast_in_dim3A_230 = vector.broadcast %broadcast_in_dim3A_229 : i32 to vector<16xi32>
        %gather3A_231 = tpu.vector_load_idx %arg13[%add3A_190, %broadcast_in_dim3A_228] : memref<128x16xf32, #tpu.memory_space<vmem>>[vector<16xi32>, vector<16xi32>], vector<16xf32>,
        %gather3A_232 = tpu.vector_load_idx %arg15[%add3A_190, %broadcast_in_dim3A_230] : memref<128x16xf32, #tpu.memory_space<vmem>>[vector<16xi32>, vector<16xi32>], vector<16xf32>,
        %add3A_233 = arith.addf %gather3A_231, %gather3A_232 : vector<16xf32>
        %lt3A_234 = arith.constant 0.000000e+00 : f32
        %lt3A_235 = vector.broadcast %lt3A_234 : f32 to vector<16xf32>
        %lt3A_236 = arith.cmpf olt, %add3A_233, %lt3A_235 : vector<16xf32>
        %mul3A_237 = arith.constant 2.000000e-01 : f32
        %mul3A_238 = vector.broadcast %mul3A_237 : f32 to vector<16xf32>
        %mul3A_239 = arith.mulf %add3A_233, %mul3A_238 : vector<16xf32>
        %select_n3A_240 = arith.select %lt3A_236, %mul3A_239, %add3A_233 : vector<16xi1>, vector<16xf32>
        %exp3A_241 = math.exp %select_n3A_240 : vector<16xf32>
        %jit3A_242 = arith.constant 0.000000e+00 : f32
        %broadcast_in_dim3A_243 = vector.broadcast %jit3A_242 : f32 to vector<16xf32>
        %select_n3A_244 = arith.select %lt3A_195, %exp3A_241, %broadcast_in_dim3A_243 : vector<16xi1>, vector<16xf32>
        tpu.vector_store_idx %arg17[%add3A_190, %broadcast_in_dim3A_228], %select_n3A_244 : memref<128x8xf32, #tpu.memory_space<vmem>>[vector<16xi32>, vector<16xi32>], vector<16xf32>,
        %broadcast_in_dim3A_245 = arith.constant 3 : i32
        %broadcast_in_dim3A_246 = vector.broadcast %broadcast_in_dim3A_245 : i32 to vector<16xi32>
        %broadcast_in_dim3A_247 = arith.constant 11 : i32
        %broadcast_in_dim3A_248 = vector.broadcast %broadcast_in_dim3A_247 : i32 to vector<16xi32>
        %gather3A_249 = tpu.vector_load_idx %arg13[%add3A_190, %broadcast_in_dim3A_246] : memref<128x16xf32, #tpu.memory_space<vmem>>[vector<16xi32>, vector<16xi32>], vector<16xf32>,
        %gather3A_250 = tpu.vector_load_idx %arg15[%add3A_190, %broadcast_in_dim3A_248] : memref<128x16xf32, #tpu.memory_space<vmem>>[vector<16xi32>, vector<16xi32>], vector<16xf32>,
        %add3A_251 = arith.addf %gather3A_249, %gather3A_250 : vector<16xf32>
        %lt3A_252 = arith.constant 0.000000e+00 : f32
        %lt3A_253 = vector.broadcast %lt3A_252 : f32 to vector<16xf32>
        %lt3A_254 = arith.cmpf olt, %add3A_251, %lt3A_253 : vector<16xf32>
        %mul3A_255 = arith.constant 2.000000e-01 : f32
        %mul3A_256 = vector.broadcast %mul3A_255 : f32 to vector<16xf32>
        %mul3A_257 = arith.mulf %add3A_251, %mul3A_256 : vector<16xf32>
        %select_n3A_258 = arith.select %lt3A_254, %mul3A_257, %add3A_251 : vector<16xi1>, vector<16xf32>
        %exp3A_259 = math.exp %select_n3A_258 : vector<16xf32>
        %jit3A_260 = arith.constant 0.000000e+00 : f32
        %broadcast_in_dim3A_261 = vector.broadcast %jit3A_260 : f32 to vector<16xf32>
        %select_n3A_262 = arith.select %lt3A_195, %exp3A_259, %broadcast_in_dim3A_261 : vector<16xi1>, vector<16xf32>
        tpu.vector_store_idx %arg17[%add3A_190, %broadcast_in_dim3A_246], %select_n3A_262 : memref<128x8xf32, #tpu.memory_space<vmem>>[vector<16xi32>, vector<16xi32>], vector<16xf32>,
        %broadcast_in_dim3A_263 = arith.constant 4 : i32
        %broadcast_in_dim3A_264 = vector.broadcast %broadcast_in_dim3A_263 : i32 to vector<16xi32>
        %broadcast_in_dim3A_265 = arith.constant 12 : i32
        %broadcast_in_dim3A_266 = vector.broadcast %broadcast_in_dim3A_265 : i32 to vector<16xi32>
        %gather3A_267 = tpu.vector_load_idx %arg13[%add3A_190, %broadcast_in_dim3A_264] : memref<128x16xf32, #tpu.memory_space<vmem>>[vector<16xi32>, vector<16xi32>], vector<16xf32>,
        %gather3A_268 = tpu.vector_load_idx %arg15[%add3A_190, %broadcast_in_dim3A_266] : memref<128x16xf32, #tpu.memory_space<vmem>>[vector<16xi32>, vector<16xi32>], vector<16xf32>,
        %add3A_269 = arith.addf %gather3A_267, %gather3A_268 : vector<16xf32>
        %lt3A_270 = arith.constant 0.000000e+00 : f32
        %lt3A_271 = vector.broadcast %lt3A_270 : f32 to vector<16xf32>
        %lt3A_272 = arith.cmpf olt, %add3A_269, %lt3A_271 : vector<16xf32>
        %mul3A_273 = arith.constant 2.000000e-01 : f32
        %mul3A_274 = vector.broadcast %mul3A_273 : f32 to vector<16xf32>
        %mul3A_275 = arith.mulf %add3A_269, %mul3A_274 : vector<16xf32>
        %select_n3A_276 = arith.select %lt3A_272, %mul3A_275, %add3A_269 : vector<16xi1>, vector<16xf32>
        %exp3A_277 = math.exp %select_n3A_276 : vector<16xf32>
        %jit3A_278 = arith.constant 0.000000e+00 : f32
        %broadcast_in_dim3A_279 = vector.broadcast %jit3A_278 : f32 to vector<16xf32>
        %select_n3A_280 = arith.select %lt3A_195, %exp3A_277, %broadcast_in_dim3A_279 : vector<16xi1>, vector<16xf32>
        tpu.vector_store_idx %arg17[%add3A_190, %broadcast_in_dim3A_264], %select_n3A_280 : memref<128x8xf32, #tpu.memory_space<vmem>>[vector<16xi32>, vector<16xi32>], vector<16xf32>,
        %broadcast_in_dim3A_281 = arith.constant 5 : i32
        %broadcast_in_dim3A_282 = vector.broadcast %broadcast_in_dim3A_281 : i32 to vector<16xi32>
        %broadcast_in_dim3A_283 = arith.constant 13 : i32
        %broadcast_in_dim3A_284 = vector.broadcast %broadcast_in_dim3A_283 : i32 to vector<16xi32>
        %gather3A_285 = tpu.vector_load_idx %arg13[%add3A_190, %broadcast_in_dim3A_282] : memref<128x16xf32, #tpu.memory_space<vmem>>[vector<16xi32>, vector<16xi32>], vector<16xf32>,
        %gather3A_286 = tpu.vector_load_idx %arg15[%add3A_190, %broadcast_in_dim3A_284] : memref<128x16xf32, #tpu.memory_space<vmem>>[vector<16xi32>, vector<16xi32>], vector<16xf32>,
        %add3A_287 = arith.addf %gather3A_285, %gather3A_286 : vector<16xf32>
        %lt3A_288 = arith.constant 0.000000e+00 : f32
        %lt3A_289 = vector.broadcast %lt3A_288 : f32 to vector<16xf32>
        %lt3A_290 = arith.cmpf olt, %add3A_287, %lt3A_289 : vector<16xf32>
        %mul3A_291 = arith.constant 2.000000e-01 : f32
        %mul3A_292 = vector.broadcast %mul3A_291 : f32 to vector<16xf32>
        %mul3A_293 = arith.mulf %add3A_287, %mul3A_292 : vector<16xf32>
        %select_n3A_294 = arith.select %lt3A_290, %mul3A_293, %add3A_287 : vector<16xi1>, vector<16xf32>
        %exp3A_295 = math.exp %select_n3A_294 : vector<16xf32>
        %jit3A_296 = arith.constant 0.000000e+00 : f32
        %broadcast_in_dim3A_297 = vector.broadcast %jit3A_296 : f32 to vector<16xf32>
        %select_n3A_298 = arith.select %lt3A_195, %exp3A_295, %broadcast_in_dim3A_297 : vector<16xi1>, vector<16xf32>
        tpu.vector_store_idx %arg17[%add3A_190, %broadcast_in_dim3A_282], %select_n3A_298 : memref<128x8xf32, #tpu.memory_space<vmem>>[vector<16xi32>, vector<16xi32>], vector<16xf32>,
        %broadcast_in_dim3A_299 = arith.constant 6 : i32
        %broadcast_in_dim3A_300 = vector.broadcast %broadcast_in_dim3A_299 : i32 to vector<16xi32>
        %broadcast_in_dim3A_301 = arith.constant 14 : i32
        %broadcast_in_dim3A_302 = vector.broadcast %broadcast_in_dim3A_301 : i32 to vector<16xi32>
        %gather3A_303 = tpu.vector_load_idx %arg13[%add3A_190, %broadcast_in_dim3A_300] : memref<128x16xf32, #tpu.memory_space<vmem>>[vector<16xi32>, vector<16xi32>], vector<16xf32>,
        %gather3A_304 = tpu.vector_load_idx %arg15[%add3A_190, %broadcast_in_dim3A_302] : memref<128x16xf32, #tpu.memory_space<vmem>>[vector<16xi32>, vector<16xi32>], vector<16xf32>,
        %add3A_305 = arith.addf %gather3A_303, %gather3A_304 : vector<16xf32>
        %lt3A_306 = arith.constant 0.000000e+00 : f32
        %lt3A_307 = vector.broadcast %lt3A_306 : f32 to vector<16xf32>
        %lt3A_308 = arith.cmpf olt, %add3A_305, %lt3A_307 : vector<16xf32>
        %mul3A_309 = arith.constant 2.000000e-01 : f32
        %mul3A_310 = vector.broadcast %mul3A_309 : f32 to vector<16xf32>
        %mul3A_311 = arith.mulf %add3A_305, %mul3A_310 : vector<16xf32>
        %select_n3A_312 = arith.select %lt3A_308, %mul3A_311, %add3A_305 : vector<16xi1>, vector<16xf32>
        %exp3A_313 = math.exp %select_n3A_312 : vector<16xf32>
        %jit3A_314 = arith.constant 0.000000e+00 : f32
        %broadcast_in_dim3A_315 = vector.broadcast %jit3A_314 : f32 to vector<16xf32>
        %select_n3A_316 = arith.select %lt3A_195, %exp3A_313, %broadcast_in_dim3A_315 : vector<16xi1>, vector<16xf32>
        tpu.vector_store_idx %arg17[%add3A_190, %broadcast_in_dim3A_300], %select_n3A_316 : memref<128x8xf32, #tpu.memory_space<vmem>>[vector<16xi32>, vector<16xi32>], vector<16xf32>,
        %broadcast_in_dim3A_317 = arith.constant 7 : i32
        %broadcast_in_dim3A_318 = vector.broadcast %broadcast_in_dim3A_317 : i32 to vector<16xi32>
        %broadcast_in_dim3A_319 = arith.constant 15 : i32
        %broadcast_in_dim3A_320 = vector.broadcast %broadcast_in_dim3A_319 : i32 to vector<16xi32>
        %gather3A_321 = tpu.vector_load_idx %arg13[%add3A_190, %broadcast_in_dim3A_318] : memref<128x16xf32, #tpu.memory_space<vmem>>[vector<16xi32>, vector<16xi32>], vector<16xf32>,
        %gather3A_322 = tpu.vector_load_idx %arg15[%add3A_190, %broadcast_in_dim3A_320] : memref<128x16xf32, #tpu.memory_space<vmem>>[vector<16xi32>, vector<16xi32>], vector<16xf32>,
        %add3A_323 = arith.addf %gather3A_321, %gather3A_322 : vector<16xf32>
        %lt3A_324 = arith.constant 0.000000e+00 : f32
        %lt3A_325 = vector.broadcast %lt3A_324 : f32 to vector<16xf32>
        %lt3A_326 = arith.cmpf olt, %add3A_323, %lt3A_325 : vector<16xf32>
        %mul3A_327 = arith.constant 2.000000e-01 : f32
        %mul3A_328 = vector.broadcast %mul3A_327 : f32 to vector<16xf32>
        %mul3A_329 = arith.mulf %add3A_323, %mul3A_328 : vector<16xf32>
        %select_n3A_330 = arith.select %lt3A_326, %mul3A_329, %add3A_323 : vector<16xi1>, vector<16xf32>
        %exp3A_331 = math.exp %select_n3A_330 : vector<16xf32>
        %jit3A_332 = arith.constant 0.000000e+00 : f32
        %broadcast_in_dim3A_333 = vector.broadcast %jit3A_332 : f32 to vector<16xf32>
        %select_n3A_334 = arith.select %lt3A_195, %exp3A_331, %broadcast_in_dim3A_333 : vector<16xi1>, vector<16xf32>
        tpu.vector_store_idx %arg17[%add3A_190, %broadcast_in_dim3A_318], %select_n3A_334 : memref<128x8xf32, #tpu.memory_space<vmem>>[vector<16xi32>, vector<16xi32>], vector<16xf32>,
      }
      %scan3A_173 = arith.constant 8 : i32
      "tpu.region"() ({
        %run_scoped3A = tpu.sem_alloc : memref<!tpu.dma_semaphore, #tpu.memory_space<semaphore_mem>>
        %dma_start3A_186 = arith.constant 0 : i32
        %dma_start3A_187 = arith.constant 0 : i32
        %dma_start3A_188 = tpu.memref_slice %arg18[%dma_start3A_186, %dma_start3A_187] : memref<10000x8xf32, #tpu.memory_space<vmem_shared>> -> memref<10000x8xf32, #tpu.memory_space<vmem_shared>>
        tpu.enqueue_indirect_dma source(%arg17 : memref<128x8xf32, #tpu.memory_space<vmem>>) target(%dma_start3A_188 : memref<10000x8xf32, #tpu.memory_space<vmem_shared>>) offsets(%arg11 : memref<128xi32, #tpu.memory_space<vmem>>) semaphore(%run_scoped3A : memref<!tpu.dma_semaphore, #tpu.memory_space<semaphore_mem>>) {add = true}
        %dma_wait3A_189 = arith.constant 0 : i32
        %dma_wait3A_190 = arith.constant 0 : i32
        %dma_wait3A_191 = tpu.memref_slice %arg18[%dma_wait3A_189, %dma_wait3A_190] : memref<10000x8xf32, #tpu.memory_space<vmem_shared>> -> memref<10000x8xf32, #tpu.memory_space<vmem_shared>>
        tpu.wait_indirect_dma semaphore(%run_scoped3A : memref<!tpu.dma_semaphore, #tpu.memory_space<semaphore_mem>>) src(%arg17 : memref<128x8xf32, #tpu.memory_space<vmem>>) dst(%dma_wait3A_191 : memref<10000x8xf32, #tpu.memory_space<vmem_shared>>)
        tpu.yield
      }) : () -> ()
      %mul3A_174 = arith.constant 82 : i32
      %mul3A_175 = arith.muli %add3A, %mul3A_174 : i32
      %add3A_176 = arith.addi %mul3A_175, %add3A_142 : i32
      %mul3A_177 = arith.constant 128 : i32
      %mul3A_178 = arith.muli %add3A_176, %mul3A_177 : i32
      %dma_start3A_179 = arith.constant 0 : i32
      %dma_start3A_180 = tpu.memref_slice %arg6[%mul3A_178, %dma_start3A_179] : memref<335872x8xf32, #tpu.memory_space<hbm>> -> memref<128x8xf32, #tpu.memory_space<hbm>>
      %dma_start3A_181 = arith.constant 0 : i32
      %dma_start3A_182 = tpu.memref_slice %arg6[%mul3A_178, %dma_start3A_181] : memref<335872x8xf32, #tpu.memory_space<hbm>> -> memref<128x8xf32, #tpu.memory_space<hbm>>
      tpu.enqueue_dma source(%arg17 : memref<128x8xf32, #tpu.memory_space<vmem>>) target(%dma_start3A_182 : memref<128x8xf32, #tpu.memory_space<hbm>>) target_semaphore(%arg24 : memref<!tpu.dma_semaphore, #tpu.memory_space<semaphore_mem>>)
      %convert_element_type3A_183 = arith.extui %lt3A_77 : i1 to i32
      %cond3A_184 = arith.constant 0 : i32
      %cond3A_185 = arith.cmpi ne, %convert_element_type3A_183, %cond3A_184 : i32
      scf.if %cond3A_185 {
        %add3A_186 = arith.constant 2 : i32
        %add3A_187 = arith.addi %add3A_142, %add3A_186 : i32
        %mul3A_188 = arith.constant 82 : i32
        %mul3A_189 = arith.muli %add3A, %mul3A_188 : i32
        %add3A_190 = arith.addi %mul3A_189, %add3A_187 : i32
        %dma_start3A_191 = arith.constant 0 : i32
        %dma_start3A_192 = tpu.memref_slice %arg3[%add3A_190, %dma_start3A_191] : memref<2624x128xi32, #tpu.memory_space<hbm>> -> memref<1x128xi32, #tpu.memory_space<hbm>>
        %dma_start3A_193 = tpu.memref_squeeze %dma_start3A_192 : memref<1x128xi32, #tpu.memory_space<hbm>> -> memref<128xi32, #tpu.memory_space<hbm>>
        %dma_start3A_194 = arith.constant 0 : i32
        %dma_start3A_195 = tpu.memref_slice %arg3[%add3A_190, %dma_start3A_194] : memref<2624x128xi32, #tpu.memory_space<hbm>> -> memref<1x128xi32, #tpu.memory_space<hbm>>
        %dma_start3A_196 = tpu.memref_squeeze %dma_start3A_195 : memref<1x128xi32, #tpu.memory_space<hbm>> -> memref<128xi32, #tpu.memory_space<hbm>>
        tpu.enqueue_dma source(%dma_start3A_196 : memref<128xi32, #tpu.memory_space<hbm>>) target(%arg9 : memref<128xi32, #tpu.memory_space<vmem>>) target_semaphore(%arg20 : memref<!tpu.dma_semaphore, #tpu.memory_space<semaphore_mem>>)
        %dma_start3A_197 = arith.constant 0 : i32
        %dma_start3A_198 = tpu.memref_slice %arg4[%add3A_190, %dma_start3A_197] : memref<2624x128xi32, #tpu.memory_space<hbm>> -> memref<1x128xi32, #tpu.memory_space<hbm>>
        %dma_start3A_199 = tpu.memref_squeeze %dma_start3A_198 : memref<1x128xi32, #tpu.memory_space<hbm>> -> memref<128xi32, #tpu.memory_space<hbm>>
        %dma_start3A_200 = arith.constant 0 : i32
        %dma_start3A_201 = tpu.memref_slice %arg4[%add3A_190, %dma_start3A_200] : memref<2624x128xi32, #tpu.memory_space<hbm>> -> memref<1x128xi32, #tpu.memory_space<hbm>>
        %dma_start3A_202 = tpu.memref_squeeze %dma_start3A_201 : memref<1x128xi32, #tpu.memory_space<hbm>> -> memref<128xi32, #tpu.memory_space<hbm>>
        tpu.enqueue_dma source(%dma_start3A_202 : memref<128xi32, #tpu.memory_space<hbm>>) target(%arg11 : memref<128xi32, #tpu.memory_space<vmem>>) target_semaphore(%arg20 : memref<!tpu.dma_semaphore, #tpu.memory_space<semaphore_mem>>)
      } else {
      }
    }
    %scan3A_57 = arith.constant 41 : i32
    %dma_wait3A_58 = arith.constant 0 : i32
    %dma_wait3A_59 = arith.constant 0 : i32
    %dma_wait3A_60 = tpu.memref_slice %arg6[%dma_wait3A_58, %dma_wait3A_59] : memref<335872x8xf32, #tpu.memory_space<hbm>> -> memref<128x8xf32, #tpu.memory_space<hbm>>
    %dma_wait3A_61 = arith.constant 0 : i32
    %dma_wait3A_62 = arith.constant 0 : i32
    %dma_wait3A_63 = tpu.memref_slice %arg6[%dma_wait3A_61, %dma_wait3A_62] : memref<335872x8xf32, #tpu.memory_space<hbm>> -> memref<128x8xf32, #tpu.memory_space<hbm>>
    tpu.wait_dma2 semaphore(%arg23 : memref<!tpu.dma_semaphore, #tpu.memory_space<semaphore_mem>>) src(%arg16 : memref<128x8xf32, #tpu.memory_space<vmem>>) dst(%dma_wait3A_63 : memref<128x8xf32, #tpu.memory_space<hbm>>)
    %dma_wait3A_64 = arith.constant 0 : i32
    %dma_wait3A_65 = arith.constant 0 : i32
    %dma_wait3A_66 = tpu.memref_slice %arg6[%dma_wait3A_64, %dma_wait3A_65] : memref<335872x8xf32, #tpu.memory_space<hbm>> -> memref<128x8xf32, #tpu.memory_space<hbm>>
    %dma_wait3A_67 = arith.constant 0 : i32
    %dma_wait3A_68 = arith.constant 0 : i32
    %dma_wait3A_69 = tpu.memref_slice %arg6[%dma_wait3A_67, %dma_wait3A_68] : memref<335872x8xf32, #tpu.memory_space<hbm>> -> memref<128x8xf32, #tpu.memory_space<hbm>>
    tpu.wait_dma2 semaphore(%arg24 : memref<!tpu.dma_semaphore, #tpu.memory_space<semaphore_mem>>) src(%arg17 : memref<128x8xf32, #tpu.memory_space<vmem>>) dst(%dma_wait3A_69 : memref<128x8xf32, #tpu.memory_space<hbm>>)
    %barrier3A_70 = arith.constant 0 : index
    tpu.barrier barrier_id(%barrier3A_70)
    %eq3A_71 = arith.constant 0 : i32
    %eq3A_72 = arith.cmpi eq, %arg1, %eq3A_71 : i32
    %convert_element_type3A_73 = arith.extui %eq3A_72 : i1 to i32
    %cond3A_74 = arith.constant 0 : i32
    %cond3A_75 = arith.cmpi ne, %convert_element_type3A_73, %cond3A_74 : i32
    scf.if %cond3A_75 {
      "tpu.region"() ({
        %run_scoped3A = tpu.sem_alloc : memref<!tpu.dma_semaphore, #tpu.memory_space<semaphore_mem>>
        %dma_start3A_76 = arith.constant 0 : i32
        %dma_start3A_77 = arith.constant 0 : i32
        %dma_start3A_78 = tpu.memref_slice %arg7[%arg0, %dma_start3A_76, %dma_start3A_77] : memref<2x10000x8xf32, #tpu.memory_space<hbm>> -> memref<1x10000x8xf32, #tpu.memory_space<hbm>>
        %dma_start3A_79 = tpu.memref_squeeze %dma_start3A_78 : memref<1x10000x8xf32, #tpu.memory_space<hbm>> -> memref<10000x8xf32, #tpu.memory_space<hbm>>
        tpu.enqueue_dma source(%arg18 : memref<10000x8xf32, #tpu.memory_space<vmem_shared>>) target(%dma_start3A_79 : memref<10000x8xf32, #tpu.memory_space<hbm>>) target_semaphore(%run_scoped3A : memref<!tpu.dma_semaphore, #tpu.memory_space<semaphore_mem>>)
        %dma_wait3A_80 = arith.constant 0 : i32
        %dma_wait3A_81 = arith.constant 0 : i32
        %dma_wait3A_82 = tpu.memref_slice %arg7[%arg0, %dma_wait3A_80, %dma_wait3A_81] : memref<2x10000x8xf32, #tpu.memory_space<hbm>> -> memref<1x10000x8xf32, #tpu.memory_space<hbm>>
        %dma_wait3A_83 = tpu.memref_squeeze %dma_wait3A_82 : memref<1x10000x8xf32, #tpu.memory_space<hbm>> -> memref<10000x8xf32, #tpu.memory_space<hbm>>
        tpu.wait_dma2 semaphore(%run_scoped3A : memref<!tpu.dma_semaphore, #tpu.memory_space<semaphore_mem>>) src(%arg18 : memref<10000x8xf32, #tpu.memory_space<vmem_shared>>) dst(%dma_wait3A_83 : memref<10000x8xf32, #tpu.memory_space<hbm>>)
        tpu.yield
      }) : () -> ()
    } else {
    }
    return
  }
}

#map = affine_map<(d0, d1) -> (0, 0)>
#map1 = affine_map<(d0, d1) -> (0, 0, 0)>
module attributes {stable_mosaic.version = 14 : i64} {
  func.func @_pass2(%arg0: i32, %arg1: i32, %arg2: memref<10000x128xf32, #tpu.memory_space<hbm>>, %arg3: memref<2624x128xi32, #tpu.memory_space<hbm>>, %arg4: memref<2624x128xi32, #tpu.memory_space<hbm>>, %arg5: memref<335872x8xf32, #tpu.memory_space<hbm>>, %arg6: memref<10000x16xf32, #tpu.memory_space<hbm>>, %arg7: memref<10000x128xf32, #tpu.memory_space<hbm>>, %arg8: memref<2x10000x128xf32, #tpu.memory_space<hbm>>, %arg9: memref<128xi32, #tpu.memory_space<vmem>>, %arg10: memref<128xi32, #tpu.memory_space<vmem>>, %arg11: memref<128xi32, #tpu.memory_space<vmem>>, %arg12: memref<128xi32, #tpu.memory_space<vmem>>, %arg13: memref<128x128xf32, #tpu.memory_space<vmem>>, %arg14: memref<128x128xf32, #tpu.memory_space<vmem>>, %arg15: memref<128x8xf32, #tpu.memory_space<vmem>>, %arg16: memref<128x8xf32, #tpu.memory_space<vmem>>, %arg17: memref<128x16xf32, #tpu.memory_space<vmem>>, %arg18: memref<128x16xf32, #tpu.memory_space<vmem>>, %arg19: memref<10000x128xf32, #tpu.memory_space<vmem_shared>>, %arg20: memref<!tpu.dma_semaphore, #tpu.memory_space<semaphore_mem>>, %arg21: memref<!tpu.dma_semaphore, #tpu.memory_space<semaphore_mem>>, %arg22: memref<!tpu.dma_semaphore, #tpu.memory_space<semaphore_mem>>, %arg23: memref<!tpu.dma_semaphore, #tpu.memory_space<semaphore_mem>>, %arg24: memref<!tpu.dma_semaphore, #tpu.memory_space<semaphore_mem>>, %arg25: memref<!tpu.dma_semaphore, #tpu.memory_space<semaphore_mem>>) attributes {dimension_semantics = [#tpu.dimension_semantics<core_parallel>, #tpu.dimension_semantics<subcore_parallel>], iteration_bounds = array<i64: 2, 16>, scalar_prefetch = 0 : i64, scratch_operands = 17 : i64, tpu.core_type = #tpu.core_type<sc_vector_subcore>, window_params = [{transform_indices = #map}, {transform_indices = #map}, {transform_indices = #map}, {transform_indices = #map}, {transform_indices = #map}, {transform_indices = #map}, {transform_indices = #map1}]} {
    %mul3A = arith.constant 16 : i32
    %mul3A_0 = arith.muli %arg0, %mul3A : i32
    %add3A = arith.addi %mul3A_0, %arg1 : i32
    %eq3A = arith.constant 0 : i32
    %eq3A_1 = arith.cmpi eq, %arg1, %eq3A : i32
    %convert_element_type3A = arith.extui %eq3A_1 : i1 to i32
    %cond3A = arith.constant 0 : i32
    %cond3A_2 = arith.cmpi ne, %convert_element_type3A, %cond3A : i32
    scf.if %cond3A_2 {
      "tpu.region"() ({
        %run_scoped3A = tpu.sem_alloc : memref<!tpu.dma_semaphore, #tpu.memory_space<semaphore_mem>>
        tpu.enqueue_dma source(%arg7 : memref<10000x128xf32, #tpu.memory_space<hbm>>) target(%arg19 : memref<10000x128xf32, #tpu.memory_space<vmem_shared>>) target_semaphore(%run_scoped3A : memref<!tpu.dma_semaphore, #tpu.memory_space<semaphore_mem>>)
        tpu.wait_dma2 semaphore(%run_scoped3A : memref<!tpu.dma_semaphore, #tpu.memory_space<semaphore_mem>>) src(%arg7 : memref<10000x128xf32, #tpu.memory_space<hbm>>) dst(%arg19 : memref<10000x128xf32, #tpu.memory_space<vmem_shared>>)
        tpu.yield
      }) : () -> ()
    } else {
    }
    %barrier3A = arith.constant 0 : index
    tpu.barrier barrier_id(%barrier3A)
    %iota3A = tpu.iota {dimensions = array<i32: 0>} : vector<16xi32>
    %lt3A = arith.constant 8 : i32
    %lt3A_3 = vector.broadcast %lt3A : i32 to vector<16xi32>
    %lt3A_4 = arith.cmpi slt, %iota3A, %lt3A_3 : vector<16xi32>
    %mul3A_5 = arith.constant 82 : i32
    %mul3A_6 = arith.muli %add3A, %mul3A_5 : i32
    %add3A_7 = arith.constant 0 : i32
    %add3A_8 = arith.addi %mul3A_6, %add3A_7 : i32
    %dma_start3A = arith.constant 0 : i32
    %dma_start3A_9 = tpu.memref_slice %arg3[%add3A_8, %dma_start3A] : memref<2624x128xi32, #tpu.memory_space<hbm>> -> memref<1x128xi32, #tpu.memory_space<hbm>>
    %dma_start3A_10 = tpu.memref_squeeze %dma_start3A_9 : memref<1x128xi32, #tpu.memory_space<hbm>> -> memref<128xi32, #tpu.memory_space<hbm>>
    %dma_start3A_11 = arith.constant 0 : i32
    %dma_start3A_12 = tpu.memref_slice %arg3[%add3A_8, %dma_start3A_11] : memref<2624x128xi32, #tpu.memory_space<hbm>> -> memref<1x128xi32, #tpu.memory_space<hbm>>
    %dma_start3A_13 = tpu.memref_squeeze %dma_start3A_12 : memref<1x128xi32, #tpu.memory_space<hbm>> -> memref<128xi32, #tpu.memory_space<hbm>>
    tpu.enqueue_dma source(%dma_start3A_13 : memref<128xi32, #tpu.memory_space<hbm>>) target(%arg9 : memref<128xi32, #tpu.memory_space<vmem>>) target_semaphore(%arg20 : memref<!tpu.dma_semaphore, #tpu.memory_space<semaphore_mem>>)
    %dma_start3A_14 = arith.constant 0 : i32
    %dma_start3A_15 = tpu.memref_slice %arg4[%add3A_8, %dma_start3A_14] : memref<2624x128xi32, #tpu.memory_space<hbm>> -> memref<1x128xi32, #tpu.memory_space<hbm>>
    %dma_start3A_16 = tpu.memref_squeeze %dma_start3A_15 : memref<1x128xi32, #tpu.memory_space<hbm>> -> memref<128xi32, #tpu.memory_space<hbm>>
    %dma_start3A_17 = arith.constant 0 : i32
    %dma_start3A_18 = tpu.memref_slice %arg4[%add3A_8, %dma_start3A_17] : memref<2624x128xi32, #tpu.memory_space<hbm>> -> memref<1x128xi32, #tpu.memory_space<hbm>>
    %dma_start3A_19 = tpu.memref_squeeze %dma_start3A_18 : memref<1x128xi32, #tpu.memory_space<hbm>> -> memref<128xi32, #tpu.memory_space<hbm>>
    tpu.enqueue_dma source(%dma_start3A_19 : memref<128xi32, #tpu.memory_space<hbm>>) target(%arg11 : memref<128xi32, #tpu.memory_space<vmem>>) target_semaphore(%arg20 : memref<!tpu.dma_semaphore, #tpu.memory_space<semaphore_mem>>)
    %mul3A_20 = arith.constant 128 : i32
    %mul3A_21 = arith.muli %add3A_8, %mul3A_20 : i32
    %dma_start3A_22 = arith.constant 0 : i32
    %dma_start3A_23 = tpu.memref_slice %arg5[%mul3A_21, %dma_start3A_22] : memref<335872x8xf32, #tpu.memory_space<hbm>> -> memref<128x8xf32, #tpu.memory_space<hbm>>
    %dma_start3A_24 = arith.constant 0 : i32
    %dma_start3A_25 = tpu.memref_slice %arg5[%mul3A_21, %dma_start3A_24] : memref<335872x8xf32, #tpu.memory_space<hbm>> -> memref<128x8xf32, #tpu.memory_space<hbm>>
    tpu.enqueue_dma source(%dma_start3A_25 : memref<128x8xf32, #tpu.memory_space<hbm>>) target(%arg15 : memref<128x8xf32, #tpu.memory_space<vmem>>) target_semaphore(%arg20 : memref<!tpu.dma_semaphore, #tpu.memory_space<semaphore_mem>>)
    %dma_wait3A = arith.constant 0 : i32
    %dma_wait3A_26 = arith.constant 0 : i32
    %dma_wait3A_27 = tpu.memref_slice %arg3[%dma_wait3A, %dma_wait3A_26] : memref<2624x128xi32, #tpu.memory_space<hbm>> -> memref<1x128xi32, #tpu.memory_space<hbm>>
    %dma_wait3A_28 = tpu.memref_squeeze %dma_wait3A_27 : memref<1x128xi32, #tpu.memory_space<hbm>> -> memref<128xi32, #tpu.memory_space<hbm>>
    %dma_wait3A_29 = arith.constant 0 : i32
    %dma_wait3A_30 = tpu.memref_slice %arg3[%dma_wait3A, %dma_wait3A_29] : memref<2624x128xi32, #tpu.memory_space<hbm>> -> memref<1x128xi32, #tpu.memory_space<hbm>>
    %dma_wait3A_31 = tpu.memref_squeeze %dma_wait3A_30 : memref<1x128xi32, #tpu.memory_space<hbm>> -> memref<128xi32, #tpu.memory_space<hbm>>
    tpu.wait_dma2 semaphore(%arg20 : memref<!tpu.dma_semaphore, #tpu.memory_space<semaphore_mem>>) src(%dma_wait3A_31 : memref<128xi32, #tpu.memory_space<hbm>>) dst(%arg9 : memref<128xi32, #tpu.memory_space<vmem>>)
    %dma_wait3A_32 = arith.constant 0 : i32
    %dma_wait3A_33 = arith.constant 0 : i32
    %dma_wait3A_34 = tpu.memref_slice %arg4[%dma_wait3A_32, %dma_wait3A_33] : memref<2624x128xi32, #tpu.memory_space<hbm>> -> memref<1x128xi32, #tpu.memory_space<hbm>>
    %dma_wait3A_35 = tpu.memref_squeeze %dma_wait3A_34 : memref<1x128xi32, #tpu.memory_space<hbm>> -> memref<128xi32, #tpu.memory_space<hbm>>
    %dma_wait3A_36 = arith.constant 0 : i32
    %dma_wait3A_37 = tpu.memref_slice %arg4[%dma_wait3A_32, %dma_wait3A_36] : memref<2624x128xi32, #tpu.memory_space<hbm>> -> memref<1x128xi32, #tpu.memory_space<hbm>>
    %dma_wait3A_38 = tpu.memref_squeeze %dma_wait3A_37 : memref<1x128xi32, #tpu.memory_space<hbm>> -> memref<128xi32, #tpu.memory_space<hbm>>
    tpu.wait_dma2 semaphore(%arg20 : memref<!tpu.dma_semaphore, #tpu.memory_space<semaphore_mem>>) src(%dma_wait3A_38 : memref<128xi32, #tpu.memory_space<hbm>>) dst(%arg11 : memref<128xi32, #tpu.memory_space<vmem>>)
    %dma_wait3A_39 = arith.constant 0 : i32
    %dma_wait3A_40 = arith.constant 0 : i32
    %dma_wait3A_41 = tpu.memref_slice %arg5[%dma_wait3A_39, %dma_wait3A_40] : memref<335872x8xf32, #tpu.memory_space<hbm>> -> memref<128x8xf32, #tpu.memory_space<hbm>>
    %dma_wait3A_42 = arith.constant 0 : i32
    %dma_wait3A_43 = arith.constant 0 : i32
    %dma_wait3A_44 = tpu.memref_slice %arg5[%dma_wait3A_42, %dma_wait3A_43] : memref<335872x8xf32, #tpu.memory_space<hbm>> -> memref<128x8xf32, #tpu.memory_space<hbm>>
    tpu.wait_dma2 semaphore(%arg20 : memref<!tpu.dma_semaphore, #tpu.memory_space<semaphore_mem>>) src(%dma_wait3A_44 : memref<128x8xf32, #tpu.memory_space<hbm>>) dst(%arg15 : memref<128x8xf32, #tpu.memory_space<vmem>>)
    %dma_start3A_45 = arith.constant 0 : i32
    %dma_start3A_46 = arith.constant 0 : i32
    %dma_start3A_47 = tpu.memref_slice %arg2[%dma_start3A_45, %dma_start3A_46] : memref<10000x128xf32, #tpu.memory_space<hbm>> -> memref<10000x128xf32, #tpu.memory_space<hbm>>
    tpu.enqueue_indirect_dma source(%dma_start3A_47 : memref<10000x128xf32, #tpu.memory_space<hbm>>) target(%arg13 : memref<128x128xf32, #tpu.memory_space<vmem>>) offsets(%arg9 : memref<128xi32, #tpu.memory_space<vmem>>) semaphore(%arg22 : memref<!tpu.dma_semaphore, #tpu.memory_space<semaphore_mem>>)
    %dma_start3A_48 = arith.constant 0 : i32
    %dma_start3A_49 = arith.constant 0 : i32
    %dma_start3A_50 = tpu.memref_slice %arg6[%dma_start3A_48, %dma_start3A_49] : memref<10000x16xf32, #tpu.memory_space<hbm>> -> memref<10000x16xf32, #tpu.memory_space<hbm>>
    tpu.enqueue_indirect_dma source(%dma_start3A_50 : memref<10000x16xf32, #tpu.memory_space<hbm>>) target(%arg17 : memref<128x16xf32, #tpu.memory_space<vmem>>) offsets(%arg11 : memref<128xi32, #tpu.memory_space<vmem>>) semaphore(%arg24 : memref<!tpu.dma_semaphore, #tpu.memory_space<semaphore_mem>>)
    %mul3A_51 = arith.constant 82 : i32
    %mul3A_52 = arith.muli %add3A, %mul3A_51 : i32
    %add3A_53 = arith.constant 1 : i32
    %add3A_54 = arith.addi %mul3A_52, %add3A_53 : i32
    %dma_start3A_55 = arith.constant 0 : i32
    %dma_start3A_56 = tpu.memref_slice %arg3[%add3A_54, %dma_start3A_55] : memref<2624x128xi32, #tpu.memory_space<hbm>> -> memref<1x128xi32, #tpu.memory_space<hbm>>
    %dma_start3A_57 = tpu.memref_squeeze %dma_start3A_56 : memref<1x128xi32, #tpu.memory_space<hbm>> -> memref<128xi32, #tpu.memory_space<hbm>>
    %dma_start3A_58 = arith.constant 0 : i32
    %dma_start3A_59 = tpu.memref_slice %arg3[%add3A_54, %dma_start3A_58] : memref<2624x128xi32, #tpu.memory_space<hbm>> -> memref<1x128xi32, #tpu.memory_space<hbm>>
    %dma_start3A_60 = tpu.memref_squeeze %dma_start3A_59 : memref<1x128xi32, #tpu.memory_space<hbm>> -> memref<128xi32, #tpu.memory_space<hbm>>
    tpu.enqueue_dma source(%dma_start3A_60 : memref<128xi32, #tpu.memory_space<hbm>>) target(%arg10 : memref<128xi32, #tpu.memory_space<vmem>>) target_semaphore(%arg21 : memref<!tpu.dma_semaphore, #tpu.memory_space<semaphore_mem>>)
    %dma_start3A_61 = arith.constant 0 : i32
    %dma_start3A_62 = tpu.memref_slice %arg4[%add3A_54, %dma_start3A_61] : memref<2624x128xi32, #tpu.memory_space<hbm>> -> memref<1x128xi32, #tpu.memory_space<hbm>>
    %dma_start3A_63 = tpu.memref_squeeze %dma_start3A_62 : memref<1x128xi32, #tpu.memory_space<hbm>> -> memref<128xi32, #tpu.memory_space<hbm>>
    %dma_start3A_64 = arith.constant 0 : i32
    %dma_start3A_65 = tpu.memref_slice %arg4[%add3A_54, %dma_start3A_64] : memref<2624x128xi32, #tpu.memory_space<hbm>> -> memref<1x128xi32, #tpu.memory_space<hbm>>
    %dma_start3A_66 = tpu.memref_squeeze %dma_start3A_65 : memref<1x128xi32, #tpu.memory_space<hbm>> -> memref<128xi32, #tpu.memory_space<hbm>>
    tpu.enqueue_dma source(%dma_start3A_66 : memref<128xi32, #tpu.memory_space<hbm>>) target(%arg12 : memref<128xi32, #tpu.memory_space<vmem>>) target_semaphore(%arg21 : memref<!tpu.dma_semaphore, #tpu.memory_space<semaphore_mem>>)
    %mul3A_67 = arith.constant 128 : i32
    %mul3A_68 = arith.muli %add3A_54, %mul3A_67 : i32
    %dma_start3A_69 = arith.constant 0 : i32
    %dma_start3A_70 = tpu.memref_slice %arg5[%mul3A_68, %dma_start3A_69] : memref<335872x8xf32, #tpu.memory_space<hbm>> -> memref<128x8xf32, #tpu.memory_space<hbm>>
    %dma_start3A_71 = arith.constant 0 : i32
    %dma_start3A_72 = tpu.memref_slice %arg5[%mul3A_68, %dma_start3A_71] : memref<335872x8xf32, #tpu.memory_space<hbm>> -> memref<128x8xf32, #tpu.memory_space<hbm>>
    tpu.enqueue_dma source(%dma_start3A_72 : memref<128x8xf32, #tpu.memory_space<hbm>>) target(%arg16 : memref<128x8xf32, #tpu.memory_space<vmem>>) target_semaphore(%arg21 : memref<!tpu.dma_semaphore, #tpu.memory_space<semaphore_mem>>)
    %scan3A = arith.constant 0 : i32
    %scan3A_73 = arith.constant 0 : i32
    %scan3A_74 = arith.constant 41 : i32
    %scan3A_75 = arith.addi %scan3A_73, %scan3A_74 : i32
    %scan3A_76 = arith.constant 1 : i32
    scf.for %scan3A_84 = %scan3A_73 to %scan3A_75 step %scan3A_76  : i32 {
      %lt3A_85 = arith.constant 40 : i32
      %lt3A_86 = arith.cmpi slt, %scan3A_84, %lt3A_85 : i32
      %mul3A_87 = arith.constant 2 : i32
      %mul3A_88 = arith.muli %mul3A_87, %scan3A_84 : i32
      %dma_wait3A_89 = arith.constant 0 : i32
      %dma_wait3A_90 = arith.constant 0 : i32
      %dma_wait3A_91 = tpu.memref_slice %arg3[%dma_wait3A_89, %dma_wait3A_90] : memref<2624x128xi32, #tpu.memory_space<hbm>> -> memref<1x128xi32, #tpu.memory_space<hbm>>
      %dma_wait3A_92 = tpu.memref_squeeze %dma_wait3A_91 : memref<1x128xi32, #tpu.memory_space<hbm>> -> memref<128xi32, #tpu.memory_space<hbm>>
      %dma_wait3A_93 = arith.constant 0 : i32
      %dma_wait3A_94 = tpu.memref_slice %arg3[%dma_wait3A_89, %dma_wait3A_93] : memref<2624x128xi32, #tpu.memory_space<hbm>> -> memref<1x128xi32, #tpu.memory_space<hbm>>
      %dma_wait3A_95 = tpu.memref_squeeze %dma_wait3A_94 : memref<1x128xi32, #tpu.memory_space<hbm>> -> memref<128xi32, #tpu.memory_space<hbm>>
      tpu.wait_dma2 semaphore(%arg21 : memref<!tpu.dma_semaphore, #tpu.memory_space<semaphore_mem>>) src(%dma_wait3A_95 : memref<128xi32, #tpu.memory_space<hbm>>) dst(%arg10 : memref<128xi32, #tpu.memory_space<vmem>>)
      %dma_wait3A_96 = arith.constant 0 : i32
      %dma_wait3A_97 = arith.constant 0 : i32
      %dma_wait3A_98 = tpu.memref_slice %arg4[%dma_wait3A_96, %dma_wait3A_97] : memref<2624x128xi32, #tpu.memory_space<hbm>> -> memref<1x128xi32, #tpu.memory_space<hbm>>
      %dma_wait3A_99 = tpu.memref_squeeze %dma_wait3A_98 : memref<1x128xi32, #tpu.memory_space<hbm>> -> memref<128xi32, #tpu.memory_space<hbm>>
      %dma_wait3A_100 = arith.constant 0 : i32
      %dma_wait3A_101 = tpu.memref_slice %arg4[%dma_wait3A_96, %dma_wait3A_100] : memref<2624x128xi32, #tpu.memory_space<hbm>> -> memref<1x128xi32, #tpu.memory_space<hbm>>
      %dma_wait3A_102 = tpu.memref_squeeze %dma_wait3A_101 : memref<1x128xi32, #tpu.memory_space<hbm>> -> memref<128xi32, #tpu.memory_space<hbm>>
      tpu.wait_dma2 semaphore(%arg21 : memref<!tpu.dma_semaphore, #tpu.memory_space<semaphore_mem>>) src(%dma_wait3A_102 : memref<128xi32, #tpu.memory_space<hbm>>) dst(%arg12 : memref<128xi32, #tpu.memory_space<vmem>>)
      %dma_wait3A_103 = arith.constant 0 : i32
      %dma_wait3A_104 = arith.constant 0 : i32
      %dma_wait3A_105 = tpu.memref_slice %arg5[%dma_wait3A_103, %dma_wait3A_104] : memref<335872x8xf32, #tpu.memory_space<hbm>> -> memref<128x8xf32, #tpu.memory_space<hbm>>
      %dma_wait3A_106 = arith.constant 0 : i32
      %dma_wait3A_107 = arith.constant 0 : i32
      %dma_wait3A_108 = tpu.memref_slice %arg5[%dma_wait3A_106, %dma_wait3A_107] : memref<335872x8xf32, #tpu.memory_space<hbm>> -> memref<128x8xf32, #tpu.memory_space<hbm>>
      tpu.wait_dma2 semaphore(%arg21 : memref<!tpu.dma_semaphore, #tpu.memory_space<semaphore_mem>>) src(%dma_wait3A_108 : memref<128x8xf32, #tpu.memory_space<hbm>>) dst(%arg16 : memref<128x8xf32, #tpu.memory_space<vmem>>)
      %dma_start3A_109 = arith.constant 0 : i32
      %dma_start3A_110 = arith.constant 0 : i32
      %dma_start3A_111 = tpu.memref_slice %arg2[%dma_start3A_109, %dma_start3A_110] : memref<10000x128xf32, #tpu.memory_space<hbm>> -> memref<10000x128xf32, #tpu.memory_space<hbm>>
      tpu.enqueue_indirect_dma source(%dma_start3A_111 : memref<10000x128xf32, #tpu.memory_space<hbm>>) target(%arg14 : memref<128x128xf32, #tpu.memory_space<vmem>>) offsets(%arg10 : memref<128xi32, #tpu.memory_space<vmem>>) semaphore(%arg23 : memref<!tpu.dma_semaphore, #tpu.memory_space<semaphore_mem>>)
      %dma_start3A_112 = arith.constant 0 : i32
      %dma_start3A_113 = arith.constant 0 : i32
      %dma_start3A_114 = tpu.memref_slice %arg6[%dma_start3A_112, %dma_start3A_113] : memref<10000x16xf32, #tpu.memory_space<hbm>> -> memref<10000x16xf32, #tpu.memory_space<hbm>>
      tpu.enqueue_indirect_dma source(%dma_start3A_114 : memref<10000x16xf32, #tpu.memory_space<hbm>>) target(%arg18 : memref<128x16xf32, #tpu.memory_space<vmem>>) offsets(%arg12 : memref<128xi32, #tpu.memory_space<vmem>>) semaphore(%arg25 : memref<!tpu.dma_semaphore, #tpu.memory_space<semaphore_mem>>)
      %dma_wait3A_115 = arith.constant 0 : i32
      %dma_wait3A_116 = arith.constant 0 : i32
      %dma_wait3A_117 = tpu.memref_slice %arg2[%dma_wait3A_115, %dma_wait3A_116] : memref<10000x128xf32, #tpu.memory_space<hbm>> -> memref<128x128xf32, #tpu.memory_space<hbm>>
      %dma_wait3A_118 = arith.constant 0 : i32
      %dma_wait3A_119 = arith.constant 0 : i32
      %dma_wait3A_120 = tpu.memref_slice %arg2[%dma_wait3A_118, %dma_wait3A_119] : memref<10000x128xf32, #tpu.memory_space<hbm>> -> memref<128x128xf32, #tpu.memory_space<hbm>>
      tpu.wait_dma2 semaphore(%arg22 : memref<!tpu.dma_semaphore, #tpu.memory_space<semaphore_mem>>) src(%dma_wait3A_120 : memref<128x128xf32, #tpu.memory_space<hbm>>) dst(%arg13 : memref<128x128xf32, #tpu.memory_space<vmem>>)
      %dma_wait3A_121 = arith.constant 0 : i32
      %dma_wait3A_122 = arith.constant 0 : i32
      %dma_wait3A_123 = tpu.memref_slice %arg6[%dma_wait3A_121, %dma_wait3A_122] : memref<10000x16xf32, #tpu.memory_space<hbm>> -> memref<128x16xf32, #tpu.memory_space<hbm>>
      %dma_wait3A_124 = arith.constant 0 : i32
      %dma_wait3A_125 = arith.constant 0 : i32
      %dma_wait3A_126 = tpu.memref_slice %arg6[%dma_wait3A_124, %dma_wait3A_125] : memref<10000x16xf32, #tpu.memory_space<hbm>> -> memref<128x16xf32, #tpu.memory_space<hbm>>
      tpu.wait_dma2 semaphore(%arg24 : memref<!tpu.dma_semaphore, #tpu.memory_space<semaphore_mem>>) src(%dma_wait3A_126 : memref<128x16xf32, #tpu.memory_space<hbm>>) dst(%arg17 : memref<128x16xf32, #tpu.memory_space<vmem>>)
      %scan3A_127 = arith.constant 0 : i32
      %scan3A_128 = arith.constant 0 : i32
      %scan3A_129 = arith.constant 128 : i32
      %scan3A_130 = arith.addi %scan3A_128, %scan3A_129 : i32
      %scan3A_131 = arith.constant 1 : i32
      scf.for %scan3A_164 = %scan3A_128 to %scan3A_130 step %scan3A_131  : i32 {
        %broadcast_in_dim3A = vector.broadcast %scan3A_164 : i32 to vector<16xi32>
        %gather3A = tpu.vector_load_idx %arg15[%broadcast_in_dim3A, %iota3A] masked %lt3A_4 : memref<128x8xf32, #tpu.memory_space<vmem>>[vector<16xi32>, vector<16xi32>], vector<16xf32>, vector<16xi1>
        %gather3A_165 = tpu.vector_load_idx %arg17[%broadcast_in_dim3A, %iota3A] : memref<128x16xf32, #tpu.memory_space<vmem>>[vector<16xi32>, vector<16xi32>], vector<16xf32>,
        %mul3A_166 = arith.mulf %gather3A, %gather3A_165 : vector<16xf32>
        %broadcast_in_dim3A_167 = arith.constant 0 : i32
        %broadcast_in_dim3A_168 = vector.broadcast %broadcast_in_dim3A_167 : i32 to vector<16x1xi32>
        %gather3A_169 = vector.shape_cast %broadcast_in_dim3A_168 : vector<16x1xi32> to vector<16xi32>
        %gather3A_170 = tpu.dynamic_gather %mul3A_166[%gather3A_169] in [0] : vector<16xf32>, vector<16xi32> -> vector<16xf32>
        %get3A = arith.index_cast %scan3A_164 : i32 to index
        %get3A_171 = arith.constant 0 : index
        %get3A_172 = tpu.vector_load %arg13[%get3A, %get3A_171] {strides = array<i32>} : memref<128x128xf32, #tpu.memory_space<vmem>>, vector<16xf32>,
        %mul3A_173 = arith.mulf %get3A_172, %gather3A_170 : vector<16xf32>
        %swap3A = arith.index_cast %scan3A_164 : i32 to index
        %swap3A_174 = arith.constant 0 : index
        %swap3A_175 = tpu.vector_load %arg13[%swap3A, %swap3A_174] {strides = array<i32>} : memref<128x128xf32, #tpu.memory_space<vmem>>, vector<16xf32>,
        tpu.vector_store %arg13[%swap3A, %swap3A_174], %mul3A_173 {strides = array<i32>} : memref<128x128xf32, #tpu.memory_space<vmem>>, vector<16xf32>,
        %broadcast_in_dim3A_176 = arith.constant 1 : i32
        %broadcast_in_dim3A_177 = vector.broadcast %broadcast_in_dim3A_176 : i32 to vector<16x1xi32>
        %gather3A_178 = vector.shape_cast %broadcast_in_dim3A_177 : vector<16x1xi32> to vector<16xi32>
        %gather3A_179 = tpu.dynamic_gather %mul3A_166[%gather3A_178] in [0] : vector<16xf32>, vector<16xi32> -> vector<16xf32>
        %get3A_180 = arith.index_cast %scan3A_164 : i32 to index
        %get3A_181 = arith.constant 16 : index
        %get3A_182 = tpu.vector_load %arg13[%get3A_180, %get3A_181] {strides = array<i32>} : memref<128x128xf32, #tpu.memory_space<vmem>>, vector<16xf32>,
        %mul3A_183 = arith.mulf %get3A_182, %gather3A_179 : vector<16xf32>
        %swap3A_184 = arith.index_cast %scan3A_164 : i32 to index
        %swap3A_185 = arith.constant 16 : index
        %swap3A_186 = tpu.vector_load %arg13[%swap3A_184, %swap3A_185] {strides = array<i32>} : memref<128x128xf32, #tpu.memory_space<vmem>>, vector<16xf32>,
        tpu.vector_store %arg13[%swap3A_184, %swap3A_185], %mul3A_183 {strides = array<i32>} : memref<128x128xf32, #tpu.memory_space<vmem>>, vector<16xf32>,
        %broadcast_in_dim3A_187 = arith.constant 2 : i32
        %broadcast_in_dim3A_188 = vector.broadcast %broadcast_in_dim3A_187 : i32 to vector<16x1xi32>
        %gather3A_189 = vector.shape_cast %broadcast_in_dim3A_188 : vector<16x1xi32> to vector<16xi32>
        %gather3A_190 = tpu.dynamic_gather %mul3A_166[%gather3A_189] in [0] : vector<16xf32>, vector<16xi32> -> vector<16xf32>
        %get3A_191 = arith.index_cast %scan3A_164 : i32 to index
        %get3A_192 = arith.constant 32 : index
        %get3A_193 = tpu.vector_load %arg13[%get3A_191, %get3A_192] {strides = array<i32>} : memref<128x128xf32, #tpu.memory_space<vmem>>, vector<16xf32>,
        %mul3A_194 = arith.mulf %get3A_193, %gather3A_190 : vector<16xf32>
        %swap3A_195 = arith.index_cast %scan3A_164 : i32 to index
        %swap3A_196 = arith.constant 32 : index
        %swap3A_197 = tpu.vector_load %arg13[%swap3A_195, %swap3A_196] {strides = array<i32>} : memref<128x128xf32, #tpu.memory_space<vmem>>, vector<16xf32>,
        tpu.vector_store %arg13[%swap3A_195, %swap3A_196], %mul3A_194 {strides = array<i32>} : memref<128x128xf32, #tpu.memory_space<vmem>>, vector<16xf32>,
        %broadcast_in_dim3A_198 = arith.constant 3 : i32
        %broadcast_in_dim3A_199 = vector.broadcast %broadcast_in_dim3A_198 : i32 to vector<16x1xi32>
        %gather3A_200 = vector.shape_cast %broadcast_in_dim3A_199 : vector<16x1xi32> to vector<16xi32>
        %gather3A_201 = tpu.dynamic_gather %mul3A_166[%gather3A_200] in [0] : vector<16xf32>, vector<16xi32> -> vector<16xf32>
        %get3A_202 = arith.index_cast %scan3A_164 : i32 to index
        %get3A_203 = arith.constant 48 : index
        %get3A_204 = tpu.vector_load %arg13[%get3A_202, %get3A_203] {strides = array<i32>} : memref<128x128xf32, #tpu.memory_space<vmem>>, vector<16xf32>,
        %mul3A_205 = arith.mulf %get3A_204, %gather3A_201 : vector<16xf32>
        %swap3A_206 = arith.index_cast %scan3A_164 : i32 to index
        %swap3A_207 = arith.constant 48 : index
        %swap3A_208 = tpu.vector_load %arg13[%swap3A_206, %swap3A_207] {strides = array<i32>} : memref<128x128xf32, #tpu.memory_space<vmem>>, vector<16xf32>,
        tpu.vector_store %arg13[%swap3A_206, %swap3A_207], %mul3A_205 {strides = array<i32>} : memref<128x128xf32, #tpu.memory_space<vmem>>, vector<16xf32>,
        %broadcast_in_dim3A_209 = arith.constant 4 : i32
        %broadcast_in_dim3A_210 = vector.broadcast %broadcast_in_dim3A_209 : i32 to vector<16x1xi32>
        %gather3A_211 = vector.shape_cast %broadcast_in_dim3A_210 : vector<16x1xi32> to vector<16xi32>
        %gather3A_212 = tpu.dynamic_gather %mul3A_166[%gather3A_211] in [0] : vector<16xf32>, vector<16xi32> -> vector<16xf32>
        %get3A_213 = arith.index_cast %scan3A_164 : i32 to index
        %get3A_214 = arith.constant 64 : index
        %get3A_215 = tpu.vector_load %arg13[%get3A_213, %get3A_214] {strides = array<i32>} : memref<128x128xf32, #tpu.memory_space<vmem>>, vector<16xf32>,
        %mul3A_216 = arith.mulf %get3A_215, %gather3A_212 : vector<16xf32>
        %swap3A_217 = arith.index_cast %scan3A_164 : i32 to index
        %swap3A_218 = arith.constant 64 : index
        %swap3A_219 = tpu.vector_load %arg13[%swap3A_217, %swap3A_218] {strides = array<i32>} : memref<128x128xf32, #tpu.memory_space<vmem>>, vector<16xf32>,
        tpu.vector_store %arg13[%swap3A_217, %swap3A_218], %mul3A_216 {strides = array<i32>} : memref<128x128xf32, #tpu.memory_space<vmem>>, vector<16xf32>,
        %broadcast_in_dim3A_220 = arith.constant 5 : i32
        %broadcast_in_dim3A_221 = vector.broadcast %broadcast_in_dim3A_220 : i32 to vector<16x1xi32>
        %gather3A_222 = vector.shape_cast %broadcast_in_dim3A_221 : vector<16x1xi32> to vector<16xi32>
        %gather3A_223 = tpu.dynamic_gather %mul3A_166[%gather3A_222] in [0] : vector<16xf32>, vector<16xi32> -> vector<16xf32>
        %get3A_224 = arith.index_cast %scan3A_164 : i32 to index
        %get3A_225 = arith.constant 80 : index
        %get3A_226 = tpu.vector_load %arg13[%get3A_224, %get3A_225] {strides = array<i32>} : memref<128x128xf32, #tpu.memory_space<vmem>>, vector<16xf32>,
        %mul3A_227 = arith.mulf %get3A_226, %gather3A_223 : vector<16xf32>
        %swap3A_228 = arith.index_cast %scan3A_164 : i32 to index
        %swap3A_229 = arith.constant 80 : index
        %swap3A_230 = tpu.vector_load %arg13[%swap3A_228, %swap3A_229] {strides = array<i32>} : memref<128x128xf32, #tpu.memory_space<vmem>>, vector<16xf32>,
        tpu.vector_store %arg13[%swap3A_228, %swap3A_229], %mul3A_227 {strides = array<i32>} : memref<128x128xf32, #tpu.memory_space<vmem>>, vector<16xf32>,
        %broadcast_in_dim3A_231 = arith.constant 6 : i32
        %broadcast_in_dim3A_232 = vector.broadcast %broadcast_in_dim3A_231 : i32 to vector<16x1xi32>
        %gather3A_233 = vector.shape_cast %broadcast_in_dim3A_232 : vector<16x1xi32> to vector<16xi32>
        %gather3A_234 = tpu.dynamic_gather %mul3A_166[%gather3A_233] in [0] : vector<16xf32>, vector<16xi32> -> vector<16xf32>
        %get3A_235 = arith.index_cast %scan3A_164 : i32 to index
        %get3A_236 = arith.constant 96 : index
        %get3A_237 = tpu.vector_load %arg13[%get3A_235, %get3A_236] {strides = array<i32>} : memref<128x128xf32, #tpu.memory_space<vmem>>, vector<16xf32>,
        %mul3A_238 = arith.mulf %get3A_237, %gather3A_234 : vector<16xf32>
        %swap3A_239 = arith.index_cast %scan3A_164 : i32 to index
        %swap3A_240 = arith.constant 96 : index
        %swap3A_241 = tpu.vector_load %arg13[%swap3A_239, %swap3A_240] {strides = array<i32>} : memref<128x128xf32, #tpu.memory_space<vmem>>, vector<16xf32>,
        tpu.vector_store %arg13[%swap3A_239, %swap3A_240], %mul3A_238 {strides = array<i32>} : memref<128x128xf32, #tpu.memory_space<vmem>>, vector<16xf32>,
        %broadcast_in_dim3A_242 = arith.constant 7 : i32
        %broadcast_in_dim3A_243 = vector.broadcast %broadcast_in_dim3A_242 : i32 to vector<16x1xi32>
        %gather3A_244 = vector.shape_cast %broadcast_in_dim3A_243 : vector<16x1xi32> to vector<16xi32>
        %gather3A_245 = tpu.dynamic_gather %mul3A_166[%gather3A_244] in [0] : vector<16xf32>, vector<16xi32> -> vector<16xf32>
        %get3A_246 = arith.index_cast %scan3A_164 : i32 to index
        %get3A_247 = arith.constant 112 : index
        %get3A_248 = tpu.vector_load %arg13[%get3A_246, %get3A_247] {strides = array<i32>} : memref<128x128xf32, #tpu.memory_space<vmem>>, vector<16xf32>,
        %mul3A_249 = arith.mulf %get3A_248, %gather3A_245 : vector<16xf32>
        %swap3A_250 = arith.index_cast %scan3A_164 : i32 to index
        %swap3A_251 = arith.constant 112 : index
        %swap3A_252 = tpu.vector_load %arg13[%swap3A_250, %swap3A_251] {strides = array<i32>} : memref<128x128xf32, #tpu.memory_space<vmem>>, vector<16xf32>,
        tpu.vector_store %arg13[%swap3A_250, %swap3A_251], %mul3A_249 {strides = array<i32>} : memref<128x128xf32, #tpu.memory_space<vmem>>, vector<16xf32>,
      }
      %scan3A_132 = arith.constant 128 : i32
      "tpu.region"() ({
        %run_scoped3A = tpu.sem_alloc : memref<!tpu.dma_semaphore, #tpu.memory_space<semaphore_mem>>
        %dma_start3A_164 = arith.constant 0 : i32
        %dma_start3A_165 = arith.constant 0 : i32
        %dma_start3A_166 = tpu.memref_slice %arg19[%dma_start3A_164, %dma_start3A_165] : memref<10000x128xf32, #tpu.memory_space<vmem_shared>> -> memref<10000x128xf32, #tpu.memory_space<vmem_shared>>
        tpu.enqueue_indirect_dma source(%arg13 : memref<128x128xf32, #tpu.memory_space<vmem>>) target(%dma_start3A_166 : memref<10000x128xf32, #tpu.memory_space<vmem_shared>>) offsets(%arg11 : memref<128xi32, #tpu.memory_space<vmem>>) semaphore(%run_scoped3A : memref<!tpu.dma_semaphore, #tpu.memory_space<semaphore_mem>>) {add = true}
        %dma_wait3A_167 = arith.constant 0 : i32
        %dma_wait3A_168 = arith.constant 0 : i32
        %dma_wait3A_169 = tpu.memref_slice %arg19[%dma_wait3A_167, %dma_wait3A_168] : memref<10000x128xf32, #tpu.memory_space<vmem_shared>> -> memref<10000x128xf32, #tpu.memory_space<vmem_shared>>
        tpu.wait_indirect_dma semaphore(%run_scoped3A : memref<!tpu.dma_semaphore, #tpu.memory_space<semaphore_mem>>) src(%arg13 : memref<128x128xf32, #tpu.memory_space<vmem>>) dst(%dma_wait3A_169 : memref<10000x128xf32, #tpu.memory_space<vmem_shared>>)
        tpu.yield
      }) : () -> ()
      %convert_element_type3A_133 = arith.extui %lt3A_86 : i1 to i32
      %cond3A_134 = arith.constant 0 : i32
      %cond3A_135 = arith.cmpi ne, %convert_element_type3A_133, %cond3A_134 : i32
      scf.if %cond3A_135 {
        %add3A_164 = arith.constant 2 : i32
        %add3A_165 = arith.addi %mul3A_88, %add3A_164 : i32
        %mul3A_166 = arith.constant 82 : i32
        %mul3A_167 = arith.muli %add3A, %mul3A_166 : i32
        %add3A_168 = arith.addi %mul3A_167, %add3A_165 : i32
        %dma_start3A_169 = arith.constant 0 : i32
        %dma_start3A_170 = tpu.memref_slice %arg3[%add3A_168, %dma_start3A_169] : memref<2624x128xi32, #tpu.memory_space<hbm>> -> memref<1x128xi32, #tpu.memory_space<hbm>>
        %dma_start3A_171 = tpu.memref_squeeze %dma_start3A_170 : memref<1x128xi32, #tpu.memory_space<hbm>> -> memref<128xi32, #tpu.memory_space<hbm>>
        %dma_start3A_172 = arith.constant 0 : i32
        %dma_start3A_173 = tpu.memref_slice %arg3[%add3A_168, %dma_start3A_172] : memref<2624x128xi32, #tpu.memory_space<hbm>> -> memref<1x128xi32, #tpu.memory_space<hbm>>
        %dma_start3A_174 = tpu.memref_squeeze %dma_start3A_173 : memref<1x128xi32, #tpu.memory_space<hbm>> -> memref<128xi32, #tpu.memory_space<hbm>>
        tpu.enqueue_dma source(%dma_start3A_174 : memref<128xi32, #tpu.memory_space<hbm>>) target(%arg9 : memref<128xi32, #tpu.memory_space<vmem>>) target_semaphore(%arg20 : memref<!tpu.dma_semaphore, #tpu.memory_space<semaphore_mem>>)
        %dma_start3A_175 = arith.constant 0 : i32
        %dma_start3A_176 = tpu.memref_slice %arg4[%add3A_168, %dma_start3A_175] : memref<2624x128xi32, #tpu.memory_space<hbm>> -> memref<1x128xi32, #tpu.memory_space<hbm>>
        %dma_start3A_177 = tpu.memref_squeeze %dma_start3A_176 : memref<1x128xi32, #tpu.memory_space<hbm>> -> memref<128xi32, #tpu.memory_space<hbm>>
        %dma_start3A_178 = arith.constant 0 : i32
        %dma_start3A_179 = tpu.memref_slice %arg4[%add3A_168, %dma_start3A_178] : memref<2624x128xi32, #tpu.memory_space<hbm>> -> memref<1x128xi32, #tpu.memory_space<hbm>>
        %dma_start3A_180 = tpu.memref_squeeze %dma_start3A_179 : memref<1x128xi32, #tpu.memory_space<hbm>> -> memref<128xi32, #tpu.memory_space<hbm>>
        tpu.enqueue_dma source(%dma_start3A_180 : memref<128xi32, #tpu.memory_space<hbm>>) target(%arg11 : memref<128xi32, #tpu.memory_space<vmem>>) target_semaphore(%arg20 : memref<!tpu.dma_semaphore, #tpu.memory_space<semaphore_mem>>)
        %mul3A_181 = arith.constant 128 : i32
        %mul3A_182 = arith.muli %add3A_168, %mul3A_181 : i32
        %dma_start3A_183 = arith.constant 0 : i32
        %dma_start3A_184 = tpu.memref_slice %arg5[%mul3A_182, %dma_start3A_183] : memref<335872x8xf32, #tpu.memory_space<hbm>> -> memref<128x8xf32, #tpu.memory_space<hbm>>
        %dma_start3A_185 = arith.constant 0 : i32
        %dma_start3A_186 = tpu.memref_slice %arg5[%mul3A_182, %dma_start3A_185] : memref<335872x8xf32, #tpu.memory_space<hbm>> -> memref<128x8xf32, #tpu.memory_space<hbm>>
        tpu.enqueue_dma source(%dma_start3A_186 : memref<128x8xf32, #tpu.memory_space<hbm>>) target(%arg15 : memref<128x8xf32, #tpu.memory_space<vmem>>) target_semaphore(%arg20 : memref<!tpu.dma_semaphore, #tpu.memory_space<semaphore_mem>>)
      } else {
      }
      %mul3A_136 = arith.constant 2 : i32
      %mul3A_137 = arith.muli %mul3A_136, %scan3A_84 : i32
      %add3A_138 = arith.constant 1 : i32
      %add3A_139 = arith.addi %mul3A_137, %add3A_138 : i32
      %convert_element_type3A_140 = arith.extui %lt3A_86 : i1 to i32
      %cond3A_141 = arith.constant 0 : i32
      %cond3A_142 = arith.cmpi ne, %convert_element_type3A_140, %cond3A_141 : i32
      scf.if %cond3A_142 {
        %dma_wait3A_164 = arith.constant 0 : i32
        %dma_wait3A_165 = arith.constant 0 : i32
        %dma_wait3A_166 = tpu.memref_slice %arg3[%dma_wait3A_164, %dma_wait3A_165] : memref<2624x128xi32, #tpu.memory_space<hbm>> -> memref<1x128xi32, #tpu.memory_space<hbm>>
        %dma_wait3A_167 = tpu.memref_squeeze %dma_wait3A_166 : memref<1x128xi32, #tpu.memory_space<hbm>> -> memref<128xi32, #tpu.memory_space<hbm>>
        %dma_wait3A_168 = arith.constant 0 : i32
        %dma_wait3A_169 = tpu.memref_slice %arg3[%dma_wait3A_164, %dma_wait3A_168] : memref<2624x128xi32, #tpu.memory_space<hbm>> -> memref<1x128xi32, #tpu.memory_space<hbm>>
        %dma_wait3A_170 = tpu.memref_squeeze %dma_wait3A_169 : memref<1x128xi32, #tpu.memory_space<hbm>> -> memref<128xi32, #tpu.memory_space<hbm>>
        tpu.wait_dma2 semaphore(%arg20 : memref<!tpu.dma_semaphore, #tpu.memory_space<semaphore_mem>>) src(%dma_wait3A_170 : memref<128xi32, #tpu.memory_space<hbm>>) dst(%arg9 : memref<128xi32, #tpu.memory_space<vmem>>)
        %dma_wait3A_171 = arith.constant 0 : i32
        %dma_wait3A_172 = arith.constant 0 : i32
        %dma_wait3A_173 = tpu.memref_slice %arg4[%dma_wait3A_171, %dma_wait3A_172] : memref<2624x128xi32, #tpu.memory_space<hbm>> -> memref<1x128xi32, #tpu.memory_space<hbm>>
        %dma_wait3A_174 = tpu.memref_squeeze %dma_wait3A_173 : memref<1x128xi32, #tpu.memory_space<hbm>> -> memref<128xi32, #tpu.memory_space<hbm>>
        %dma_wait3A_175 = arith.constant 0 : i32
        %dma_wait3A_176 = tpu.memref_slice %arg4[%dma_wait3A_171, %dma_wait3A_175] : memref<2624x128xi32, #tpu.memory_space<hbm>> -> memref<1x128xi32, #tpu.memory_space<hbm>>
        %dma_wait3A_177 = tpu.memref_squeeze %dma_wait3A_176 : memref<1x128xi32, #tpu.memory_space<hbm>> -> memref<128xi32, #tpu.memory_space<hbm>>
        tpu.wait_dma2 semaphore(%arg20 : memref<!tpu.dma_semaphore, #tpu.memory_space<semaphore_mem>>) src(%dma_wait3A_177 : memref<128xi32, #tpu.memory_space<hbm>>) dst(%arg11 : memref<128xi32, #tpu.memory_space<vmem>>)
        %dma_wait3A_178 = arith.constant 0 : i32
        %dma_wait3A_179 = arith.constant 0 : i32
        %dma_wait3A_180 = tpu.memref_slice %arg5[%dma_wait3A_178, %dma_wait3A_179] : memref<335872x8xf32, #tpu.memory_space<hbm>> -> memref<128x8xf32, #tpu.memory_space<hbm>>
        %dma_wait3A_181 = arith.constant 0 : i32
        %dma_wait3A_182 = arith.constant 0 : i32
        %dma_wait3A_183 = tpu.memref_slice %arg5[%dma_wait3A_181, %dma_wait3A_182] : memref<335872x8xf32, #tpu.memory_space<hbm>> -> memref<128x8xf32, #tpu.memory_space<hbm>>
        tpu.wait_dma2 semaphore(%arg20 : memref<!tpu.dma_semaphore, #tpu.memory_space<semaphore_mem>>) src(%dma_wait3A_183 : memref<128x8xf32, #tpu.memory_space<hbm>>) dst(%arg15 : memref<128x8xf32, #tpu.memory_space<vmem>>)
        %dma_start3A_184 = arith.constant 0 : i32
        %dma_start3A_185 = arith.constant 0 : i32
        %dma_start3A_186 = tpu.memref_slice %arg2[%dma_start3A_184, %dma_start3A_185] : memref<10000x128xf32, #tpu.memory_space<hbm>> -> memref<10000x128xf32, #tpu.memory_space<hbm>>
        tpu.enqueue_indirect_dma source(%dma_start3A_186 : memref<10000x128xf32, #tpu.memory_space<hbm>>) target(%arg13 : memref<128x128xf32, #tpu.memory_space<vmem>>) offsets(%arg9 : memref<128xi32, #tpu.memory_space<vmem>>) semaphore(%arg22 : memref<!tpu.dma_semaphore, #tpu.memory_space<semaphore_mem>>)
        %dma_start3A_187 = arith.constant 0 : i32
        %dma_start3A_188 = arith.constant 0 : i32
        %dma_start3A_189 = tpu.memref_slice %arg6[%dma_start3A_187, %dma_start3A_188] : memref<10000x16xf32, #tpu.memory_space<hbm>> -> memref<10000x16xf32, #tpu.memory_space<hbm>>
        tpu.enqueue_indirect_dma source(%dma_start3A_189 : memref<10000x16xf32, #tpu.memory_space<hbm>>) target(%arg17 : memref<128x16xf32, #tpu.memory_space<vmem>>) offsets(%arg11 : memref<128xi32, #tpu.memory_space<vmem>>) semaphore(%arg24 : memref<!tpu.dma_semaphore, #tpu.memory_space<semaphore_mem>>)
      } else {
      }
      %dma_wait3A_143 = arith.constant 0 : i32
      %dma_wait3A_144 = arith.constant 0 : i32
      %dma_wait3A_145 = tpu.memref_slice %arg2[%dma_wait3A_143, %dma_wait3A_144] : memref<10000x128xf32, #tpu.memory_space<hbm>> -> memref<128x128xf32, #tpu.memory_space<hbm>>
      %dma_wait3A_146 = arith.constant 0 : i32
      %dma_wait3A_147 = arith.constant 0 : i32
      %dma_wait3A_148 = tpu.memref_slice %arg2[%dma_wait3A_146, %dma_wait3A_147] : memref<10000x128xf32, #tpu.memory_space<hbm>> -> memref<128x128xf32, #tpu.memory_space<hbm>>
      tpu.wait_dma2 semaphore(%arg23 : memref<!tpu.dma_semaphore, #tpu.memory_space<semaphore_mem>>) src(%dma_wait3A_148 : memref<128x128xf32, #tpu.memory_space<hbm>>) dst(%arg14 : memref<128x128xf32, #tpu.memory_space<vmem>>)
      %dma_wait3A_149 = arith.constant 0 : i32
      %dma_wait3A_150 = arith.constant 0 : i32
      %dma_wait3A_151 = tpu.memref_slice %arg6[%dma_wait3A_149, %dma_wait3A_150] : memref<10000x16xf32, #tpu.memory_space<hbm>> -> memref<128x16xf32, #tpu.memory_space<hbm>>
      %dma_wait3A_152 = arith.constant 0 : i32
      %dma_wait3A_153 = arith.constant 0 : i32
      %dma_wait3A_154 = tpu.memref_slice %arg6[%dma_wait3A_152, %dma_wait3A_153] : memref<10000x16xf32, #tpu.memory_space<hbm>> -> memref<128x16xf32, #tpu.memory_space<hbm>>
      tpu.wait_dma2 semaphore(%arg25 : memref<!tpu.dma_semaphore, #tpu.memory_space<semaphore_mem>>) src(%dma_wait3A_154 : memref<128x16xf32, #tpu.memory_space<hbm>>) dst(%arg18 : memref<128x16xf32, #tpu.memory_space<vmem>>)
      %scan3A_155 = arith.constant 0 : i32
      %scan3A_156 = arith.constant 0 : i32
      %scan3A_157 = arith.constant 128 : i32
      %scan3A_158 = arith.addi %scan3A_156, %scan3A_157 : i32
      %scan3A_159 = arith.constant 1 : i32
      scf.for %scan3A_164 = %scan3A_156 to %scan3A_158 step %scan3A_159  : i32 {
        %broadcast_in_dim3A = vector.broadcast %scan3A_164 : i32 to vector<16xi32>
        %gather3A = tpu.vector_load_idx %arg16[%broadcast_in_dim3A, %iota3A] masked %lt3A_4 : memref<128x8xf32, #tpu.memory_space<vmem>>[vector<16xi32>, vector<16xi32>], vector<16xf32>, vector<16xi1>
        %gather3A_165 = tpu.vector_load_idx %arg18[%broadcast_in_dim3A, %iota3A] : memref<128x16xf32, #tpu.memory_space<vmem>>[vector<16xi32>, vector<16xi32>], vector<16xf32>,
        %mul3A_166 = arith.mulf %gather3A, %gather3A_165 : vector<16xf32>
        %broadcast_in_dim3A_167 = arith.constant 0 : i32
        %broadcast_in_dim3A_168 = vector.broadcast %broadcast_in_dim3A_167 : i32 to vector<16x1xi32>
        %gather3A_169 = vector.shape_cast %broadcast_in_dim3A_168 : vector<16x1xi32> to vector<16xi32>
        %gather3A_170 = tpu.dynamic_gather %mul3A_166[%gather3A_169] in [0] : vector<16xf32>, vector<16xi32> -> vector<16xf32>
        %get3A = arith.index_cast %scan3A_164 : i32 to index
        %get3A_171 = arith.constant 0 : index
        %get3A_172 = tpu.vector_load %arg14[%get3A, %get3A_171] {strides = array<i32>} : memref<128x128xf32, #tpu.memory_space<vmem>>, vector<16xf32>,
        %mul3A_173 = arith.mulf %get3A_172, %gather3A_170 : vector<16xf32>
        %swap3A = arith.index_cast %scan3A_164 : i32 to index
        %swap3A_174 = arith.constant 0 : index
        %swap3A_175 = tpu.vector_load %arg14[%swap3A, %swap3A_174] {strides = array<i32>} : memref<128x128xf32, #tpu.memory_space<vmem>>, vector<16xf32>,
        tpu.vector_store %arg14[%swap3A, %swap3A_174], %mul3A_173 {strides = array<i32>} : memref<128x128xf32, #tpu.memory_space<vmem>>, vector<16xf32>,
        %broadcast_in_dim3A_176 = arith.constant 1 : i32
        %broadcast_in_dim3A_177 = vector.broadcast %broadcast_in_dim3A_176 : i32 to vector<16x1xi32>
        %gather3A_178 = vector.shape_cast %broadcast_in_dim3A_177 : vector<16x1xi32> to vector<16xi32>
        %gather3A_179 = tpu.dynamic_gather %mul3A_166[%gather3A_178] in [0] : vector<16xf32>, vector<16xi32> -> vector<16xf32>
        %get3A_180 = arith.index_cast %scan3A_164 : i32 to index
        %get3A_181 = arith.constant 16 : index
        %get3A_182 = tpu.vector_load %arg14[%get3A_180, %get3A_181] {strides = array<i32>} : memref<128x128xf32, #tpu.memory_space<vmem>>, vector<16xf32>,
        %mul3A_183 = arith.mulf %get3A_182, %gather3A_179 : vector<16xf32>
        %swap3A_184 = arith.index_cast %scan3A_164 : i32 to index
        %swap3A_185 = arith.constant 16 : index
        %swap3A_186 = tpu.vector_load %arg14[%swap3A_184, %swap3A_185] {strides = array<i32>} : memref<128x128xf32, #tpu.memory_space<vmem>>, vector<16xf32>,
        tpu.vector_store %arg14[%swap3A_184, %swap3A_185], %mul3A_183 {strides = array<i32>} : memref<128x128xf32, #tpu.memory_space<vmem>>, vector<16xf32>,
        %broadcast_in_dim3A_187 = arith.constant 2 : i32
        %broadcast_in_dim3A_188 = vector.broadcast %broadcast_in_dim3A_187 : i32 to vector<16x1xi32>
        %gather3A_189 = vector.shape_cast %broadcast_in_dim3A_188 : vector<16x1xi32> to vector<16xi32>
        %gather3A_190 = tpu.dynamic_gather %mul3A_166[%gather3A_189] in [0] : vector<16xf32>, vector<16xi32> -> vector<16xf32>
        %get3A_191 = arith.index_cast %scan3A_164 : i32 to index
        %get3A_192 = arith.constant 32 : index
        %get3A_193 = tpu.vector_load %arg14[%get3A_191, %get3A_192] {strides = array<i32>} : memref<128x128xf32, #tpu.memory_space<vmem>>, vector<16xf32>,
        %mul3A_194 = arith.mulf %get3A_193, %gather3A_190 : vector<16xf32>
        %swap3A_195 = arith.index_cast %scan3A_164 : i32 to index
        %swap3A_196 = arith.constant 32 : index
        %swap3A_197 = tpu.vector_load %arg14[%swap3A_195, %swap3A_196] {strides = array<i32>} : memref<128x128xf32, #tpu.memory_space<vmem>>, vector<16xf32>,
        tpu.vector_store %arg14[%swap3A_195, %swap3A_196], %mul3A_194 {strides = array<i32>} : memref<128x128xf32, #tpu.memory_space<vmem>>, vector<16xf32>,
        %broadcast_in_dim3A_198 = arith.constant 3 : i32
        %broadcast_in_dim3A_199 = vector.broadcast %broadcast_in_dim3A_198 : i32 to vector<16x1xi32>
        %gather3A_200 = vector.shape_cast %broadcast_in_dim3A_199 : vector<16x1xi32> to vector<16xi32>
        %gather3A_201 = tpu.dynamic_gather %mul3A_166[%gather3A_200] in [0] : vector<16xf32>, vector<16xi32> -> vector<16xf32>
        %get3A_202 = arith.index_cast %scan3A_164 : i32 to index
        %get3A_203 = arith.constant 48 : index
        %get3A_204 = tpu.vector_load %arg14[%get3A_202, %get3A_203] {strides = array<i32>} : memref<128x128xf32, #tpu.memory_space<vmem>>, vector<16xf32>,
        %mul3A_205 = arith.mulf %get3A_204, %gather3A_201 : vector<16xf32>
        %swap3A_206 = arith.index_cast %scan3A_164 : i32 to index
        %swap3A_207 = arith.constant 48 : index
        %swap3A_208 = tpu.vector_load %arg14[%swap3A_206, %swap3A_207] {strides = array<i32>} : memref<128x128xf32, #tpu.memory_space<vmem>>, vector<16xf32>,
        tpu.vector_store %arg14[%swap3A_206, %swap3A_207], %mul3A_205 {strides = array<i32>} : memref<128x128xf32, #tpu.memory_space<vmem>>, vector<16xf32>,
        %broadcast_in_dim3A_209 = arith.constant 4 : i32
        %broadcast_in_dim3A_210 = vector.broadcast %broadcast_in_dim3A_209 : i32 to vector<16x1xi32>
        %gather3A_211 = vector.shape_cast %broadcast_in_dim3A_210 : vector<16x1xi32> to vector<16xi32>
        %gather3A_212 = tpu.dynamic_gather %mul3A_166[%gather3A_211] in [0] : vector<16xf32>, vector<16xi32> -> vector<16xf32>
        %get3A_213 = arith.index_cast %scan3A_164 : i32 to index
        %get3A_214 = arith.constant 64 : index
        %get3A_215 = tpu.vector_load %arg14[%get3A_213, %get3A_214] {strides = array<i32>} : memref<128x128xf32, #tpu.memory_space<vmem>>, vector<16xf32>,
        %mul3A_216 = arith.mulf %get3A_215, %gather3A_212 : vector<16xf32>
        %swap3A_217 = arith.index_cast %scan3A_164 : i32 to index
        %swap3A_218 = arith.constant 64 : index
        %swap3A_219 = tpu.vector_load %arg14[%swap3A_217, %swap3A_218] {strides = array<i32>} : memref<128x128xf32, #tpu.memory_space<vmem>>, vector<16xf32>,
        tpu.vector_store %arg14[%swap3A_217, %swap3A_218], %mul3A_216 {strides = array<i32>} : memref<128x128xf32, #tpu.memory_space<vmem>>, vector<16xf32>,
        %broadcast_in_dim3A_220 = arith.constant 5 : i32
        %broadcast_in_dim3A_221 = vector.broadcast %broadcast_in_dim3A_220 : i32 to vector<16x1xi32>
        %gather3A_222 = vector.shape_cast %broadcast_in_dim3A_221 : vector<16x1xi32> to vector<16xi32>
        %gather3A_223 = tpu.dynamic_gather %mul3A_166[%gather3A_222] in [0] : vector<16xf32>, vector<16xi32> -> vector<16xf32>
        %get3A_224 = arith.index_cast %scan3A_164 : i32 to index
        %get3A_225 = arith.constant 80 : index
        %get3A_226 = tpu.vector_load %arg14[%get3A_224, %get3A_225] {strides = array<i32>} : memref<128x128xf32, #tpu.memory_space<vmem>>, vector<16xf32>,
        %mul3A_227 = arith.mulf %get3A_226, %gather3A_223 : vector<16xf32>
        %swap3A_228 = arith.index_cast %scan3A_164 : i32 to index
        %swap3A_229 = arith.constant 80 : index
        %swap3A_230 = tpu.vector_load %arg14[%swap3A_228, %swap3A_229] {strides = array<i32>} : memref<128x128xf32, #tpu.memory_space<vmem>>, vector<16xf32>,
        tpu.vector_store %arg14[%swap3A_228, %swap3A_229], %mul3A_227 {strides = array<i32>} : memref<128x128xf32, #tpu.memory_space<vmem>>, vector<16xf32>,
        %broadcast_in_dim3A_231 = arith.constant 6 : i32
        %broadcast_in_dim3A_232 = vector.broadcast %broadcast_in_dim3A_231 : i32 to vector<16x1xi32>
        %gather3A_233 = vector.shape_cast %broadcast_in_dim3A_232 : vector<16x1xi32> to vector<16xi32>
        %gather3A_234 = tpu.dynamic_gather %mul3A_166[%gather3A_233] in [0] : vector<16xf32>, vector<16xi32> -> vector<16xf32>
        %get3A_235 = arith.index_cast %scan3A_164 : i32 to index
        %get3A_236 = arith.constant 96 : index
        %get3A_237 = tpu.vector_load %arg14[%get3A_235, %get3A_236] {strides = array<i32>} : memref<128x128xf32, #tpu.memory_space<vmem>>, vector<16xf32>,
        %mul3A_238 = arith.mulf %get3A_237, %gather3A_234 : vector<16xf32>
        %swap3A_239 = arith.index_cast %scan3A_164 : i32 to index
        %swap3A_240 = arith.constant 96 : index
        %swap3A_241 = tpu.vector_load %arg14[%swap3A_239, %swap3A_240] {strides = array<i32>} : memref<128x128xf32, #tpu.memory_space<vmem>>, vector<16xf32>,
        tpu.vector_store %arg14[%swap3A_239, %swap3A_240], %mul3A_238 {strides = array<i32>} : memref<128x128xf32, #tpu.memory_space<vmem>>, vector<16xf32>,
        %broadcast_in_dim3A_242 = arith.constant 7 : i32
        %broadcast_in_dim3A_243 = vector.broadcast %broadcast_in_dim3A_242 : i32 to vector<16x1xi32>
        %gather3A_244 = vector.shape_cast %broadcast_in_dim3A_243 : vector<16x1xi32> to vector<16xi32>
        %gather3A_245 = tpu.dynamic_gather %mul3A_166[%gather3A_244] in [0] : vector<16xf32>, vector<16xi32> -> vector<16xf32>
        %get3A_246 = arith.index_cast %scan3A_164 : i32 to index
        %get3A_247 = arith.constant 112 : index
        %get3A_248 = tpu.vector_load %arg14[%get3A_246, %get3A_247] {strides = array<i32>} : memref<128x128xf32, #tpu.memory_space<vmem>>, vector<16xf32>,
        %mul3A_249 = arith.mulf %get3A_248, %gather3A_245 : vector<16xf32>
        %swap3A_250 = arith.index_cast %scan3A_164 : i32 to index
        %swap3A_251 = arith.constant 112 : index
        %swap3A_252 = tpu.vector_load %arg14[%swap3A_250, %swap3A_251] {strides = array<i32>} : memref<128x128xf32, #tpu.memory_space<vmem>>, vector<16xf32>,
        tpu.vector_store %arg14[%swap3A_250, %swap3A_251], %mul3A_249 {strides = array<i32>} : memref<128x128xf32, #tpu.memory_space<vmem>>, vector<16xf32>,
      }
      %scan3A_160 = arith.constant 128 : i32
      "tpu.region"() ({
        %run_scoped3A = tpu.sem_alloc : memref<!tpu.dma_semaphore, #tpu.memory_space<semaphore_mem>>
        %dma_start3A_164 = arith.constant 0 : i32
        %dma_start3A_165 = arith.constant 0 : i32
        %dma_start3A_166 = tpu.memref_slice %arg19[%dma_start3A_164, %dma_start3A_165] : memref<10000x128xf32, #tpu.memory_space<vmem_shared>> -> memref<10000x128xf32, #tpu.memory_space<vmem_shared>>
        tpu.enqueue_indirect_dma source(%arg14 : memref<128x128xf32, #tpu.memory_space<vmem>>) target(%dma_start3A_166 : memref<10000x128xf32, #tpu.memory_space<vmem_shared>>) offsets(%arg12 : memref<128xi32, #tpu.memory_space<vmem>>) semaphore(%run_scoped3A : memref<!tpu.dma_semaphore, #tpu.memory_space<semaphore_mem>>) {add = true}
        %dma_wait3A_167 = arith.constant 0 : i32
        %dma_wait3A_168 = arith.constant 0 : i32
        %dma_wait3A_169 = tpu.memref_slice %arg19[%dma_wait3A_167, %dma_wait3A_168] : memref<10000x128xf32, #tpu.memory_space<vmem_shared>> -> memref<10000x128xf32, #tpu.memory_space<vmem_shared>>
        tpu.wait_indirect_dma semaphore(%run_scoped3A : memref<!tpu.dma_semaphore, #tpu.memory_space<semaphore_mem>>) src(%arg14 : memref<128x128xf32, #tpu.memory_space<vmem>>) dst(%dma_wait3A_169 : memref<10000x128xf32, #tpu.memory_space<vmem_shared>>)
        tpu.yield
      }) : () -> ()
      %convert_element_type3A_161 = arith.extui %lt3A_86 : i1 to i32
      %cond3A_162 = arith.constant 0 : i32
      %cond3A_163 = arith.cmpi ne, %convert_element_type3A_161, %cond3A_162 : i32
      scf.if %cond3A_163 {
        %add3A_164 = arith.constant 2 : i32
        %add3A_165 = arith.addi %add3A_139, %add3A_164 : i32
        %mul3A_166 = arith.constant 82 : i32
        %mul3A_167 = arith.muli %add3A, %mul3A_166 : i32
        %add3A_168 = arith.addi %mul3A_167, %add3A_165 : i32
        %dma_start3A_169 = arith.constant 0 : i32
        %dma_start3A_170 = tpu.memref_slice %arg3[%add3A_168, %dma_start3A_169] : memref<2624x128xi32, #tpu.memory_space<hbm>> -> memref<1x128xi32, #tpu.memory_space<hbm>>
        %dma_start3A_171 = tpu.memref_squeeze %dma_start3A_170 : memref<1x128xi32, #tpu.memory_space<hbm>> -> memref<128xi32, #tpu.memory_space<hbm>>
        %dma_start3A_172 = arith.constant 0 : i32
        %dma_start3A_173 = tpu.memref_slice %arg3[%add3A_168, %dma_start3A_172] : memref<2624x128xi32, #tpu.memory_space<hbm>> -> memref<1x128xi32, #tpu.memory_space<hbm>>
        %dma_start3A_174 = tpu.memref_squeeze %dma_start3A_173 : memref<1x128xi32, #tpu.memory_space<hbm>> -> memref<128xi32, #tpu.memory_space<hbm>>
        tpu.enqueue_dma source(%dma_start3A_174 : memref<128xi32, #tpu.memory_space<hbm>>) target(%arg10 : memref<128xi32, #tpu.memory_space<vmem>>) target_semaphore(%arg21 : memref<!tpu.dma_semaphore, #tpu.memory_space<semaphore_mem>>)
        %dma_start3A_175 = arith.constant 0 : i32
        %dma_start3A_176 = tpu.memref_slice %arg4[%add3A_168, %dma_start3A_175] : memref<2624x128xi32, #tpu.memory_space<hbm>> -> memref<1x128xi32, #tpu.memory_space<hbm>>
        %dma_start3A_177 = tpu.memref_squeeze %dma_start3A_176 : memref<1x128xi32, #tpu.memory_space<hbm>> -> memref<128xi32, #tpu.memory_space<hbm>>
        %dma_start3A_178 = arith.constant 0 : i32
        %dma_start3A_179 = tpu.memref_slice %arg4[%add3A_168, %dma_start3A_178] : memref<2624x128xi32, #tpu.memory_space<hbm>> -> memref<1x128xi32, #tpu.memory_space<hbm>>
        %dma_start3A_180 = tpu.memref_squeeze %dma_start3A_179 : memref<1x128xi32, #tpu.memory_space<hbm>> -> memref<128xi32, #tpu.memory_space<hbm>>
        tpu.enqueue_dma source(%dma_start3A_180 : memref<128xi32, #tpu.memory_space<hbm>>) target(%arg12 : memref<128xi32, #tpu.memory_space<vmem>>) target_semaphore(%arg21 : memref<!tpu.dma_semaphore, #tpu.memory_space<semaphore_mem>>)
        %mul3A_181 = arith.constant 128 : i32
        %mul3A_182 = arith.muli %add3A_168, %mul3A_181 : i32
        %dma_start3A_183 = arith.constant 0 : i32
        %dma_start3A_184 = tpu.memref_slice %arg5[%mul3A_182, %dma_start3A_183] : memref<335872x8xf32, #tpu.memory_space<hbm>> -> memref<128x8xf32, #tpu.memory_space<hbm>>
        %dma_start3A_185 = arith.constant 0 : i32
        %dma_start3A_186 = tpu.memref_slice %arg5[%mul3A_182, %dma_start3A_185] : memref<335872x8xf32, #tpu.memory_space<hbm>> -> memref<128x8xf32, #tpu.memory_space<hbm>>
        tpu.enqueue_dma source(%dma_start3A_186 : memref<128x8xf32, #tpu.memory_space<hbm>>) target(%arg16 : memref<128x8xf32, #tpu.memory_space<vmem>>) target_semaphore(%arg21 : memref<!tpu.dma_semaphore, #tpu.memory_space<semaphore_mem>>)
      } else {
      }
    }
    %scan3A_77 = arith.constant 41 : i32
    %barrier3A_78 = arith.constant 0 : index
    tpu.barrier barrier_id(%barrier3A_78)
    %eq3A_79 = arith.constant 0 : i32
    %eq3A_80 = arith.cmpi eq, %arg1, %eq3A_79 : i32
    %convert_element_type3A_81 = arith.extui %eq3A_80 : i1 to i32
    %cond3A_82 = arith.constant 0 : i32
    %cond3A_83 = arith.cmpi ne, %convert_element_type3A_81, %cond3A_82 : i32
    scf.if %cond3A_83 {
      "tpu.region"() ({
        %run_scoped3A = tpu.sem_alloc : memref<!tpu.dma_semaphore, #tpu.memory_space<semaphore_mem>>
        %dma_start3A_84 = arith.constant 0 : i32
        %dma_start3A_85 = arith.constant 0 : i32
        %dma_start3A_86 = tpu.memref_slice %arg8[%arg0, %dma_start3A_84, %dma_start3A_85] : memref<2x10000x128xf32, #tpu.memory_space<hbm>> -> memref<1x10000x128xf32, #tpu.memory_space<hbm>>
        %dma_start3A_87 = tpu.memref_squeeze %dma_start3A_86 : memref<1x10000x128xf32, #tpu.memory_space<hbm>> -> memref<10000x128xf32, #tpu.memory_space<hbm>>
        tpu.enqueue_dma source(%arg19 : memref<10000x128xf32, #tpu.memory_space<vmem_shared>>) target(%dma_start3A_87 : memref<10000x128xf32, #tpu.memory_space<hbm>>) target_semaphore(%run_scoped3A : memref<!tpu.dma_semaphore, #tpu.memory_space<semaphore_mem>>)
        %dma_wait3A_88 = arith.constant 0 : i32
        %dma_wait3A_89 = arith.constant 0 : i32
        %dma_wait3A_90 = tpu.memref_slice %arg8[%arg0, %dma_wait3A_88, %dma_wait3A_89] : memref<2x10000x128xf32, #tpu.memory_space<hbm>> -> memref<1x10000x128xf32, #tpu.memory_space<hbm>>
        %dma_wait3A_91 = tpu.memref_squeeze %dma_wait3A_90 : memref<1x10000x128xf32, #tpu.memory_space<hbm>> -> memref<10000x128xf32, #tpu.memory_space<hbm>>
        tpu.wait_dma2 semaphore(%run_scoped3A : memref<!tpu.dma_semaphore, #tpu.memory_space<semaphore_mem>>) src(%arg19 : memref<10000x128xf32, #tpu.memory_space<vmem_shared>>) dst(%dma_wait3A_91 : memref<10000x128xf32, #tpu.memory_space<hbm>>)
        tpu.yield
      }) : () -> ()
    } else {
    }
    return
  }
}

module attributes {stable_mosaic.version = 14 : i64} {
  func.func @_mm_body(%arg0: i32, %arg1: memref<400x128xf32, #tpu.memory_space<vmem>>, %arg2: memref<128x128xf32, #tpu.memory_space<vmem>>, %arg3: memref<128x16xf32, #tpu.memory_space<vmem>>, %arg4: memref<400x128xf32, #tpu.memory_space<vmem>>, %arg5: memref<400x16xf32, #tpu.memory_space<vmem>>) attributes {dimension_semantics = [#tpu.dimension_semantics<arbitrary>], iteration_bounds = array<i64: 25>, scalar_prefetch = 0 : i64, scratch_operands = 0 : i64, tpu.core_type = #tpu.core_type<tc>, window_params = [{transform_indices = @transform_0, window_bounds = array<i64: 400, 128>}, {pipeline_mode = #tpu.pipeline_mode<synchronous>, transform_indices = @transform_1, window_bounds = array<i64: 128, 128>}, {pipeline_mode = #tpu.pipeline_mode<synchronous>, transform_indices = @transform_2, window_bounds = array<i64: 128, 16>}, {transform_indices = @transform_3, window_bounds = array<i64: 400, 128>}, {transform_indices = @transform_4, window_bounds = array<i64: 400, 16>}]} {
    %get3A = arith.constant 0 : index
    %get3A_0 = arith.constant 0 : index
    %get3A_1 = vector.load %arg1[%get3A, %get3A_0] : memref<400x128xf32, #tpu.memory_space<vmem>>, vector<400x128xf32>
    %get3A_2 = arith.constant 0 : index
    %get3A_3 = arith.constant 0 : index
    %get3A_4 = vector.load %arg2[%get3A_2, %get3A_3] : memref<128x128xf32, #tpu.memory_space<vmem>>, vector<128x128xf32>
    %dot_general3A = arith.constant dense<0.000000e+00> : vector<400x128xf32>
    %dot_general3A_5 = tpu.matmul %get3A_1, %get3A_4, %dot_general3A {dimension_numbers = #tpu.dot_dimension_numbers<[1], [0], [0], [1], [0, 0, 1, 1], [], []>, transpose_lhs_hint = false} : vector<400x128xf32>, vector<128x128xf32>, vector<400x128xf32> -> vector<400x128xf32>
    %swap3A = arith.constant 0 : index
    %swap3A_6 = arith.constant 0 : index
    %swap3A_7 = vector.load %arg4[%swap3A, %swap3A_6] : memref<400x128xf32, #tpu.memory_space<vmem>>, vector<400x128xf32>
    tpu.vector_store %arg4[%swap3A, %swap3A_6], %dot_general3A_5 {strides = array<i32>} : memref<400x128xf32, #tpu.memory_space<vmem>>, vector<400x128xf32>,
    %get3A_8 = arith.constant 0 : index
    %get3A_9 = arith.constant 0 : index
    %get3A_10 = vector.load %arg3[%get3A_8, %get3A_9] : memref<128x16xf32, #tpu.memory_space<vmem>>, vector<128x16xf32>
    %dot_general3A_11 = arith.constant dense<0.000000e+00> : vector<400x16xf32>
    %dot_general3A_12 = tpu.matmul %dot_general3A_5, %get3A_10, %dot_general3A_11 {dimension_numbers = #tpu.dot_dimension_numbers<[1], [0], [0], [1], [0, 0, 1, 1], [], []>, transpose_lhs_hint = false} : vector<400x128xf32>, vector<128x16xf32>, vector<400x16xf32> -> vector<400x16xf32>
    %swap3A_13 = arith.constant 0 : index
    %swap3A_14 = arith.constant 0 : index
    %swap3A_15 = vector.load %arg5[%swap3A_13, %swap3A_14] : memref<400x16xf32, #tpu.memory_space<vmem>>, vector<400x16xf32>
    tpu.vector_store %arg5[%swap3A_13, %swap3A_14], %dot_general3A_12 {strides = array<i32>} : memref<400x16xf32, #tpu.memory_space<vmem>>, vector<400x16xf32>,
    return
  }
  func.func @transform_0(%arg0: i32) -> (i32, i32) {
    %c0_i32 = arith.constant 0 : i32
    %c0_i32_0 = arith.constant 0 : i32
    return %arg0, %c0_i32 : i32, i32
  }
  func.func @transform_1(%arg0: i32) -> (i32, i32) {
    %c0_i32 = arith.constant 0 : i32
    %c0_i32_0 = arith.constant 0 : i32
    %c0_i32_1 = arith.constant 0 : i32
    return %c0_i32, %c0_i32_0 : i32, i32
  }
  func.func @transform_2(%arg0: i32) -> (i32, i32) {
    %c0_i32 = arith.constant 0 : i32
    %c0_i32_0 = arith.constant 0 : i32
    %c0_i32_1 = arith.constant 0 : i32
    return %c0_i32, %c0_i32_0 : i32, i32
  }
  func.func @transform_3(%arg0: i32) -> (i32, i32) {
    %c0_i32 = arith.constant 0 : i32
    %c0_i32_0 = arith.constant 0 : i32
    return %arg0, %c0_i32 : i32, i32
  }
  func.func @transform_4(%arg0: i32) -> (i32, i32) {
    %c0_i32 = arith.constant 0 : i32
    %c0_i32_0 = arith.constant 0 : i32
    return %arg0, %c0_i32 : i32, i32
  }
}

module attributes {stable_mosaic.version = 14 : i64} {
  func.func @_rd_body(%arg0: i32, %arg1: memref<2x400x8xf32, #tpu.memory_space<vmem>>, %arg2: memref<400x16xf32, #tpu.memory_space<vmem>>) attributes {dimension_semantics = [#tpu.dimension_semantics<arbitrary>], iteration_bounds = array<i64: 25>, scalar_prefetch = 0 : i64, scratch_operands = 0 : i64, tpu.core_type = #tpu.core_type<tc>, window_params = [{transform_indices = @transform_0, window_bounds = array<i64: 2, 400, 8>}, {transform_indices = @transform_1, window_bounds = array<i64: 400, 16>}]} {
    %get3A = arith.constant 0 : index
    %get3A_0 = arith.constant 0 : index
    %get3A_1 = arith.constant 0 : index
    %get3A_2 = vector.load %arg1[%get3A, %get3A_0, %get3A_1] : memref<2x400x8xf32, #tpu.memory_space<vmem>>, vector<1x400x8xf32>
    %get3A_3 = vector.shape_cast %get3A_2 : vector<1x400x8xf32> to vector<400x8xf32>
    %get3A_4 = arith.constant 1 : index
    %get3A_5 = arith.constant 0 : index
    %get3A_6 = arith.constant 0 : index
    %get3A_7 = vector.load %arg1[%get3A_4, %get3A_5, %get3A_6] : memref<2x400x8xf32, #tpu.memory_space<vmem>>, vector<1x400x8xf32>
    %get3A_8 = vector.shape_cast %get3A_7 : vector<1x400x8xf32> to vector<400x8xf32>
    %add3A = arith.addf %get3A_3, %get3A_8 : vector<400x8xf32>
    %div3A = arith.constant 1.000000e+00 : f32
    %div3A_9 = vector.broadcast %div3A : f32 to vector<400x8xf32>
    %div3A_10 = arith.divf %div3A_9, %add3A : vector<400x8xf32>
    %concatenate3A = tpu.concatenate %div3A_10, %div3A_10 in 1 : vector<400x8xf32>, vector<400x8xf32> -> vector<400x16xf32>
    %swap3A = arith.constant 0 : index
    %swap3A_11 = arith.constant 0 : index
    %swap3A_12 = vector.load %arg2[%swap3A, %swap3A_11] : memref<400x16xf32, #tpu.memory_space<vmem>>, vector<400x16xf32>
    tpu.vector_store %arg2[%swap3A, %swap3A_11], %concatenate3A {strides = array<i32>} : memref<400x16xf32, #tpu.memory_space<vmem>>, vector<400x16xf32>,
    return
  }
  func.func @transform_0(%arg0: i32) -> (i32, i32, i32) {
    %c0_i32 = arith.constant 0 : i32
    %c0_i32_0 = arith.constant 0 : i32
    %c0_i32_1 = arith.constant 0 : i32
    return %c0_i32, %arg0, %c0_i32_0 : i32, i32, i32
  }
  func.func @transform_1(%arg0: i32) -> (i32, i32) {
    %c0_i32 = arith.constant 0 : i32
    %c0_i32_0 = arith.constant 0 : i32
    return %arg0, %c0_i32 : i32, i32
  }
}

module attributes {stable_mosaic.version = 14 : i64} {
  func.func @_fin_body(%arg0: i32, %arg1: memref<2x400x128xf32, #tpu.memory_space<vmem>>, %arg2: memref<400x128xf32, #tpu.memory_space<vmem>>, %arg3: memref<1x128xf32, #tpu.memory_space<vmem>>, %arg4: memref<1x128xf32, #tpu.memory_space<vmem>>, %arg5: memref<1x128xf32, #tpu.memory_space<vmem>>, %arg6: memref<400x128xf32, #tpu.memory_space<vmem>>) attributes {dimension_semantics = [#tpu.dimension_semantics<arbitrary>], iteration_bounds = array<i64: 25>, scalar_prefetch = 0 : i64, scratch_operands = 0 : i64, tpu.core_type = #tpu.core_type<tc>, window_params = [{transform_indices = @transform_0, window_bounds = array<i64: 2, 400, 128>}, {transform_indices = @transform_1, window_bounds = array<i64: 400, 128>}, {pipeline_mode = #tpu.pipeline_mode<synchronous>, transform_indices = @transform_2, window_bounds = array<i64: 1, 128>}, {pipeline_mode = #tpu.pipeline_mode<synchronous>, transform_indices = @transform_3, window_bounds = array<i64: 1, 128>}, {pipeline_mode = #tpu.pipeline_mode<synchronous>, transform_indices = @transform_4, window_bounds = array<i64: 1, 128>}, {transform_indices = @transform_5, window_bounds = array<i64: 400, 128>}]} {
    %get3A = arith.constant 0 : index
    %get3A_0 = arith.constant 0 : index
    %get3A_1 = arith.constant 0 : index
    %get3A_2 = vector.load %arg1[%get3A, %get3A_0, %get3A_1] : memref<2x400x128xf32, #tpu.memory_space<vmem>>, vector<1x400x128xf32>
    %get3A_3 = vector.shape_cast %get3A_2 : vector<1x400x128xf32> to vector<400x128xf32>
    %get3A_4 = arith.constant 1 : index
    %get3A_5 = arith.constant 0 : index
    %get3A_6 = arith.constant 0 : index
    %get3A_7 = vector.load %arg1[%get3A_4, %get3A_5, %get3A_6] : memref<2x400x128xf32, #tpu.memory_space<vmem>>, vector<1x400x128xf32>
    %get3A_8 = vector.shape_cast %get3A_7 : vector<1x400x128xf32> to vector<400x128xf32>
    %add3A = arith.addf %get3A_3, %get3A_8 : vector<400x128xf32>
    %get3A_9 = arith.constant 0 : index
    %get3A_10 = arith.constant 0 : index
    %get3A_11 = vector.load %arg3[%get3A_9, %get3A_10] : memref<1x128xf32, #tpu.memory_space<vmem>>, vector<1x128xf32>
    %add3A_12 = vector.broadcast %get3A_11 : vector<1x128xf32> to vector<400x128xf32>
    %add3A_13 = arith.addf %add3A, %add3A_12 : vector<400x128xf32>
    %get3A_14 = arith.constant 0 : index
    %get3A_15 = arith.constant 0 : index
    %get3A_16 = vector.load %arg2[%get3A_14, %get3A_15] : memref<400x128xf32, #tpu.memory_space<vmem>>, vector<400x128xf32>
    %add3A_17 = arith.addf %add3A_13, %get3A_16 : vector<400x128xf32>
    %reduce_sum3A = arith.constant dense<0.000000e+00> : vector<400xf32>
    %reduce_sum3A_18 = vector.multi_reduction <add>, %add3A_17, %reduce_sum3A [1] : vector<400x128xf32> to vector<400xf32>
    %broadcast_in_dim3A = vector.shape_cast %reduce_sum3A_18 : vector<400xf32> to vector<400x1xf32>
    %div3A = arith.constant 1.280000e+02 : f32
    %div3A_19 = vector.broadcast %div3A : f32 to vector<400x1xf32>
    %div3A_20 = arith.divf %broadcast_in_dim3A, %div3A_19 : vector<400x1xf32>
    %sub3A = vector.broadcast %div3A_20 : vector<400x1xf32> to vector<400x128xf32>
    %sub3A_21 = arith.subf %add3A_17, %sub3A : vector<400x128xf32>
    %integer_pow3A = arith.mulf %sub3A_21, %sub3A_21 : vector<400x128xf32>
    %reduce_sum3A_22 = arith.constant dense<0.000000e+00> : vector<400xf32>
    %reduce_sum3A_23 = vector.multi_reduction <add>, %integer_pow3A, %reduce_sum3A_22 [1] : vector<400x128xf32> to vector<400xf32>
    %broadcast_in_dim3A_24 = vector.shape_cast %reduce_sum3A_23 : vector<400xf32> to vector<400x1xf32>
    %div3A_25 = arith.constant 1.280000e+02 : f32
    %div3A_26 = vector.broadcast %div3A_25 : f32 to vector<400x1xf32>
    %div3A_27 = arith.divf %broadcast_in_dim3A_24, %div3A_26 : vector<400x1xf32>
    %sub3A_28 = vector.broadcast %div3A_20 : vector<400x1xf32> to vector<400x128xf32>
    %sub3A_29 = arith.subf %add3A_17, %sub3A_28 : vector<400x128xf32>
    %add3A_30 = arith.constant 9.99999974E-6 : f32
    %add3A_31 = vector.broadcast %add3A_30 : f32 to vector<400x1xf32>
    %add3A_32 = arith.addf %div3A_27, %add3A_31 : vector<400x1xf32>
    %rsqrt3A = math.rsqrt %add3A_32 : vector<400x1xf32>
    %mul3A = vector.broadcast %rsqrt3A : vector<400x1xf32> to vector<400x128xf32>
    %mul3A_33 = arith.mulf %sub3A_29, %mul3A : vector<400x128xf32>
    %get3A_34 = arith.constant 0 : index
    %get3A_35 = arith.constant 0 : index
    %get3A_36 = vector.load %arg4[%get3A_34, %get3A_35] : memref<1x128xf32, #tpu.memory_space<vmem>>, vector<1x128xf32>
    %mul3A_37 = vector.broadcast %get3A_36 : vector<1x128xf32> to vector<400x128xf32>
    %mul3A_38 = arith.mulf %mul3A_33, %mul3A_37 : vector<400x128xf32>
    %get3A_39 = arith.constant 0 : index
    %get3A_40 = arith.constant 0 : index
    %get3A_41 = vector.load %arg5[%get3A_39, %get3A_40] : memref<1x128xf32, #tpu.memory_space<vmem>>, vector<1x128xf32>
    %add3A_42 = vector.broadcast %get3A_41 : vector<1x128xf32> to vector<400x128xf32>
    %add3A_43 = arith.addf %mul3A_38, %add3A_42 : vector<400x128xf32>
    %swap3A = arith.constant 0 : index
    %swap3A_44 = arith.constant 0 : index
    %swap3A_45 = vector.load %arg6[%swap3A, %swap3A_44] : memref<400x128xf32, #tpu.memory_space<vmem>>, vector<400x128xf32>
    tpu.vector_store %arg6[%swap3A, %swap3A_44], %add3A_43 {strides = array<i32>} : memref<400x128xf32, #tpu.memory_space<vmem>>, vector<400x128xf32>,
    return
  }
  func.func @transform_0(%arg0: i32) -> (i32, i32, i32) {
    %c0_i32 = arith.constant 0 : i32
    %c0_i32_0 = arith.constant 0 : i32
    %c0_i32_1 = arith.constant 0 : i32
    return %c0_i32, %arg0, %c0_i32_0 : i32, i32, i32
  }
  func.func @transform_1(%arg0: i32) -> (i32, i32) {
    %c0_i32 = arith.constant 0 : i32
    %c0_i32_0 = arith.constant 0 : i32
    return %arg0, %c0_i32 : i32, i32
  }
  func.func @transform_2(%arg0: i32) -> (i32, i32) {
    %c0_i32 = arith.constant 0 : i32
    %c0_i32_0 = arith.constant 0 : i32
    %c0_i32_1 = arith.constant 0 : i32
    return %c0_i32, %c0_i32_0 : i32, i32
  }
  func.func @transform_3(%arg0: i32) -> (i32, i32) {
    %c0_i32 = arith.constant 0 : i32
    %c0_i32_0 = arith.constant 0 : i32
    %c0_i32_1 = arith.constant 0 : i32
    return %c0_i32, %c0_i32_0 : i32, i32
  }
  func.func @transform_4(%arg0: i32) -> (i32, i32) {
    %c0_i32 = arith.constant 0 : i32
    %c0_i32_0 = arith.constant 0 : i32
    %c0_i32_1 = arith.constant 0 : i32
    return %c0_i32, %c0_i32_0 : i32, i32
  }
  func.func @transform_5(%arg0: i32) -> (i32, i32) {
    %c0_i32 = arith.constant 0 : i32
    %c0_i32_0 = arith.constant 0 : i32
    return %arg0, %c0_i32 : i32, i32
  }
}

</mosaic_0001>

<sc_bundles>
// kernel: kernel.10.cloned.1.call-start
scs
__scs_entry_jumppad:
0x0: {  	(pc) =	sbr.rel $0x88, $3  }
0x1: {  	(tag) =	ssettag $0x0;
	lr =	simm.s32 $0x1  }
0x2: {  	[smem:$0x3F99] =	sst lr;
	_ =	strace $0xD0000000  }
0x3: {  	_ = 	snop  }
0x4: {  	_ = 	snop  }
0x5: {  	_ = 	snop  }
0x6: {  	_ = 	snop  }
0x7: {  	_ = 	snop  }
__scs_overlays_trampoline_lowered:
0x8: {  	[smem:$0x3FA8] =	sst s0  }
0x9: {  	[smem:$0x3FA9] =	sst s1  }
0xa: {  	[smem:$0x3FAA] =	sst s2  }
0xb: {  	[smem:$0x3FAB] =	sst s3  }
0xc: {  	[smem:$0x3FAC] =	sst s4  }
0xd: {  	[smem:$0x3FAD] =	sst s5  }
0xe: {  	[smem:$0x3FAE] =	sst s6  }
0xf: {  	[smem:$0x3FAF] =	sst s7  }
0x10: {  	[smem:$0x3FB0] =	sst s8  }
0x11: {  	[smem:$0x3FB1] =	sst s9;
	s0 =	simm.s32 @!p0 $0x0  }
0x12: {  	s1 =	sld [smem:$0x3F97];
	s0 =	simm.s32 @p0 $0x1  }
0x13: {  	[smem:$0x3FB2] =	sst s0;
	s0 =	simm.s32 @!p1 $0x0  }
0x14: {  	s2 =	sld [smem:$0x3F96];
	s0 =	simm.s32 @p1 $0x1  }
0x15: {  	[smem:$0x3FB3] =	sst s0;
	s0 =	simm.s32 @!p2 $0x0  }
0x16: {  	s3 =	sld [smem:$0x3FDB];
	s0 =	simm.s32 @p2 $0x1  }
0x17: {  	s4 =	simm.s32 $0x1BF5;
	[smem:$0x3FB5] =	sst s0  }
0x18: {  	s0 =	sld [smem:$0x3F98];
	_ =	swait.ge [sflag:s4], $0x0  }
0x19: {  	s7 =	sld [smem:$0x3F99]  }
0x1a: {  	s8 =	sadd.s32 $0xFFFFE003, lr  }
0x1b: {  	s9 =	sadd.s32 $0xFFFFFEF7, lr;
	s5 =	simm.s32 $0xFFFFFFFF;
	p2 =	slt.u32 s8, $0xFFFFF086  }
0x1c: {  	p1 =	slt.u32 s9, $0xF7A;
	s5 =	simm.s32 @!p2 $0x0  }
0x1d: {  	s5 =	simm.s32 @p1 $0x1;
	p0 =	seq.s32 s7, s2  }
0x1e: {  	s7 =	smul.u32 @!p0 $0xF7A, s2;
	p2 =	seq.s32 @!p0 s5, $0x0  }
0x1f: {  	s9 =	smul.u32 $0xF7A, s1;
	s8 =	simm.s32 @!p0 $0x1BF5;
	p2 =	por !p2, p0  }
0x20: {  	[sflag:s8] =	ssyncset.s32 @!p0 $0xFFFFF086;
	s6 =	sadd.s32 @!p0 s3, s7;
	s7 =	simm.s32 @!p0 $0x108  }
0x21: {  	s3 =	sadd.s32 s3, s9;
	s6 =	sadd.s32 @!p0 $0x88, s6;
	s7 =	simm.s32 @p2 $0x1082  }
0x22: {  	[simem:s7], [sflag:s8] =	dma.local @!p0 [hbm:s6], $0xF7A  }
0x23: {  	s9 =	sor.u32 $0xD0000000, s2;
	s6 =	simm.s32 $0x108;
	_ =	swait.ge @!p0 [sflag:s8], $0x0  }
0x24: {  	s3 =	sadd.s32 $0x88, s3;
	s6 =	simm.s32 @!p1 $0x1082;
	[sflag:s4] =	ssyncset.s32 $0xFFFFF086  }
0x25: {  	[simem:s6], [sflag:s4] =	dma.local [hbm:s3], $0xF7A  }
0x26: {  	[smem:$0x3F99] =	sst s1;
	(tag) =	ssettag s2;
	_ =	strace s9  }
0x27: {  	s1 =	sld [smem:$0x3FA9]  }
0x28: {  	s2 =	sld [smem:$0x3FAA]  }
0x29: {  	s4 =	sld [smem:$0x3FAC]  }
0x2a: {  	p0 =	seq.s32 s5, $0x0;
	s5 =	sld [smem:$0x3FAD]  }
0x2b: {  	s6 =	sld [smem:$0x3FAE]  }
0x2c: {  	s7 =	sld [smem:$0x3FAF]  }
0x2d: {  	s3 =	simm.s32 $0x108;
	s8 =	sld [smem:$0x3FB0]  }
0x2e: {  	s3 =	simm.s32 @!p0 $0x1082;
	s9 =	sld [smem:$0x3FB1]  }
0x2f: {  	lr =	sadd.s32 s0, s3;
	s0 =	sld [smem:$0x3FA8]  }
0x30: {  	s3 =	sld [smem:$0x3FAB]  }
0x31: {  	[smem:$0x3FB4] =	sst s10  }
0x32: {  	s10 =	sld [smem:$0x3FB2];
	_ =	sdelay $0x3  }
0x33: {  	p0 =	seq.s32 s10, $0x1;
	s10 =	sld [smem:$0x3FB4];
	_ =	sdelay $0x3  }
0x34: {  	[smem:$0x3FB4] =	sst s10  }
0x35: {  	s10 =	sld [smem:$0x3FB3];
	_ =	sdelay $0x3  }
0x36: {  	p1 =	seq.s32 s10, $0x1;
	s10 =	sld [smem:$0x3FB4];
	_ =	sdelay $0x3  }
0x37: {  	[smem:$0x3FB4] =	sst s10  }
0x38: {  	s10 =	sld [smem:$0x3FB5]  }
0x39: {  	_ = 	snop;
	(pc) =	sbr.ind lr, $3  }
0x3a: {  	_ = 	snop  }
0x3b: {  	_ = 	snop  }
0x3c: {  	p2 =	seq.s32 s10, $0x1;
	s10 =	sld [smem:$0x3FB4]  }
0x3d: {  	_ =	shalt  }
0x3e: {  	_ =	shalt  }
0x3f: {  	_ =	shalt  }
0x40: {  	_ =	shalt  }
0x41: {  	_ =	shalt  }
0x42: {  	_ =	shalt  }
0x43: {  	_ =	shalt  }
0x44: {  	_ =	shalt  }
0x45: {  	_ =	shalt  }
0x46: {  	_ =	shalt  }
0x47: {  	_ =	shalt  }
0x48: {  	_ =	shalt  }
0x49: {  	_ =	shalt  }
0x4a: {  	_ =	shalt  }
0x4b: {  	_ =	shalt  }
0x4c: {  	_ =	shalt  }
0x4d: {  	_ =	shalt  }
0x4e: {  	_ =	shalt  }
0x4f: {  	_ =	shalt  }
0x50: {  	_ =	shalt  }
0x51: {  	_ =	shalt  }
0x52: {  	_ =	shalt  }
0x53: {  	_ =	shalt  }
0x54: {  	_ =	shalt  }
0x55: {  	_ =	shalt  }
0x56: {  	_ =	shalt  }
0x57: {  	_ =	shalt  }
0x58: {  	_ =	shalt  }
0x59: {  	_ =	shalt  }
0x5a: {  	_ =	shalt  }
0x5b: {  	_ =	shalt  }
0x5c: {  	_ =	shalt  }
0x5d: {  	_ =	shalt  }
0x5e: {  	_ =	shalt  }
0x5f: {  	_ =	shalt  }
0x60: {  	_ =	shalt  }
0x61: {  	_ =	shalt  }
0x62: {  	_ =	shalt  }
0x63: {  	_ =	shalt  }
0x64: {  	_ =	shalt  }
0x65: {  	_ =	shalt  }
0x66: {  	_ =	shalt  }
0x67: {  	_ =	shalt  }
0x68: {  	_ =	shalt  }
0x69: {  	_ =	shalt  }
0x6a: {  	_ =	shalt  }
0x6b: {  	_ =	shalt  }
0x6c: {  	_ =	shalt  }
0x6d: {  	_ =	shalt  }
0x6e: {  	_ =	shalt  }
0x6f: {  	_ =	shalt  }
0x70: {  	_ =	shalt  }
0x71: {  	_ =	shalt  }
0x72: {  	_ =	shalt  }
0x73: {  	_ =	shalt  }
0x74: {  	_ =	shalt  }
0x75: {  	_ =	shalt  }
0x76: {  	_ =	shalt  }
0x77: {  	_ =	shalt  }
0x78: {  	_ =	shalt  }
0x79: {  	_ =	shalt  }
0x7a: {  	_ =	shalt  }
0x7b: {  	_ =	shalt  }
0x7c: {  	_ =	shalt  }
0x7d: {  	_ =	shalt  }
0x7e: {  	_ =	shalt  }
0x7f: {  	_ =	shalt  }
0x80: {  	_ =	shalt  }
0x81: {  	_ =	shalt  }
0x82: {  	_ =	shalt  }
0x83: {  	_ =	shalt  }
0x84: {  	_ =	shalt  }
0x85: {  	_ =	shalt  }
0x86: {  	_ =	shalt  }
0x87: {  	_ =	shalt  }
.Lfunc_end0:
.L_simem_size_0:
called_computation.1_lowered:
.L_overlay_start_0:
0x88: {  	s2 =	sld [smem:$0x3FD9]  }
0x89: {  	s3 =	sld [smem:$0x3FFE];
	_ =	sdelay $0x1  }
0x8a: {  	s1 =	srdreg.scid  }
0x8b: {  	s0 =	sand.u32 $0x1, s1  }
0x8c: {  	s17 =	sshll.u32 s0, $0xA;
	s2 =	sadd.s32 s3, s2  }
0x8d: {  	s2 =	sadd.s32 s2, s17  }
0x8e: {  	[smem:$0x3FC0] =	sst s2  }
0x8f: {  	_ = 	snop  }
0x90: {  	s2 =	sld [smem:$0x3FD0];
	(tm) =	ssettm $0x1  }
0x91: {  	s18 =	sld [smem:$0x3FFB];
	_ =	sdelay $0x3  }
0x92: {  	_ =	strace s18  }
0x93: {  	s3 =	sld [smem:$0x3FFC];
	_ =	sdelay $0x3  }
0x94: {  	_ =	strace s3  }
0x95: {  	s3 =	sld [smem:$0x3FFD];
	_ =	sdelay $0x3  }
0x96: {  	_ =	strace s3  }
0x97: {  	_ =	strace $0x8FFFFFFF  }
0x98: {  	s19 =	sld [smem:$0x3FDB];
	_ =	sdelay $0x1  }
0x99: {  	s4 =	simm.s32 $_scs_section_size  }
0x9a: {  	s5 =	simm.s32 $_size__tile_overlayer_lowered;
	s6 =	simm.s32 $_tile_overlayer_lowered  }
0x9b: {  	s22 =	simm.s32 $0x1BFF;
	s21 =	sshll.u32 s6, $0x1;
	s3 =	sadd.s32 s4, s19  }
0x9c: {  	s7 =	simm.s32 $0x0;
	s20 =	sshll.u32 s5, $0x1;
	s5 =	sadd.s32 s21, s3  }
0x9d: {  	[timem:s7], [sflag:s22] =	dma.local [hbm:s5], s20  }
0x9e: {  	_ =	swait.ge [sflag:s22], s20  }
0x9f: {  	s4 =	ssub.s32 $0x0, s20;
	[sflag:s22] =	ssyncset.done $0x0  }
0xa0: {  	[sflag:s22] =	ssyncadd.s32 s4;
	_ =	sdelay $0x1  }
0xa1: {  	s23 =	simm.s32 $0x1B8B  }
0xa2: {  	_ =	swait.ge [sflag:s23], $0x1  }
0xa3: {  	[sflag:s23] =	ssyncset.done $0x0  }
0xa4: {  	s25 =	simm.s32 $0x1B8E;
	s24 =	sld [smem:$0x3FFE];
	[sflag:s23] =	ssyncadd.s32 $0xFFFFFFFF  }
0xa5: {  	s26 =	simm.s32 $execute0_lowered;
	[smem:$0x3FD2] =	sst s25  }
0xa6: {  	s5 =	sshll.u32 s26, $0x1;
	_ =	strace $0x80000049;
	[dreg:$0x1] =	wrdreg $0xFFFFFFFF  }
0xa7: {  	s28 =	simm.s32 $_size_execute0_lowered;
	s3 =	sadd.s32 s3, s5;
	[dreg:$0x0] =	wrdreg $0x0  }
0xa8: {  	s5 =	sshll.u32 s28, $0x1;
	[dreg:$0x2] =	wrdreg s3  }
0xa9: {  	[dreg:$0x3] =	wrdreg s5  }
0xaa: {  	[dreg:$0x4] =	wrdreg $0xC0  }
0xab: {  	_ =	task [dreg:s7], $0x5FFFF  }
0xac: {  	[dreg:$0x1] =	wrdreg $0xFFFFFFFF  }
0xad: {  	[dreg:$0x0] =	wrdreg $0x60  }
0xae: {  	[dreg:$0x2] =	wrdreg s2  }
0xaf: {  	[dreg:$0x3] =	wrdreg s24  }
0xb0: {  	[dreg:$0x4] =	wrdreg $0x9A000  }
0xb1: {  	[dreg:$0x5] =	wrdreg $0x9  }
0xb2: {  	_ =	task.clear_ibuf [dreg:s7], $0x6FFFF;
	_ =	strace $0x90000049  }
0xb3: {  	s29 =	simm.s32 $0x9;
	_ =	strace $0x8000004B  }
0xb4: {  	_ =	swait.ge [sflag:s29], $0x1  }
0xb5: {  	[sflag:s29] =	ssyncadd.s32 $0xFFFFFFFF  }
0xb6: {  	_ =	strace $0x9000004B  }
0xb7: {  	_ =	sfence  }
0xb8: {  	s30 =	sld [smem:$0x0];
	_ =	sdelay $0x2  }
0xb9: {  	s31 =	sshll.u32 s1, $0xD;
	s1 =	sshrl.u32 s1, $0x2  }
0xba: {  	s3 =	sand.u32 $0x4000, s31;
	s1 =	sadd.s32 s1, s30  }
0xbb: {  	s0 =	sor.u32 s3, s0;
	s1 =	sshll.u32 s1, $0x11  }
0xbc: {  	s0 =	sor.u32 s1, s0  }
0xbd: {  	s0 =	sadd.s32 $0x8F2B, s0  }
0xbe: {  	[sflag:s0] =	ssyncadd.remote.s32 $0x1  }
0xbf: {  	_ =	sfence.sel $0xFFFF  }
0xc0: {  	[dreg:$0x0] =	wrdreg $0xFFFFFFFF;
	(pc) =	sbr.abs _section_cstart, $3  }
0xc1: {  	[dreg:$0x1] =	wrdreg $0xFFFFFFFF  }
0xc2: {  	_ =	task.clear_ibuf [dreg:s7], $0x2FFFF;
	_ =	strace $0x9FFFFFFF  }
0xc3: {  	(tm) =	ssettm $0x7FFFFFFF  }
tec
execute0_lowered:
.L_overlay_start_1:
0x0: {  	(tag) =	ssettag $0x1  }
0x1: {  	s1 =	rddreg [dreg:$0x0]  }
0x2: {  	s0 =	rddreg [dreg:$0x1]  }
0x3: {  	s2 =	rddreg [dreg:$0x2];
	s3 =	simm.s32 $0x0;
	s6 =	srdreg.scid  }
0x4: {  	s9 =	stileid.u32;
	s28 =	simm.s32 $0x8600;
	s29 =	simm.s32 $0x2  }
0x5: {  	s30 =	simm.s32 $0x4200;
	s31 =	simm.s32 $0x9200;
	[smem:$0x7FF] =	sst s3  }
0x6: {  	s4 =	sadd.s32 $0x1A00, s0;
	s5 =	sadd.s32 $0xBE00, s0;
	s8 =	sand.u32 $0x1, s6  }
0x7: {  	s6 =	sadd.s32 $0x22A00, s0;
	s7 =	sadd.s32 $0x16200, s0;
	s12 =	sadd.s32 $0x74A00, s0  }
0x8: {  	p0 =	sne.s32 s9, $0x0;
	_ =	strace $0x8000004A;
	s10 =	sshll.u32 s8, $0x4  }
0x9: {  	s11 =	smul.u32 $0x27100, s8;
	[dreg:$0x4] =	wrdreg s12;
	s8 =	ssub.s32 $0x2, s8  }
0xa: {  	s17 =	sshrl.u32 @!p0 s2, $0x3;
	s10 =	sor.u32 s9, s10;
	s21 =	sshrl.u32 s8, $0x1  }
0xb: {  	s9 =	simm.s32 $0x7;
	[dreg:$0xd] =	wrdreg s17;
	s20 =	smul.u32 $0x2900, s10  }
0xc: {  	s0 =	sadd.s32 s11, s0;
	s13 =	smul.u32 $0x520, s10;
	s8 =	ssub.s32 s8, s21  }
0xd: {  	s10 =	smul.u32 $0x52, s10;
	s21 =	simm.s32 $0x8200;
	s0 =	sadd.s32 $0x9BC00, s0  }
0xe: {  	s26 =	smax.u32 s8, $0x1;
	s8 =	simm.s32 $0x5;
	s22 =	sor.u32 $0x80, s20  }
0xf: {  	s14 =	sadd.s32 s4, s13;
	s13 =	sadd.s32 s5, s13;
	s12 =	sadd.s32 s6, s20  }
0x10: {  	s15 =	sadd.s32 $0x2, s10;
	s16 =	sadd.s32 $0x3, s10;
	[dreg:$0xb] =	wrdreg s0  }
0x11: {  	[dreg:$0xc] =	wrdreg s26;
	s20 =	simm.s32 $0x100;
	s26 =	simm.s32 $0x180  }
0x12: {  	s0 =	simm.s32 $0x3;
	s10 =	simm.s32 $0x4;
	[dreg:$0x5] =	wrdreg s14  }
.Ltmp0:
0x13: {  	[dreg:$0x6] =	wrdreg s13;
	s23 =	sshrl.u32 s22, $0x3;
	(pc) =	sbr.rel .LBB2_1-.Ltmp0, $4  }
0x14: {  	[dreg:$0x7] =	wrdreg s12;
	s11 =	sadd.s32 s6, s22;
	s12 =	simm.s32 $0x0  }
0x15: {  	v0 =	vimm.s32 $0x3;
	v1 =	vlaneseq.u32;
	v2 =	vimm.s32 $0x4;
	s24 =	sadd.s32 s4, s23;
	s25 =	sadd.s32 s5, s23;
	[dreg:$0xa] =	wrdreg s11  }
0x16: {  	v3 =	vimm.s32 $0x0;
	v4 =	vimm.s32 $0x1;
	v5 =	vimm.s32 $0x2;
	s23 =	simm.s32 $0x80;
	s11 =	simm.s32 $0x6;
	[dreg:$0x8] =	wrdreg s24  }
0x17: {  	v6 =	vimm.s32 $0x5;
	v7 =	vimm.s32 $0x6;
	v8 =	vimm.s32 $0x7;
	[dreg:$0x9] =	wrdreg s25;
	s24 =	simm.s32 $0x200;
	s25 =	simm.s32 $0x8A00  }
.LBB2_8:
0x18: {  	[bflag:$0x0] =	sbarrier.arrive $0xFFFF  }
0x19: {  	s14 =	rddreg [dreg:$0xb]  }
0x1a: {  	s13 =	simm.s32 @!p0 $0x1C07;
	s17 =	rddreg [dreg:$0xd]  }
0x1b: {  	[hbm:s14], [sflag:s13] =	dma.local @!p0 [spmem:s17], $0x27100  }
0x1c: {  	s13 =	simm.s32 @!p0 $0x7  }
0x1d: {  	_ =	swait.ge @!p0 [sflag:s13], $0x27100  }
0x1e: {  	s12 =	sadd.s32 $0x1, s12;
	s22 =	rddreg [dreg:$0xc]  }
0x1f: {  	p1 =	sne.s32 s12, s22  }
.Ltmp1:
0x20: {  	_ = 	snop;
	(pc) =	sbr.rel @!p1 .LBB2_9-.Ltmp1, $3  }
0x21: {  	_ =	sdelay $0x1  }
0x22: {  	[sflag:s13] =	ssyncset.done @!p0 $0x0  }
0x23: {  	[sflag:s13] =	ssyncadd.s32 @!p0 $0xFFFD8F00  }
.LBB2_1:
0x24: {  	s13 =	simm.s32 @!p0 $0x1C07;
	s14 =	rddreg [dreg:$0x4]  }
0x25: {  	[spmem:s17], [sflag:s13] =	dma.local @!p0 [hbm:s14], $0x27100  }
0x26: {  	s13 =	simm.s32 @!p0 $0x7  }
0x27: {  	_ =	swait.ge @!p0 [sflag:s13], $0x27100  }
0x28: {  	[sflag:s13] =	ssyncset.done @!p0 $0x0  }
0x29: {  	[sflag:s13] =	ssyncadd.s32 @!p0 $0xFFFD8F00  }
0x2a: {  	[bflag:$0x0] =	sbarrier.arrive $0xFFFF  }
0x2b: {  	s19 =	rddreg [dreg:$0x5]  }
0x2c: {  	[tilespmem:s3], [sflag:$0x1] =	stream.linear.gather [hbm4b:s19+s3], $0x80, $0x38;
	[tilespmem:$0x1D280] =	vst v63  }
0x2d: {  	s22 =	rddreg [dreg:$0x6]  }
0x2e: {  	[tilespmem:s20], [sflag:$0x1] =	stream.linear.gather [hbm4b:s22+s3], $0x80, $0x38;
	[tilespmem:$0x1D280] =	vst v63  }
0x2f: {  	s17 =	simm.s32 $0x1;
	s14 =	rddreg [dreg:$0x7]  }
0x30: {  	[tilespmem:s21], [sflag:$0x1] =	stream.linear.gather [hbm4b:s14+s3], $0x400, $0x38;
	[tilespmem:$0x1D280] =	vst v63  }
0x31: {  	_ =	swait.ge [sflag:s17], $0x80  }
0x32: {  	[sflag:s17] =	ssyncset.done $0x0  }
0x33: {  	[sflag:s17] =	ssyncadd.s32 $0xFFFFFF80  }
0x34: {  	_ =	swait.ge [sflag:s17], $0x80  }
0x35: {  	[sflag:s17] =	ssyncset.done $0x0  }
0x36: {  	[sflag:s17] =	ssyncadd.s32 $0xFFFFFF80  }
0x37: {  	_ =	swait.ge [sflag:s17], $0x400  }
0x38: {  	[sflag:s17] =	ssyncset.done $0x0  }
0x39: {  	[sflag:s17] =	ssyncadd.s32 $0xFFFFFC00  }
0x3a: {  	[tilespmem:s24], [sflag:$0x3] =	stream.indirect.gather [hbm4b:s1+s23], $0x80, s3, s23, $0xb8;
	[tilespmem:$0x1D280] =	vst v63  }
0x3b: {  	_ = 	snop  }
0x3c: {  	[tilespmem:s25], [sflag:$0x5] =	stream.indirect.gather [hbm4b:s7+s23], $0x10, s20, s23, $0xb8;
	[tilespmem:$0x1D280] =	vst v63  }
0x3d: {  	s18 =	rddreg [dreg:$0x8]  }
0x3e: {  	[tilespmem:s23], [sflag:$0x2] =	stream.linear.gather [hbm4b:s18+s3], $0x80, $0x38;
	[tilespmem:$0x1D280] =	vst v63  }
0x3f: {  	s19 =	rddreg [dreg:$0x9]  }
0x40: {  	[tilespmem:s26], [sflag:$0x2] =	stream.linear.gather [hbm4b:s19+s3], $0x80, $0x38;
	[tilespmem:$0x1D280] =	vst v63  }
0x41: {  	s13 =	simm.s32 $0x0;
	s22 =	rddreg [dreg:$0xa]  }
0x42: {  	[tilespmem:s28], [sflag:$0x2] =	stream.linear.gather [hbm4b:s22+s3], $0x400, $0x38;
	[tilespmem:$0x1D280] =	vst v63  }
.LBB2_2:
0x43: {  	_ =	swait.ge [sflag:s29], $0x80  }
0x44: {  	[sflag:s29] =	ssyncset.done $0x0  }
0x45: {  	[sflag:s29] =	ssyncadd.s32 $0xFFFFFF80  }
0x46: {  	_ =	swait.ge [sflag:s29], $0x80  }
0x47: {  	[sflag:s29] =	ssyncset.done $0x0  }
0x48: {  	[sflag:s29] =	ssyncadd.s32 $0xFFFFFF80  }
0x49: {  	_ =	swait.ge [sflag:s29], $0x400  }
0x4a: {  	[sflag:s29] =	ssyncset.done $0x0  }
0x4b: {  	[sflag:s29] =	ssyncadd.s32 $0xFFFFFC00  }
0x4c: {  	[tilespmem:s30], [sflag:$0x4] =	stream.indirect.gather [hbm4b:s1+s23], $0x80, s23, s23, $0xb8;
	[tilespmem:$0x1D280] =	vst v63  }
0x4d: {  	s14 =	simm.s32 $0x0  }
0x4e: {  	v9 =	vmov s14;
	[tilespmem:s31], [sflag:$0x6] =	stream.indirect.gather [hbm4b:s7+s23], $0x10, s26, s23, $0xb8;
	[tilespmem:$0x1D280] =	vst v63  }
0x4f: {  	v10 =	vshll.u32 v9, $0x4;
	_ =	swait.ge [sflag:s0], $0x4000  }
0x50: {  	v9 =	vshll.u32 v9, $0x3;
	v10 =	vor.u32 v1, v10;
	[sflag:s0] =	ssyncset.done $0x0  }
0x51: {  	v9 =	vadd.s32 v1, v9;
	[sflag:s0] =	ssyncadd.s32 $0xFFFFC000  }
0x52: {  	_ =	swait.ge [sflag:s8], $0x800  }
0x53: {  	[sflag:s8] =	ssyncset.done $0x0  }
0x54: {  	[sflag:s8] =	ssyncadd.s32 $0xFFFFF800  }
0x55: {  	v10 =	vld.idx.msk [tilespmem:v10+s25+$0x0], $0xffff  }
0x56: {  	v9 =	vld.idx.msk [tilespmem:v9+s21+$0x0], $0xff;
	_ =	sdelay $0x1  }
0x57: {  	s14 =	simm.s32 $0x240  }
0x58: {  	v11 =	vld [tilespmem:s14+$0xFFFFFFF0]  }
0x59: {  	v13 =	vld [tilespmem:s14+$0xFFFFFFC0]  }
0x5a: {  	v15 =	vmul.f32 v10, v9;
	v9 =	vld [tilespmem:s14+$0xFFFFFFE0]  }
0x5b: {  	v12 =	vld [tilespmem:s14+$0xFFFFFFD0]  }
0x5c: {  	v18 =	vld [tilespmem:s14+$0x10];
	v10 =	vperm.xlane v15, v3;
	v17 =	vperm.xlane v15, v0  }
0x5d: {  	v19 =	vld [tilespmem:s14+$0x0];
	v14 =	vperm.xlane v15, v4;
	v16 =	vperm.xlane v15, v5  }
0x5e: {  	v13 =	vmul.f32 v13, v10;
	v10 =	vmul.f32 v11, v17;
	v11 =	vld [tilespmem:s14+$0x20]  }
0x5f: {  	v16 =	vmul.f32 v9, v16;
	v9 =	vld [tilespmem:s14+$0x30]  }
0x60: {  	s17 =	simm.s32 $0x1;
	v14 =	vmul.f32 v12, v14  }
0x61: {  	v20 =	vperm.xlane v15, v2;
	v21 =	vperm.xlane v15, v6;
	v17 =	vmov s17;
	[tilespmem:s14+$0xFFFFFFC0] =	vst v13  }
0x62: {  	v12 =	vshll.u32 v17, $0x3;
	[tilespmem:s14+$0xFFFFFFD0] =	vst v14;
	v14 =	vperm.xlane v15, v7;
	v13 =	vperm.xlane v15, v8  }
0x63: {  	s17 =	simm.s32 $0x2;
	v17 =	vshll.u32 v17, $0x4;
	v15 =	vmul.f32 v18, v21;
	[tilespmem:s14+$0xFFFFFFE0] =	vst v16;
	v16 =	vmul.f32 v19, v20  }
.LBB2_3:
0x64: {  	p1 =	sne.s32 s17, $0x7F;
	v17 =	vor.u32 v1, v17;
	[tilespmem:s14+$0xFFFFFFF0] =	vst v10;
	v10 =	vmul.f32 v11, v14;
	v9 =	vmul.f32 v9, v13  }
0x65: {  	v11 =	vadd.s32 v1, v12;
	[tilespmem:s14+$0x0] =	vst v16  }
0x66: {  	[tilespmem:s14+$0x10] =	vst v15  }
0x67: {  	[tilespmem:s14+$0x20] =	vst v10  }
0x68: {  	[tilespmem:s14+$0x30] =	vst v9  }
0x69: {  	v9 =	vld.idx.msk [tilespmem:v17+s25+$0x0], $0xffff  }
0x6a: {  	v10 =	vld.idx.msk [tilespmem:v11+s21+$0x0], $0xff;
	_ =	sdelay $0x1  }
0x6b: {  	s14 =	sadd.s32 $0x80, s14  }
0x6c: {  	v12 =	vld [tilespmem:s14+$0xFFFFFFF0]  }
0x6d: {  	v11 =	vld [tilespmem:s14+$0xFFFFFFD0]  }
0x6e: {  	v13 =	vld [tilespmem:s14+$0xFFFFFFC0]  }
0x6f: {  	v15 =	vmul.f32 v9, v10;
	v10 =	vld [tilespmem:s14+$0xFFFFFFE0]  }
0x70: {  	v9 =	vld [tilespmem:s14+$0x30]  }
0x71: {  	v14 =	vperm.xlane v15, v3;
	v16 =	vperm.xlane v15, v4;
	v18 =	vld [tilespmem:s14+$0x10]  }
0x72: {  	v17 =	vperm.xlane v15, v5;
	v19 =	vperm.xlane v15, v0;
	v20 =	vld [tilespmem:s14+$0x0]  }
.Ltmp2:
0x73: {  	v13 =	vmul.f32 v13, v14;
	v14 =	vmul.f32 v11, v16;
	v11 =	vld [tilespmem:s14+$0x20];
	(pc) =	sbr.rel @p1 .LBB2_3-.Ltmp2, $4  }
0x74: {  	v16 =	vmul.f32 v10, v17;
	v10 =	vmul.f32 v12, v19  }
0x75: {  	v21 =	vperm.xlane v15, v6;
	v17 =	vmov s17;
	v19 =	vperm.xlane v15, v2;
	[tilespmem:s14+$0xFFFFFFC0] =	vst v13  }
0x76: {  	v12 =	vshll.u32 v17, $0x3;
	v13 =	vperm.xlane v15, v8;
	[tilespmem:s14+$0xFFFFFFD0] =	vst v14;
	v14 =	vperm.xlane v15, v7  }
0x77: {  	s17 =	sadd.s32 $0x1, s17;
	v17 =	vshll.u32 v17, $0x4;
	v15 =	vmul.f32 v18, v21;
	[tilespmem:s14+$0xFFFFFFE0] =	vst v16;
	v16 =	vmul.f32 v20, v19  }
0x78: {  	v17 =	vor.u32 v1, v17;
	[tilespmem:s14+$0xFFFFFFF0] =	vst v10  }
0x79: {  	v10 =	vmul.f32 v11, v14;
	v11 =	vadd.s32 v1, v12;
	[tilespmem:s14+$0x0] =	vst v16  }
0x7a: {  	v9 =	vmul.f32 v9, v13;
	[tilespmem:s14+$0x10] =	vst v15  }
0x7b: {  	[tilespmem:s14+$0x20] =	vst v10  }
0x7c: {  	[tilespmem:s14+$0x30] =	vst v9  }
0x7d: {  	v9 =	vld.idx.msk [tilespmem:v17+s25+$0x0], $0xffff  }
0x7e: {  	v10 =	vld.idx.msk [tilespmem:v11+s21+$0x0], $0xff;
	_ =	sdelay $0x1  }
0x7f: {  	s19 =	sadd.s32 $0x80, s14  }
0x80: {  	v12 =	vld [tilespmem:s19+$0xFFFFFFD0]  }
0x81: {  	v11 =	vld [tilespmem:s19+$0xFFFFFFC0]  }
0x82: {  	v9 =	vmul.f32 v9, v10;
	v10 =	vld [tilespmem:s19+$0xFFFFFFE0]  }
0x83: {  	v13 =	vld [tilespmem:s19+$0xFFFFFFF0]  }
0x84: {  	v14 =	vperm.xlane v9, v3  }
0x85: {  	v16 =	vld [tilespmem:s19+$0x0];
	v15 =	vperm.xlane v9, v4;
	v18 =	vperm.xlane v9, v5  }
0x86: {  	v17 =	vld [tilespmem:s19+$0x10];
	v11 =	vmul.f32 v11, v14;
	v14 =	vperm.xlane v9, v0  }
0x87: {  	v19 =	vld [tilespmem:s19+$0x30];
	v12 =	vmul.f32 v12, v15;
	v10 =	vmul.f32 v10, v18  }
0x88: {  	v15 =	vld [tilespmem:s19+$0x20];
	[tilespmem:s19+$0xFFFFFFC0] =	vst v11;
	v11 =	vperm.xlane v9, v2;
	v13 =	vmul.f32 v13, v14  }
0x89: {  	v14 =	vperm.xlane v9, v6;
	[tilespmem:s19+$0xFFFFFFD0] =	vst v12;
	v12 =	vperm.xlane v9, v7  }
0x8a: {  	v9 =	vperm.xlane v9, v8;
	[tilespmem:s19+$0xFFFFFFE0] =	vst v10;
	v10 =	vmul.f32 v16, v11  }
0x8b: {  	v11 =	vmul.f32 v17, v14;
	[tilespmem:s19+$0xFFFFFFF0] =	vst v13  }
0x8c: {  	v9 =	vmul.f32 v19, v9;
	[tilespmem:s19+$0x0] =	vst v10  }
0x8d: {  	v12 =	vmul.f32 v15, v12;
	[tilespmem:s19+$0x10] =	vst v11  }
0x8e: {  	p1 =	seq.s32 s13, $0x28;
	s14 =	sshll.u32 s13, $0x1;
	[tilespmem:s19+$0x30] =	vst v9  }
0x8f: {  	s17 =	sadd.s32 @!p1 s14, s15;
	[tilespmem:s19+$0x20] =	vst v12  }
0x90: {  	[spmem:s2] =	stream.indirect.scatter.add.f32 [tilespmem:s24], [sflag:$0x7], $0x80, s20, s23, $0xb8;
	[tilespmem:$0x1D280] =	vst v63  }
0x91: {  	s18 =	sshll.u32 @!p1 s17, $0x4;
	_ =	swait.ge [sflag:s9], $0x4000  }
0x92: {  	s22 =	simm.s32 @!p1 $0x0;
	s18 =	sand.u32 @!p1 $0x1FFFFFE0, s18;
	[sflag:s9] =	ssyncset.done $0x0  }
0x93: {  	s17 =	sshll.u32 @!p1 s17, $0x7;
	s19 =	sadd.s32 @!p1 s4, s18;
	[sflag:s9] =	ssyncadd.s32 $0xFFFFC000  }
0x94: {  	[tilespmem:s22], [sflag:$0x1] =	stream.linear.gather @!p1 [hbm4b:s19+s22], $0x80, $0x38;
	[tilespmem:$0x1D280] =	vst v63  }
0x95: {  	s17 =	sand.u32 @!p1 $0x1FFFFF00, s17;
	s18 =	sadd.s32 @!p1 s5, s18;
	s19 =	simm.s32 @!p1 $0x100  }
0x96: {  	[tilespmem:s19], [sflag:$0x1] =	stream.linear.gather @!p1 [hbm4b:s18+s22], $0x80, $0x38;
	[tilespmem:$0x1D280] =	vst v63  }
0x97: {  	s17 =	sadd.s32 @!p1 s6, s17;
	s18 =	simm.s32 @!p1 $0x8200  }
0x98: {  	[tilespmem:s18], [sflag:$0x1] =	stream.linear.gather @!p1 [hbm4b:s17+s22], $0x400, $0x38;
	[tilespmem:$0x1D280] =	vst v63  }
0x99: {  	s17 =	simm.s32 @!p1 $0x1  }
0x9a: {  	_ =	swait.ge @!p1 [sflag:s17], $0x80  }
0x9b: {  	[sflag:s17] =	ssyncset.done @!p1 $0x0  }
0x9c: {  	[sflag:s17] =	ssyncadd.s32 @!p1 $0xFFFFFF80  }
0x9d: {  	_ =	swait.ge @!p1 [sflag:s17], $0x80  }
0x9e: {  	[sflag:s17] =	ssyncset.done @!p1 $0x0  }
0x9f: {  	[sflag:s17] =	ssyncadd.s32 @!p1 $0xFFFFFF80  }
0xa0: {  	_ =	swait.ge @!p1 [sflag:s17], $0x400  }
0xa1: {  	[sflag:s17] =	ssyncset.done @!p1 $0x0  }
0xa2: {  	s18 =	simm.s32 @!p1 $0x200;
	[sflag:s17] =	ssyncadd.s32 @!p1 $0xFFFFFC00;
	s17 =	simm.s32 @!p1 $0x80  }
0xa3: {  	[tilespmem:s18], [sflag:$0x3] =	stream.indirect.gather @!p1 [hbm4b:s1+s17], $0x80, s22, s17, $0xb8;
	[tilespmem:$0x1D280] =	vst v63  }
0xa4: {  	s18 =	simm.s32 @!p1 $0x8A00;
	s22 =	simm.s32 $0x0  }
0xa5: {  	v9 =	vmov s22;
	[tilespmem:s18], [sflag:$0x5] =	stream.indirect.gather @!p1 [hbm4b:s7+s17], $0x10, s19, s17, $0xb8;
	[tilespmem:$0x1D280] =	vst v63  }
0xa6: {  	v10 =	vshll.u32 v9, $0x4;
	_ =	swait.ge [sflag:s10], $0x4000  }
0xa7: {  	v9 =	vshll.u32 v9, $0x3;
	v10 =	vor.u32 v1, v10;
	[sflag:s10] =	ssyncset.done $0x0  }
0xa8: {  	v9 =	vadd.s32 v1, v9;
	[sflag:s10] =	ssyncadd.s32 $0xFFFFC000  }
0xa9: {  	_ =	swait.ge [sflag:s11], $0x800  }
0xaa: {  	[sflag:s11] =	ssyncset.done $0x0  }
0xab: {  	[sflag:s11] =	ssyncadd.s32 $0xFFFFF800  }
0xac: {  	v10 =	vld.idx.msk [tilespmem:v10+s31+$0x0], $0xffff  }
0xad: {  	v9 =	vld.idx.msk [tilespmem:v9+s28+$0x0], $0xff;
	_ =	sdelay $0x1  }
0xae: {  	s17 =	simm.s32 $0x4240  }
0xaf: {  	v11 =	vld [tilespmem:s17+$0xFFFFFFF0]  }
0xb0: {  	v13 =	vld [tilespmem:s17+$0xFFFFFFC0]  }
0xb1: {  	v15 =	vmul.f32 v10, v9;
	v9 =	vld [tilespmem:s17+$0xFFFFFFE0]  }
0xb2: {  	v12 =	vld [tilespmem:s17+$0xFFFFFFD0]  }
0xb3: {  	v18 =	vld [tilespmem:s17+$0x10];
	v10 =	vperm.xlane v15, v3;
	v17 =	vperm.xlane v15, v0  }
0xb4: {  	v19 =	vld [tilespmem:s17+$0x0];
	v14 =	vperm.xlane v15, v4;
	v16 =	vperm.xlane v15, v5  }
0xb5: {  	v13 =	vmul.f32 v13, v10;
	v10 =	vmul.f32 v11, v17;
	v11 =	vld [tilespmem:s17+$0x20]  }
0xb6: {  	v16 =	vmul.f32 v9, v16;
	v9 =	vld [tilespmem:s17+$0x30]  }
0xb7: {  	s22 =	simm.s32 $0x1;
	v14 =	vmul.f32 v12, v14  }
0xb8: {  	v20 =	vperm.xlane v15, v2;
	v21 =	vperm.xlane v15, v6;
	v17 =	vmov s22;
	[tilespmem:s17+$0xFFFFFFC0] =	vst v13  }
0xb9: {  	v12 =	vshll.u32 v17, $0x3;
	[tilespmem:s17+$0xFFFFFFD0] =	vst v14;
	v14 =	vperm.xlane v15, v7;
	v13 =	vperm.xlane v15, v8  }
0xba: {  	s18 =	simm.s32 $0x2;
	v17 =	vshll.u32 v17, $0x4;
	v15 =	vmul.f32 v18, v21;
	[tilespmem:s17+$0xFFFFFFE0] =	vst v16;
	v16 =	vmul.f32 v19, v20  }
.LBB2_5:
0xbb: {  	p2 =	sne.s32 s18, $0x7F;
	v17 =	vor.u32 v1, v17;
	[tilespmem:s17+$0xFFFFFFF0] =	vst v10;
	v10 =	vmul.f32 v11, v14;
	v9 =	vmul.f32 v9, v13  }
0xbc: {  	v11 =	vadd.s32 v1, v12;
	[tilespmem:s17+$0x0] =	vst v16  }
0xbd: {  	[tilespmem:s17+$0x10] =	vst v15  }
0xbe: {  	[tilespmem:s17+$0x20] =	vst v10  }
0xbf: {  	[tilespmem:s17+$0x30] =	vst v9  }
0xc0: {  	v9 =	vld.idx.msk [tilespmem:v17+s31+$0x0], $0xffff  }
0xc1: {  	v10 =	vld.idx.msk [tilespmem:v11+s28+$0x0], $0xff;
	_ =	sdelay $0x1  }
0xc2: {  	s17 =	sadd.s32 $0x80, s17  }
0xc3: {  	v12 =	vld [tilespmem:s17+$0xFFFFFFF0]  }
0xc4: {  	v11 =	vld [tilespmem:s17+$0xFFFFFFD0]  }
0xc5: {  	v13 =	vld [tilespmem:s17+$0xFFFFFFC0]  }
0xc6: {  	v15 =	vmul.f32 v9, v10;
	v10 =	vld [tilespmem:s17+$0xFFFFFFE0]  }
0xc7: {  	v9 =	vld [tilespmem:s17+$0x30]  }
0xc8: {  	v14 =	vperm.xlane v15, v3;
	v16 =	vperm.xlane v15, v4;
	v18 =	vld [tilespmem:s17+$0x10]  }
0xc9: {  	v17 =	vperm.xlane v15, v5;
	v19 =	vperm.xlane v15, v0;
	v20 =	vld [tilespmem:s17+$0x0]  }
.Ltmp3:
0xca: {  	v13 =	vmul.f32 v13, v14;
	v14 =	vmul.f32 v11, v16;
	v11 =	vld [tilespmem:s17+$0x20];
	(pc) =	sbr.rel @p2 .LBB2_5-.Ltmp3, $4  }
0xcb: {  	v16 =	vmul.f32 v10, v17;
	v10 =	vmul.f32 v12, v19  }
0xcc: {  	v21 =	vperm.xlane v15, v6;
	v17 =	vmov s18;
	v19 =	vperm.xlane v15, v2;
	[tilespmem:s17+$0xFFFFFFC0] =	vst v13  }
0xcd: {  	v12 =	vshll.u32 v17, $0x3;
	v13 =	vperm.xlane v15, v8;
	[tilespmem:s17+$0xFFFFFFD0] =	vst v14;
	v14 =	vperm.xlane v15, v7  }
0xce: {  	s18 =	sadd.s32 $0x1, s18;
	v17 =	vshll.u32 v17, $0x4;
	v15 =	vmul.f32 v18, v21;
	[tilespmem:s17+$0xFFFFFFE0] =	vst v16;
	v16 =	vmul.f32 v20, v19  }
0xcf: {  	v17 =	vor.u32 v1, v17;
	[tilespmem:s17+$0xFFFFFFF0] =	vst v10  }
0xd0: {  	v10 =	vmul.f32 v11, v14;
	v11 =	vadd.s32 v1, v12;
	[tilespmem:s17+$0x0] =	vst v16  }
0xd1: {  	v9 =	vmul.f32 v9, v13;
	[tilespmem:s17+$0x10] =	vst v15  }
0xd2: {  	[tilespmem:s17+$0x20] =	vst v10  }
0xd3: {  	[tilespmem:s17+$0x30] =	vst v9  }
0xd4: {  	v9 =	vld.idx.msk [tilespmem:v17+s31+$0x0], $0xffff  }
0xd5: {  	v10 =	vld.idx.msk [tilespmem:v11+s28+$0x0], $0xff;
	_ =	sdelay $0x2  }
0xd6: {  	s22 =	sadd.s32 $0x80, s17  }
0xd7: {  	v11 =	vld [tilespmem:s22+$0xFFFFFFC0]  }
0xd8: {  	v55 =	vld [tilespmem:s22+$0xFFFFFFD0];
	v9 =	vmul.f32 v9, v10  }
0xd9: {  	v56 =	vld [tilespmem:s22+$0xFFFFFFF0]  }
0xda: {  	v10 =	vld [tilespmem:s22+$0xFFFFFFE0];
	v57 =	vperm.xlane v9, v3  }
0xdb: {  	v61 =	vld [tilespmem:s22+$0x20];
	v58 =	vperm.xlane v9, v4  }
0xdc: {  	v16 =	vld [tilespmem:s22+$0x0];
	v60 =	vperm.xlane v9, v0;
	v11 =	vmul.f32 v11, v57  }
0xdd: {  	v59 =	vld [tilespmem:s22+$0x10];
	v18 =	vperm.xlane v9, v5;
	v12 =	vmul.f32 v55, v58  }
0xde: {  	v19 =	vld [tilespmem:s22+$0x30];
	v63 =	vperm.xlane v9, v7;
	v13 =	vmul.f32 v56, v60;
	[tilespmem:s22+$0xFFFFFFC0] =	vst v11  }
0xdf: {  	v10 =	vmul.f32 v10, v18;
	v11 =	vperm.xlane v9, v2;
	[tilespmem:s22+$0xFFFFFFD0] =	vst v12  }
0xe0: {  	v62 =	vperm.xlane v9, v6;
	[tilespmem:s22+$0xFFFFFFF0] =	vst v13;
	v12 =	vmul.f32 v61, v63  }
0xe1: {  	v9 =	vperm.xlane v9, v8;
	[tilespmem:s22+$0xFFFFFFE0] =	vst v10;
	v10 =	vmul.f32 v16, v11  }
0xe2: {  	v11 =	vmul.f32 v59, v62;
	[tilespmem:s22+$0x20] =	vst v12  }
0xe3: {  	v9 =	vmul.f32 v19, v9;
	[tilespmem:s22+$0x0] =	vst v10  }
0xe4: {  	[tilespmem:s22+$0x10] =	vst v11  }
.Ltmp4:
0xe5: {  	[tilespmem:s22+$0x30] =	vst v9;
	(pc) =	sbr.rel @p1 .LBB2_8-.Ltmp4, $4  }
0xe6: {  	[spmem:s2] =	stream.indirect.scatter.add.f32 [tilespmem:s30], [sflag:$0x7], $0x80, s26, s23, $0xb8;
	[tilespmem:$0x1D280] =	vst v63  }
0xe7: {  	_ =	swait.ge [sflag:s9], $0x4000  }
0xe8: {  	[sflag:s9] =	ssyncset.done $0x0  }
0xe9: {  	[sflag:s9] =	ssyncadd.s32 $0xFFFFC000  }
0xea: {  	s14 =	sadd.s32 s14, s16  }
0xeb: {  	s17 =	sshll.u32 s14, $0x4  }
0xec: {  	s17 =	sand.u32 $0x1FFFFFF0, s17  }
0xed: {  	s18 =	sadd.s32 s4, s17  }
0xee: {  	[tilespmem:s23], [sflag:$0x2] =	stream.linear.gather [hbm4b:s18+s3], $0x80, $0x38;
	[tilespmem:$0x1D280] =	vst v63  }
.Ltmp5:
0xef: {  	s14 =	sshll.u32 s14, $0x7;
	(pc) =	sbr.rel .LBB2_2-.Ltmp5, $4  }
0xf0: {  	s14 =	sand.u32 $0x1FFFFF80, s14;
	s17 =	sadd.s32 s5, s17  }
0xf1: {  	[tilespmem:s26], [sflag:$0x2] =	stream.linear.gather [hbm4b:s17+s3], $0x80, $0x38;
	[tilespmem:$0x1D280] =	vst v63  }
0xf2: {  	s13 =	sadd.s32 $0x1, s13;
	s14 =	sadd.s32 s6, s14  }
0xf3: {  	[tilespmem:s28], [sflag:$0x2] =	stream.linear.gather [hbm4b:s14+s3], $0x400, $0x38;
	[tilespmem:$0x1D280] =	vst v63  }
.LBB2_9:
0xf4: {  	_ =	sfence.sel $0x180000  }
0xf5: {  	[bflag:$0x0] =	sbarrier.arrive $0xFFFF  }
0xf6: {  	_ =	strace $0x9000004A  }
0xf7: {  	[bflag:$0x2] =	sbarrier.arrive $0xFFFF  }
0xf8: {  	s0 =	rddreg [dreg:$0x3]  }
0xf9: {  	s0 =	sadd.s32 @!p0 $0x100000, s0  }
0xfa: {  	[sflag:s0] =	ssyncadd.tile.s32 @!p0 $0x1;
	_ =	shalt  }
.Lfunc_end2:
_tile_overlayer_lowered:
.L_overlay_start_2:
0xfb: {  	(tag) =	ssettag $0x2  }
0xfc: {  	s0 =	rddreg [dreg:$0x0];
	s2 =	stileid.u32  }
0xfd: {  	s1 =	rddreg [dreg:$0x1];
	p0 =	sne.s32 s2, $0x0  }
0xfe: {  	s3 =	rddreg [dreg:$0x2];
	[bflag:$0x3] =	sbarrier.arrive $0xFFFF;
	s2 =	simm.s32 @!p0 $0x1C07  }
0xff: {  	[timem:s3], [sflag:s2] =	dma.local @!p0 [hbm:s0], s1  }
0x100: {  	s0 =	simm.s32 @!p0 $0x7  }
0x101: {  	_ =	swait.ge @!p0 [sflag:s0], s1  }
0x102: {  	s1 =	ssub.s32 @!p0 $0x0, s1;
	[sflag:s0] =	ssyncset.done @!p0 $0x0  }
0x103: {  	[sflag:s0] =	ssyncadd.s32 @!p0 s1  }
0x104: {  	[bflag:$0x3] =	sbarrier.arrive $0xFFFF  }
0x105: {  	_ =	shalt  }

// kernel: kernel.7.cloned.1.call-start
scs
__scs_entry_jumppad:
0x0: {  	(pc) =	sbr.rel $0x88, $3  }
0x1: {  	(tag) =	ssettag $0x0;
	lr =	simm.s32 $0x1  }
0x2: {  	[smem:$0x3F99] =	sst lr;
	_ =	strace $0xD0000000  }
0x3: {  	_ = 	snop  }
0x4: {  	_ = 	snop  }
0x5: {  	_ = 	snop  }
0x6: {  	_ = 	snop  }
0x7: {  	_ = 	snop  }
__scs_overlays_trampoline_lowered:
0x8: {  	[smem:$0x3FA8] =	sst s0  }
0x9: {  	[smem:$0x3FA9] =	sst s1  }
0xa: {  	[smem:$0x3FAA] =	sst s2  }
0xb: {  	[smem:$0x3FAB] =	sst s3  }
0xc: {  	[smem:$0x3FAC] =	sst s4  }
0xd: {  	[smem:$0x3FAD] =	sst s5  }
0xe: {  	[smem:$0x3FAE] =	sst s6  }
0xf: {  	[smem:$0x3FAF] =	sst s7  }
0x10: {  	[smem:$0x3FB0] =	sst s8  }
0x11: {  	[smem:$0x3FB1] =	sst s9;
	s0 =	simm.s32 @!p0 $0x0  }
0x12: {  	s1 =	sld [smem:$0x3F97];
	s0 =	simm.s32 @p0 $0x1  }
0x13: {  	[smem:$0x3FB2] =	sst s0;
	s0 =	simm.s32 @!p1 $0x0  }
0x14: {  	s2 =	sld [smem:$0x3F96];
	s0 =	simm.s32 @p1 $0x1  }
0x15: {  	[smem:$0x3FB3] =	sst s0;
	s0 =	simm.s32 @!p2 $0x0  }
0x16: {  	s3 =	sld [smem:$0x3FDB];
	s0 =	simm.s32 @p2 $0x1  }
0x17: {  	s4 =	simm.s32 $0x1BF5;
	[smem:$0x3FB5] =	sst s0  }
0x18: {  	s0 =	sld [smem:$0x3F98];
	_ =	swait.ge [sflag:s4], $0x0  }
0x19: {  	s7 =	sld [smem:$0x3F99]  }
0x1a: {  	s8 =	sadd.s32 $0xFFFFE003, lr  }
0x1b: {  	s9 =	sadd.s32 $0xFFFFFEF7, lr;
	s5 =	simm.s32 $0xFFFFFFFF;
	p2 =	slt.u32 s8, $0xFFFFF086  }
0x1c: {  	p1 =	slt.u32 s9, $0xF7A;
	s5 =	simm.s32 @!p2 $0x0  }
0x1d: {  	s5 =	simm.s32 @p1 $0x1;
	p0 =	seq.s32 s7, s2  }
0x1e: {  	s7 =	smul.u32 @!p0 $0xF7A, s2;
	p2 =	seq.s32 @!p0 s5, $0x0  }
0x1f: {  	s9 =	smul.u32 $0xF7A, s1;
	s8 =	simm.s32 @!p0 $0x1BF5;
	p2 =	por !p2, p0  }
0x20: {  	[sflag:s8] =	ssyncset.s32 @!p0 $0xFFFFF086;
	s6 =	sadd.s32 @!p0 s3, s7;
	s7 =	simm.s32 @!p0 $0x108  }
0x21: {  	s3 =	sadd.s32 s3, s9;
	s6 =	sadd.s32 @!p0 $0x88, s6;
	s7 =	simm.s32 @p2 $0x1082  }
0x22: {  	[simem:s7], [sflag:s8] =	dma.local @!p0 [hbm:s6], $0xF7A  }
0x23: {  	s9 =	sor.u32 $0xD0000000, s2;
	s6 =	simm.s32 $0x108;
	_ =	swait.ge @!p0 [sflag:s8], $0x0  }
0x24: {  	s3 =	sadd.s32 $0x88, s3;
	s6 =	simm.s32 @!p1 $0x1082;
	[sflag:s4] =	ssyncset.s32 $0xFFFFF086  }
0x25: {  	[simem:s6], [sflag:s4] =	dma.local [hbm:s3], $0xF7A  }
0x26: {  	[smem:$0x3F99] =	sst s1;
	(tag) =	ssettag s2;
	_ =	strace s9  }
0x27: {  	s1 =	sld [smem:$0x3FA9]  }
0x28: {  	s2 =	sld [smem:$0x3FAA]  }
0x29: {  	s4 =	sld [smem:$0x3FAC]  }
0x2a: {  	p0 =	seq.s32 s5, $0x0;
	s5 =	sld [smem:$0x3FAD]  }
0x2b: {  	s6 =	sld [smem:$0x3FAE]  }
0x2c: {  	s7 =	sld [smem:$0x3FAF]  }
0x2d: {  	s3 =	simm.s32 $0x108;
	s8 =	sld [smem:$0x3FB0]  }
0x2e: {  	s3 =	simm.s32 @!p0 $0x1082;
	s9 =	sld [smem:$0x3FB1]  }
0x2f: {  	lr =	sadd.s32 s0, s3;
	s0 =	sld [smem:$0x3FA8]  }
0x30: {  	s3 =	sld [smem:$0x3FAB]  }
0x31: {  	[smem:$0x3FB4] =	sst s10  }
0x32: {  	s10 =	sld [smem:$0x3FB2];
	_ =	sdelay $0x3  }
0x33: {  	p0 =	seq.s32 s10, $0x1;
	s10 =	sld [smem:$0x3FB4];
	_ =	sdelay $0x3  }
0x34: {  	[smem:$0x3FB4] =	sst s10  }
0x35: {  	s10 =	sld [smem:$0x3FB3];
	_ =	sdelay $0x3  }
0x36: {  	p1 =	seq.s32 s10, $0x1;
	s10 =	sld [smem:$0x3FB4];
	_ =	sdelay $0x3  }
0x37: {  	[smem:$0x3FB4] =	sst s10  }
0x38: {  	s10 =	sld [smem:$0x3FB5]  }
0x39: {  	_ = 	snop;
	(pc) =	sbr.ind lr, $3  }
0x3a: {  	_ = 	snop  }
0x3b: {  	_ = 	snop  }
0x3c: {  	p2 =	seq.s32 s10, $0x1;
	s10 =	sld [smem:$0x3FB4]  }
0x3d: {  	_ =	shalt  }
0x3e: {  	_ =	shalt  }
0x3f: {  	_ =	shalt  }
0x40: {  	_ =	shalt  }
0x41: {  	_ =	shalt  }
0x42: {  	_ =	shalt  }
0x43: {  	_ =	shalt  }
0x44: {  	_ =	shalt  }
0x45: {  	_ =	shalt  }
0x46: {  	_ =	shalt  }
0x47: {  	_ =	shalt  }
0x48: {  	_ =	shalt  }
0x49: {  	_ =	shalt  }
0x4a: {  	_ =	shalt  }
0x4b: {  	_ =	shalt  }
0x4c: {  	_ =	shalt  }
0x4d: {  	_ =	shalt  }
0x4e: {  	_ =	shalt  }
0x4f: {  	_ =	shalt  }
0x50: {  	_ =	shalt  }
0x51: {  	_ =	shalt  }
0x52: {  	_ =	shalt  }
0x53: {  	_ =	shalt  }
0x54: {  	_ =	shalt  }
0x55: {  	_ =	shalt  }
0x56: {  	_ =	shalt  }
0x57: {  	_ =	shalt  }
0x58: {  	_ =	shalt  }
0x59: {  	_ =	shalt  }
0x5a: {  	_ =	shalt  }
0x5b: {  	_ =	shalt  }
0x5c: {  	_ =	shalt  }
0x5d: {  	_ =	shalt  }
0x5e: {  	_ =	shalt  }
0x5f: {  	_ =	shalt  }
0x60: {  	_ =	shalt  }
0x61: {  	_ =	shalt  }
0x62: {  	_ =	shalt  }
0x63: {  	_ =	shalt  }
0x64: {  	_ =	shalt  }
0x65: {  	_ =	shalt  }
0x66: {  	_ =	shalt  }
0x67: {  	_ =	shalt  }
0x68: {  	_ =	shalt  }
0x69: {  	_ =	shalt  }
0x6a: {  	_ =	shalt  }
0x6b: {  	_ =	shalt  }
0x6c: {  	_ =	shalt  }
0x6d: {  	_ =	shalt  }
0x6e: {  	_ =	shalt  }
0x6f: {  	_ =	shalt  }
0x70: {  	_ =	shalt  }
0x71: {  	_ =	shalt  }
0x72: {  	_ =	shalt  }
0x73: {  	_ =	shalt  }
0x74: {  	_ =	shalt  }
0x75: {  	_ =	shalt  }
0x76: {  	_ =	shalt  }
0x77: {  	_ =	shalt  }
0x78: {  	_ =	shalt  }
0x79: {  	_ =	shalt  }
0x7a: {  	_ =	shalt  }
0x7b: {  	_ =	shalt  }
0x7c: {  	_ =	shalt  }
0x7d: {  	_ =	shalt  }
0x7e: {  	_ =	shalt  }
0x7f: {  	_ =	shalt  }
0x80: {  	_ =	shalt  }
0x81: {  	_ =	shalt  }
0x82: {  	_ =	shalt  }
0x83: {  	_ =	shalt  }
0x84: {  	_ =	shalt  }
0x85: {  	_ =	shalt  }
0x86: {  	_ =	shalt  }
0x87: {  	_ =	shalt  }
.Lfunc_end0:
.L_simem_size_0:
called_computation_lowered:
.L_overlay_start_0:
0x88: {  	s2 =	sld [smem:$0x3FD9]  }
0x89: {  	s3 =	sld [smem:$0x3FFE];
	_ =	sdelay $0x1  }
0x8a: {  	s1 =	srdreg.scid  }
0x8b: {  	s0 =	sand.u32 $0x1, s1  }
0x8c: {  	s16 =	sshll.u32 s0, $0xA;
	s2 =	sadd.s32 s3, s2  }
0x8d: {  	s2 =	sadd.s32 s2, s16  }
0x8e: {  	[smem:$0x3FC0] =	sst s2  }
0x8f: {  	_ = 	snop  }
0x90: {  	(tm) =	ssettm $0x1  }
0x91: {  	s17 =	sld [smem:$0x3FFB];
	_ =	sdelay $0x3  }
0x92: {  	_ =	strace s17  }
0x93: {  	s2 =	sld [smem:$0x3FFC];
	_ =	sdelay $0x3  }
0x94: {  	_ =	strace s2  }
0x95: {  	s2 =	sld [smem:$0x3FFD];
	_ =	sdelay $0x3  }
0x96: {  	_ =	strace s2  }
0x97: {  	_ =	strace $0x8FFFFFFF  }
0x98: {  	s18 =	sld [smem:$0x3FDB];
	_ =	sdelay $0x1  }
0x99: {  	s19 =	simm.s32 $_scs_section_size  }
0x9a: {  	s4 =	simm.s32 $_size__tile_overlayer_lowered;
	s5 =	simm.s32 $_tile_overlayer_lowered  }
0x9b: {  	s22 =	simm.s32 $0x1BFF;
	s21 =	sshll.u32 s5, $0x1;
	s2 =	sadd.s32 s19, s18  }
0x9c: {  	s6 =	simm.s32 $0x0;
	s20 =	sshll.u32 s4, $0x1;
	s4 =	sadd.s32 s21, s2  }
0x9d: {  	[timem:s6], [sflag:s22] =	dma.local [hbm:s4], s20  }
0x9e: {  	_ =	swait.ge [sflag:s22], s20  }
0x9f: {  	s3 =	ssub.s32 $0x0, s20;
	[sflag:s22] =	ssyncset.done $0x0  }
0xa0: {  	[sflag:s22] =	ssyncadd.s32 s3;
	_ =	sdelay $0x1  }
0xa1: {  	s23 =	simm.s32 $0x1B8B  }
0xa2: {  	_ =	swait.ge [sflag:s23], $0x1  }
0xa3: {  	[sflag:s23] =	ssyncset.done $0x0  }
0xa4: {  	s25 =	simm.s32 $0x1B8E;
	s24 =	sld [smem:$0x3FFE];
	[sflag:s23] =	ssyncadd.s32 $0xFFFFFFFF  }
0xa5: {  	s26 =	simm.s32 $execute0_lowered;
	[smem:$0x3FD2] =	sst s25  }
0xa6: {  	s4 =	sshll.u32 s26, $0x1;
	_ =	strace $0x80000046;
	[dreg:$0x1] =	wrdreg $0xFFFFFFFF  }
0xa7: {  	s28 =	simm.s32 $_size_execute0_lowered;
	s2 =	sadd.s32 s2, s4;
	[dreg:$0x0] =	wrdreg $0x0  }
0xa8: {  	s4 =	sshll.u32 s28, $0x1;
	[dreg:$0x2] =	wrdreg s2  }
0xa9: {  	[dreg:$0x3] =	wrdreg s4  }
0xaa: {  	[dreg:$0x4] =	wrdreg $0xC0  }
0xab: {  	_ =	task [dreg:s6], $0x5FFFF  }
0xac: {  	[dreg:$0x1] =	wrdreg $0xFFFFFFFF  }
0xad: {  	[dreg:$0x0] =	wrdreg $0x60  }
0xae: {  	[dreg:$0x2] =	wrdreg s24  }
0xaf: {  	[dreg:$0x3] =	wrdreg $0x2A000  }
0xb0: {  	[dreg:$0x4] =	wrdreg $0x9  }
0xb1: {  	_ =	task.clear_ibuf [dreg:s6], $0x5FFFF;
	_ =	strace $0x90000046  }
0xb2: {  	s29 =	simm.s32 $0x9;
	_ =	strace $0x80000048  }
0xb3: {  	_ =	swait.ge [sflag:s29], $0x1  }
0xb4: {  	[sflag:s29] =	ssyncadd.s32 $0xFFFFFFFF  }
0xb5: {  	_ =	strace $0x90000048  }
0xb6: {  	_ =	sfence  }
0xb7: {  	s30 =	sld [smem:$0x0];
	_ =	sdelay $0x2  }
0xb8: {  	s31 =	sshll.u32 s1, $0xD;
	s1 =	sshrl.u32 s1, $0x2  }
0xb9: {  	s3 =	sand.u32 $0x4000, s31;
	s1 =	sadd.s32 s1, s30  }
0xba: {  	s0 =	sor.u32 s3, s0;
	s1 =	sshll.u32 s1, $0x11  }
0xbb: {  	s0 =	sor.u32 s1, s0  }
0xbc: {  	s0 =	sadd.s32 $0x8F2B, s0  }
0xbd: {  	[sflag:s0] =	ssyncadd.remote.s32 $0x1  }
0xbe: {  	_ =	sfence.sel $0xFFFF  }
0xbf: {  	[dreg:$0x0] =	wrdreg $0xFFFFFFFF;
	(pc) =	sbr.abs _section_cstart, $3  }
0xc0: {  	[dreg:$0x1] =	wrdreg $0xFFFFFFFF  }
0xc1: {  	_ =	task.clear_ibuf [dreg:s6], $0x2FFFF;
	_ =	strace $0x9FFFFFFF  }
0xc2: {  	(tm) =	ssettm $0x7FFFFFFF  }
0xc3: {  	_ =	shalt  }
tec
execute0_lowered:
.L_overlay_start_1:
0x0: {  	(tag) =	ssettag $0x1  }
0x1: {  	s0 =	rddreg [dreg:$0x0]  }
0x2: {  	s1 =	rddreg [dreg:$0x1]  }
0x3: {  	s2 =	simm.s32 $0x0;
	s4 =	srdreg.scid;
	s9 =	stileid.u32  }
0x4: {  	s18 =	simm.s32 $0x100;
	s19 =	simm.s32 $0x1;
	s20 =	simm.s32 $0x80  }
0x5: {  	s21 =	simm.s32 $0x200;
	s28 =	simm.s32 $0x3;
	s29 =	simm.s32 $0x2200  }
0x6: {  	s30 =	simm.s32 $0x7;
	s31 =	simm.s32 $0x4;
	[smem:$0x7FF] =	sst s2  }
0x7: {  	s3 =	sadd.s32 $0x16200, s0;
	s6 =	sand.u32 $0x1, s4;
	s4 =	sadd.s32 $0x1A00, s0  }
0x8: {  	s5 =	sadd.s32 $0xBE00, s0;
	s22 =	sadd.s32 $0x1B200, s0;
	p0 =	sne.s32 s9, $0x0  }
0x9: {  	_ =	strace $0x80000047;
	s7 =	sshll.u32 s6, $0x4;
	s8 =	smul.u32 $0x2710, s6  }
0xa: {  	[dreg:$0x3] =	wrdreg s22;
	s6 =	ssub.s32 $0x2, s6;
	s17 =	sshrl.u32 @!p0 s1, $0x3  }
0xb: {  	s22 =	simm.s32 $0x1200;
	s10 =	sor.u32 s9, s7;
	s7 =	sadd.s32 $0x22A00, s0  }
0xc: {  	s23 =	sshrl.u32 s6, $0x1;
	s11 =	smul.u32 $0x520, s10;
	s0 =	sadd.s32 s8, s0  }
0xd: {  	s6 =	ssub.s32 s6, s23;
	s8 =	smul.u32 $0x52, s10;
	s23 =	simm.s32 $0x180  }
0xe: {  	s0 =	sadd.s32 $0x1DA00, s0;
	s26 =	smax.u32 s6, $0x1;
	s24 =	sor.u32 $0x10, s11  }
0xf: {  	s12 =	sadd.s32 s4, s11;
	s11 =	sadd.s32 s5, s11;
	[dreg:$0x8] =	wrdreg s0  }
.Ltmp0:
0x10: {  	s13 =	sadd.s32 $0x2, s8;
	[dreg:$0x9] =	wrdreg s26;
	(pc) =	sbr.rel .LBB2_1-.Ltmp0, $4  }
0x11: {  	s14 =	sadd.s32 $0x3, s8;
	s26 =	simm.s32 $0x1A00;
	[dreg:$0x4] =	wrdreg s12  }
0x12: {  	s0 =	simm.s32 $0x2600;
	[dreg:$0x5] =	wrdreg s11;
	s25 =	sadd.s32 s4, s24  }
0x13: {  	s10 =	sadd.s32 s5, s24;
	s24 =	simm.s32 $0x2;
	[dreg:$0x6] =	wrdreg s25  }
0x14: {  	v0 =	vlaneseq.u32;
	[dreg:$0x7] =	wrdreg s10;
	s25 =	simm.s32 $0xA00;
	s10 =	simm.s32 $0x0  }
.LBB2_8:
0x15: {  	s6 =	simm.s32 $0x5  }
0x16: {  	_ =	swait.ge [sflag:s6], $0x400  }
0x17: {  	[sflag:s6] =	ssyncset.done $0x0  }
0x18: {  	s15 =	simm.s32 $0x6;
	[sflag:s6] =	ssyncadd.s32 $0xFFFFFC00  }
0x19: {  	_ =	swait.ge [sflag:s15], $0x400  }
0x1a: {  	[sflag:s15] =	ssyncset.done $0x0  }
0x1b: {  	[sflag:s15] =	ssyncadd.s32 $0xFFFFFC00  }
0x1c: {  	[bflag:$0x0] =	sbarrier.arrive $0xFFFF  }
0x1d: {  	s6 =	simm.s32 @!p0 $0x1C07;
	s9 =	rddreg [dreg:$0x8]  }
0x1e: {  	[hbm:s9], [sflag:s6] =	dma.local @!p0 [spmem:s17], $0x2710  }
0x1f: {  	s6 =	simm.s32 @!p0 $0x7  }
0x20: {  	_ =	swait.ge @!p0 [sflag:s6], $0x2710  }
0x21: {  	s10 =	sadd.s32 $0x1, s10;
	s16 =	rddreg [dreg:$0x9]  }
0x22: {  	p1 =	sne.s32 s10, s16  }
.Ltmp1:
0x23: {  	_ = 	snop;
	(pc) =	sbr.rel @!p1 .LBB2_9-.Ltmp1, $3  }
0x24: {  	_ =	sdelay $0x1  }
0x25: {  	[sflag:s6] =	ssyncset.done @!p0 $0x0  }
0x26: {  	[sflag:s6] =	ssyncadd.s32 @!p0 $0xFFFFD8F0  }
.LBB2_1:
0x27: {  	s11 =	simm.s32 @!p0 $0x1C07;
	s6 =	rddreg [dreg:$0x3]  }
0x28: {  	[spmem:s17], [sflag:s11] =	dma.local @!p0 [hbm:s6], $0x2710  }
0x29: {  	s11 =	simm.s32 @!p0 $0x7  }
0x2a: {  	_ =	swait.ge @!p0 [sflag:s11], $0x2710  }
0x2b: {  	[sflag:s11] =	ssyncset.done @!p0 $0x0  }
0x2c: {  	[sflag:s11] =	ssyncadd.s32 @!p0 $0xFFFFD8F0  }
0x2d: {  	[bflag:$0x0] =	sbarrier.arrive $0xFFFF  }
0x2e: {  	s11 =	rddreg [dreg:$0x4]  }
0x2f: {  	[tilespmem:s2], [sflag:$0x1] =	stream.linear.gather [hbm4b:s11+s2], $0x80, $0x38;
	[tilespmem:$0x3D88] =	vst v63  }
0x30: {  	s12 =	rddreg [dreg:$0x5]  }
0x31: {  	[tilespmem:s18], [sflag:$0x1] =	stream.linear.gather [hbm4b:s12+s2], $0x80, $0x38;
	[tilespmem:$0x3D88] =	vst v63  }
0x32: {  	_ =	swait.ge [sflag:s19], $0x80  }
0x33: {  	[sflag:s19] =	ssyncset.done $0x0  }
0x34: {  	[sflag:s19] =	ssyncadd.s32 $0xFFFFFF80  }
0x35: {  	_ =	swait.ge [sflag:s19], $0x80  }
0x36: {  	[sflag:s19] =	ssyncset.done $0x0  }
0x37: {  	[sflag:s19] =	ssyncadd.s32 $0xFFFFFF80  }
0x38: {  	[tilespmem:s21], [sflag:$0x3] =	stream.indirect.gather [hbm4b:s3+s20], $0x10, s2, s20, $0xb8;
	[tilespmem:$0x3D88] =	vst v63  }
0x39: {  	_ = 	snop  }
0x3a: {  	[tilespmem:s22], [sflag:$0x3] =	stream.indirect.gather [hbm4b:s3+s20], $0x10, s18, s20, $0xb8;
	[tilespmem:$0x3D88] =	vst v63  }
0x3b: {  	s15 =	rddreg [dreg:$0x6]  }
0x3c: {  	[tilespmem:s20], [sflag:$0x2] =	stream.linear.gather [hbm4b:s15+s2], $0x80, $0x38;
	[tilespmem:$0x3D88] =	vst v63  }
0x3d: {  	s11 =	simm.s32 $0x0;
	s16 =	rddreg [dreg:$0x7]  }
0x3e: {  	[tilespmem:s23], [sflag:$0x2] =	stream.linear.gather [hbm4b:s16+s2], $0x80, $0x38;
	[tilespmem:$0x3D88] =	vst v63  }
.LBB2_2:
0x3f: {  	_ =	swait.ge [sflag:s24], $0x80  }
0x40: {  	[sflag:s24] =	ssyncset.done $0x0  }
0x41: {  	[sflag:s24] =	ssyncadd.s32 $0xFFFFFF80  }
0x42: {  	_ =	swait.ge [sflag:s24], $0x80  }
0x43: {  	[sflag:s24] =	ssyncset.done $0x0  }
0x44: {  	[sflag:s24] =	ssyncadd.s32 $0xFFFFFF80  }
0x45: {  	[tilespmem:s25], [sflag:$0x4] =	stream.indirect.gather [hbm4b:s3+s20], $0x10, s20, s20, $0xb8;
	[tilespmem:$0x3D88] =	vst v63  }
0x46: {  	_ = 	snop  }
0x47: {  	[tilespmem:s26], [sflag:$0x4] =	stream.indirect.gather [hbm4b:s3+s20], $0x10, s23, s20, $0xb8;
	[tilespmem:$0x3D88] =	vst v63  }
0x48: {  	_ =	swait.ge [sflag:s28], $0x800  }
0x49: {  	[sflag:s28] =	ssyncset.done $0x0  }
0x4a: {  	s16 =	simm.s32 $0x0;
	[sflag:s28] =	ssyncadd.s32 $0xFFFFF800  }
0x4b: {  	v1 =	vor.u32 s16, v0;
	_ =	swait.ge [sflag:s28], $0x800  }
0x4c: {  	p1 =	seq.s32 s11, $0x0;
	v2 =	vshll.u32 v1, $0x4;
	[sflag:s28] =	ssyncset.done $0x0  }
0x4d: {  	s12 =	simm.s32 @!p1 $0x5;
	v3 =	vor.u32 $0x8, v2;
	[sflag:s28] =	ssyncadd.s32 $0xFFFFF800  }
0x4e: {  	_ =	swait.ge @!p1 [sflag:s12], $0x400  }
0x4f: {  	[sflag:s12] =	ssyncset.done @!p1 $0x0  }
0x50: {  	[sflag:s12] =	ssyncadd.s32 @!p1 $0xFFFFFC00  }
0x51: {  	v4 =	vld.idx.msk [tilespmem:v2+s21+$0x0], $0xffff  }
0x52: {  	v3 =	vld.idx.msk [tilespmem:v3+s22+$0x0], $0xffff;
	_ =	sdelay $0x4  }
0x53: {  	v3 =	vadd.f32 v3, v4;
	_ =	sdelay $0x1  }
0x54: {  	v4 =	vmul.f32 $2.000000030e-01, v3  }
0x55: {  	vm0 =	vlt.f32 v3, $0.0e+00  }
0x56: {  	v3 =	vsel vm0, v4, v3  }
0x57: {  	v3 =	vmul.f32 $1.442695020e+00, v3;
	_ =	sdelay $0x1  }
0x58: {  	(erf) = vpow2.f32 v3;
	_ =	sdelay $0x4  }
0x59: {  	s12 =	sshll.u32 s11, $0x1  }
0x5a: {  	v1 =	vshll.u32 v1, $0x3;
	s15 =	sadd.s32 s8, s12  }
0x5b: {  	s15 =	sshll.u32 s15, $0x7;
	v3 =	vor.u32 $0x1, v2  }
0x5c: {  	v42 =	vor.u32 $0x9, v2;
	s16 =	sor.u32 s15, s16  }
0x5d: {  	p2 =	slt.u32 s16, $0x50910;
	v5 =	vpop (erf)  }
0x5e: {  	v5 =	vpsel !p2, $0x0, v5  }
0x5f: {  	[tilespmem:v1+s29+$0x0] =	vst.idx.msk $0xffff, v5  }
0x60: {  	v3 =	vld.idx.msk [tilespmem:v3+s21+$0x0], $0xffff  }
0x61: {  	v4 =	vld.idx.msk [tilespmem:v42+s22+$0x0], $0xffff;
	_ =	sdelay $0x4  }
0x62: {  	v3 =	vadd.f32 v4, v3;
	_ =	sdelay $0x1  }
0x63: {  	v4 =	vmul.f32 $2.000000030e-01, v3  }
0x64: {  	vm9 =	vlt.f32 v3, $0.0e+00  }
0x65: {  	v3 =	vsel vm9, v4, v3  }
0x66: {  	v3 =	vmul.f32 $1.442695020e+00, v3;
	_ =	sdelay $0x1  }
0x67: {  	(erf) = vpow2.f32 v3;
	_ =	sdelay $0x5  }
0x68: {  	v3 =	vor.u32 $0x1, v1  }
0x69: {  	v43 =	vor.u32 $0x2, v2  }
0x6a: {  	v44 =	vor.u32 $0xA, v2  }
0x6b: {  	v6 =	vpop (erf)  }
0x6c: {  	v6 =	vpsel !p2, $0x0, v6  }
0x6d: {  	[tilespmem:v3+s29+$0x0] =	vst.idx.msk $0xffff, v6  }
0x6e: {  	v3 =	vld.idx.msk [tilespmem:v43+s21+$0x0], $0xffff  }
0x6f: {  	v45 =	vld.idx.msk [tilespmem:v44+s22+$0x0], $0xffff;
	_ =	sdelay $0x4  }
0x70: {  	v3 =	vadd.f32 v45, v3;
	_ =	sdelay $0x1  }
0x71: {  	v4 =	vmul.f32 $2.000000030e-01, v3  }
0x72: {  	vm10 =	vlt.f32 v3, $0.0e+00  }
0x73: {  	v3 =	vsel vm10, v4, v3  }
0x74: {  	v3 =	vmul.f32 $1.442695020e+00, v3;
	_ =	sdelay $0x1  }
0x75: {  	(erf) = vpow2.f32 v3;
	_ =	sdelay $0x5  }
0x76: {  	v3 =	vor.u32 $0x2, v1  }
0x77: {  	v46 =	vor.u32 $0x3, v2  }
0x78: {  	v47 =	vor.u32 $0xB, v2  }
0x79: {  	v48 =	vpop (erf)  }
0x7a: {  	v6 =	vpsel !p2, $0x0, v48  }
0x7b: {  	[tilespmem:v3+s29+$0x0] =	vst.idx.msk $0xffff, v6  }
0x7c: {  	v3 =	vld.idx.msk [tilespmem:v46+s21+$0x0], $0xffff  }
0x7d: {  	v49 =	vld.idx.msk [tilespmem:v47+s22+$0x0], $0xffff;
	_ =	sdelay $0x4  }
0x7e: {  	v3 =	vadd.f32 v49, v3;
	_ =	sdelay $0x1  }
0x7f: {  	v4 =	vmul.f32 $2.000000030e-01, v3  }
0x80: {  	vm11 =	vlt.f32 v3, $0.0e+00  }
0x81: {  	v3 =	vsel vm11, v4, v3  }
0x82: {  	v3 =	vmul.f32 $1.442695020e+00, v3;
	_ =	sdelay $0x1  }
0x83: {  	(erf) = vpow2.f32 v3;
	_ =	sdelay $0x5  }
0x84: {  	v3 =	vor.u32 $0x3, v1  }
0x85: {  	v50 =	vor.u32 $0x4, v2  }
0x86: {  	v51 =	vor.u32 $0xC, v2  }
0x87: {  	v52 =	vpop (erf)  }
0x88: {  	v6 =	vpsel !p2, $0x0, v52  }
0x89: {  	[tilespmem:v3+s29+$0x0] =	vst.idx.msk $0xffff, v6  }
0x8a: {  	v3 =	vld.idx.msk [tilespmem:v50+s21+$0x0], $0xffff  }
0x8b: {  	v53 =	vld.idx.msk [tilespmem:v51+s22+$0x0], $0xffff;
	_ =	sdelay $0x4  }
0x8c: {  	v3 =	vadd.f32 v53, v3;
	_ =	sdelay $0x1  }
0x8d: {  	v4 =	vmul.f32 $2.000000030e-01, v3  }
0x8e: {  	vm12 =	vlt.f32 v3, $0.0e+00  }
0x8f: {  	v3 =	vsel vm12, v4, v3  }
0x90: {  	v3 =	vmul.f32 $1.442695020e+00, v3;
	_ =	sdelay $0x1  }
0x91: {  	(erf) = vpow2.f32 v3;
	_ =	sdelay $0x5  }
0x92: {  	v3 =	vor.u32 $0x4, v1  }
0x93: {  	v54 =	vor.u32 $0x5, v2  }
0x94: {  	v55 =	vor.u32 $0xD, v2  }
0x95: {  	v56 =	vpop (erf)  }
0x96: {  	v6 =	vpsel !p2, $0x0, v56  }
0x97: {  	[tilespmem:v3+s29+$0x0] =	vst.idx.msk $0xffff, v6  }
0x98: {  	v3 =	vld.idx.msk [tilespmem:v54+s21+$0x0], $0xffff  }
0x99: {  	v57 =	vld.idx.msk [tilespmem:v55+s22+$0x0], $0xffff;
	_ =	sdelay $0x4  }
0x9a: {  	v3 =	vadd.f32 v57, v3;
	_ =	sdelay $0x1  }
0x9b: {  	v4 =	vmul.f32 $2.000000030e-01, v3  }
0x9c: {  	vm13 =	vlt.f32 v3, $0.0e+00  }
0x9d: {  	v3 =	vsel vm13, v4, v3  }
0x9e: {  	v3 =	vmul.f32 $1.442695020e+00, v3;
	_ =	sdelay $0x1  }
0x9f: {  	(erf) = vpow2.f32 v3;
	_ =	sdelay $0x5  }
0xa0: {  	v3 =	vor.u32 $0x5, v1  }
0xa1: {  	v58 =	vor.u32 $0x6, v2  }
0xa2: {  	v59 =	vor.u32 $0xE, v2  }
0xa3: {  	v60 =	vpop (erf)  }
0xa4: {  	v6 =	vpsel !p2, $0x0, v60  }
0xa5: {  	[tilespmem:v3+s29+$0x0] =	vst.idx.msk $0xffff, v6  }
0xa6: {  	v3 =	vld.idx.msk [tilespmem:v58+s21+$0x0], $0xffff  }
0xa7: {  	v61 =	vld.idx.msk [tilespmem:v59+s22+$0x0], $0xffff;
	_ =	sdelay $0x4  }
0xa8: {  	v3 =	vadd.f32 v61, v3;
	_ =	sdelay $0x1  }
0xa9: {  	v4 =	vmul.f32 $2.000000030e-01, v3  }
0xaa: {  	vm14 =	vlt.f32 v3, $0.0e+00  }
0xab: {  	v3 =	vsel vm14, v4, v3  }
0xac: {  	v3 =	vmul.f32 $1.442695020e+00, v3;
	_ =	sdelay $0x1  }
0xad: {  	(erf) = vpow2.f32 v3;
	_ =	sdelay $0x5  }
0xae: {  	v3 =	vor.u32 $0x6, v1  }
0xaf: {  	v62 =	vor.u32 $0x7, v2  }
0xb0: {  	v2 =	vor.u32 $0xF, v2  }
0xb1: {  	v63 =	vpop (erf)  }
0xb2: {  	v5 =	vpsel !p2, $0x0, v63  }
0xb3: {  	[tilespmem:v3+s29+$0x0] =	vst.idx.msk $0xffff, v5  }
0xb4: {  	v3 =	vld.idx.msk [tilespmem:v62+s21+$0x0], $0xffff  }
0xb5: {  	v2 =	vld.idx.msk [tilespmem:v2+s22+$0x0], $0xffff;
	_ =	sdelay $0x4  }
0xb6: {  	v2 =	vadd.f32 v2, v3;
	_ =	sdelay $0x1  }
0xb7: {  	v3 =	vmul.f32 $2.000000030e-01, v2  }
0xb8: {  	vm15 =	vlt.f32 v2, $0.0e+00  }
0xb9: {  	v2 =	vsel vm15, v3, v2  }
0xba: {  	v3 =	vmul.f32 $1.442695020e+00, v2;
	_ =	sdelay $0x1  }
0xbb: {  	s16 =	simm.s32 $0x10;
	v2 =	vor.u32 $0x7, v1;
	(erf) = vpow2.f32 v3  }
.LBB2_3:
0xbc: {  	_ =	sdelay $0x2  }
0xbd: {  	p3 =	sne.s32 s16, $0x70;
	s6 =	smov.u32 s16;
	s16 =	sadd.s32 $0x10, s16  }
0xbe: {  	_ = 	snop  }
0xbf: {  	v3 =	vor.u32 s6, v0  }
0xc0: {  	v1 =	vshll.u32 v3, $0x4  }
0xc1: {  	v4 =	vor.u32 $0x8, v1  }
0xc2: {  	v5 =	vpop (erf)  }
0xc3: {  	v5 =	vpsel !p2, $0x0, v5  }
0xc4: {  	[tilespmem:v2+s29+$0x0] =	vst.idx.msk $0xffff, v5  }
0xc5: {  	v2 =	vld.idx.msk [tilespmem:v1+s21+$0x0], $0xffff  }
0xc6: {  	v4 =	vld.idx.msk [tilespmem:v4+s22+$0x0], $0xffff;
	_ =	sdelay $0x5  }
0xc7: {  	v2 =	vadd.f32 v4, v2;
	_ =	sdelay $0x1  }
0xc8: {  	v4 =	vmul.f32 $2.000000030e-01, v2  }
0xc9: {  	vm0 =	vlt.f32 v2, $0.0e+00  }
0xca: {  	v2 =	vsel vm0, v4, v2  }
0xcb: {  	v2 =	vmul.f32 $1.442695020e+00, v2;
	_ =	sdelay $0x1  }
0xcc: {  	(erf) = vpow2.f32 v2;
	_ =	sdelay $0x5  }
0xcd: {  	v2 =	vshll.u32 v3, $0x3  }
0xce: {  	v4 =	vor.u32 $0x9, v1;
	v3 =	vor.u32 $0x1, v1  }
0xcf: {  	s6 =	sor.u32 s15, s6  }
0xd0: {  	p2 =	slt.u32 s6, $0x50910;
	v5 =	vpop (erf)  }
0xd1: {  	v5 =	vpsel !p2, $0x0, v5  }
0xd2: {  	[tilespmem:v2+s29+$0x0] =	vst.idx.msk $0xffff, v5  }
0xd3: {  	v3 =	vld.idx.msk [tilespmem:v3+s21+$0x0], $0xffff  }
0xd4: {  	v4 =	vld.idx.msk [tilespmem:v4+s22+$0x0], $0xffff;
	_ =	sdelay $0x5  }
0xd5: {  	v3 =	vadd.f32 v4, v3;
	_ =	sdelay $0x1  }
0xd6: {  	vm0 =	vlt.f32 v3, $0.0e+00;
	v4 =	vmul.f32 $2.000000030e-01, v3;
	_ =	sdelay $0x1  }
0xd7: {  	v3 =	vsel vm0, v4, v3  }
0xd8: {  	v3 =	vmul.f32 $1.442695020e+00, v3;
	_ =	sdelay $0x1  }
0xd9: {  	(erf) = vpow2.f32 v3;
	_ =	sdelay $0x4  }
0xda: {  	v3 =	vor.u32 $0x1, v2;
	_ =	sdelay $0x1  }
0xdb: {  	v5 =	vor.u32 $0xA, v1;
	v4 =	vor.u32 $0x2, v1;
	_ =	sdelay $0x1  }
0xdc: {  	v6 =	vpop (erf)  }
0xdd: {  	v6 =	vpsel !p2, $0x0, v6  }
0xde: {  	[tilespmem:v3+s29+$0x0] =	vst.idx.msk $0xffff, v6  }
0xdf: {  	v3 =	vld.idx.msk [tilespmem:v4+s21+$0x0], $0xffff  }
0xe0: {  	v4 =	vld.idx.msk [tilespmem:v5+s22+$0x0], $0xffff;
	_ =	sdelay $0x5  }
0xe1: {  	v3 =	vadd.f32 v4, v3;
	_ =	sdelay $0x1  }
0xe2: {  	vm0 =	vlt.f32 v3, $0.0e+00;
	v4 =	vmul.f32 $2.000000030e-01, v3;
	_ =	sdelay $0x1  }
0xe3: {  	v3 =	vsel vm0, v4, v3  }
0xe4: {  	v3 =	vmul.f32 $1.442695020e+00, v3;
	_ =	sdelay $0x1  }
0xe5: {  	(erf) = vpow2.f32 v3;
	_ =	sdelay $0x3  }
0xe6: {  	v3 =	vor.u32 $0x2, v2;
	_ =	sdelay $0x2  }
0xe7: {  	v5 =	vor.u32 $0xB, v1;
	v4 =	vor.u32 $0x3, v1;
	_ =	sdelay $0x1  }
0xe8: {  	v6 =	vpop (erf)  }
0xe9: {  	v6 =	vpsel !p2, $0x0, v6  }
0xea: {  	[tilespmem:v3+s29+$0x0] =	vst.idx.msk $0xffff, v6  }
0xeb: {  	v3 =	vld.idx.msk [tilespmem:v4+s21+$0x0], $0xffff  }
0xec: {  	v4 =	vld.idx.msk [tilespmem:v5+s22+$0x0], $0xffff;
	_ =	sdelay $0x5  }
0xed: {  	v3 =	vadd.f32 v4, v3;
	_ =	sdelay $0x1  }
0xee: {  	vm0 =	vlt.f32 v3, $0.0e+00;
	v4 =	vmul.f32 $2.000000030e-01, v3;
	_ =	sdelay $0x1  }
0xef: {  	v3 =	vsel vm0, v4, v3  }
0xf0: {  	v3 =	vmul.f32 $1.442695020e+00, v3;
	_ =	sdelay $0x1  }
0xf1: {  	(erf) = vpow2.f32 v3;
	_ =	sdelay $0x2  }
0xf2: {  	v3 =	vor.u32 $0x3, v2;
	_ =	sdelay $0x3  }
0xf3: {  	v5 =	vor.u32 $0xC, v1;
	v4 =	vor.u32 $0x4, v1;
	_ =	sdelay $0x1  }
0xf4: {  	v6 =	vpop (erf)  }
0xf5: {  	v6 =	vpsel !p2, $0x0, v6  }
0xf6: {  	[tilespmem:v3+s29+$0x0] =	vst.idx.msk $0xffff, v6  }
0xf7: {  	v3 =	vld.idx.msk [tilespmem:v4+s21+$0x0], $0xffff  }
0xf8: {  	v4 =	vld.idx.msk [tilespmem:v5+s22+$0x0], $0xffff;
	_ =	sdelay $0x5  }
0xf9: {  	v3 =	vadd.f32 v4, v3;
	_ =	sdelay $0x1  }
0xfa: {  	vm0 =	vlt.f32 v3, $0.0e+00;
	v4 =	vmul.f32 $2.000000030e-01, v3;
	_ =	sdelay $0x1  }
0xfb: {  	v3 =	vsel vm0, v4, v3  }
0xfc: {  	v3 =	vmul.f32 $1.442695020e+00, v3;
	_ =	sdelay $0x1  }
0xfd: {  	(erf) = vpow2.f32 v3;
	_ =	sdelay $0x1  }
0xfe: {  	v3 =	vor.u32 $0x4, v2;
	_ =	sdelay $0x4  }
0xff: {  	v5 =	vor.u32 $0xD, v1;
	v4 =	vor.u32 $0x5, v1;
	_ =	sdelay $0x1  }
0x100: {  	v6 =	vpop (erf)  }
0x101: {  	v6 =	vpsel !p2, $0x0, v6  }
0x102: {  	[tilespmem:v3+s29+$0x0] =	vst.idx.msk $0xffff, v6  }
0x103: {  	v3 =	vld.idx.msk [tilespmem:v4+s21+$0x0], $0xffff  }
0x104: {  	v4 =	vld.idx.msk [tilespmem:v5+s22+$0x0], $0xffff;
	_ =	sdelay $0x5  }
0x105: {  	v3 =	vadd.f32 v4, v3;
	_ =	sdelay $0x1  }
0x106: {  	vm0 =	vlt.f32 v3, $0.0e+00;
	v4 =	vmul.f32 $2.000000030e-01, v3;
	_ =	sdelay $0x1  }
0x107: {  	v3 =	vsel vm0, v4, v3  }
0x108: {  	v3 =	vmul.f32 $1.442695020e+00, v3;
	_ =	sdelay $0x1  }
0x109: {  	(erf) = vpow2.f32 v3  }
0x10a: {  	v3 =	vor.u32 $0x5, v2;
	_ =	sdelay $0x5  }
0x10b: {  	v5 =	vor.u32 $0xE, v1;
	v4 =	vor.u32 $0x6, v1;
	_ =	sdelay $0x1  }
0x10c: {  	v6 =	vpop (erf)  }
0x10d: {  	v6 =	vpsel !p2, $0x0, v6  }
0x10e: {  	[tilespmem:v3+s29+$0x0] =	vst.idx.msk $0xffff, v6  }
0x10f: {  	v3 =	vld.idx.msk [tilespmem:v4+s21+$0x0], $0xffff  }
0x110: {  	v4 =	vld.idx.msk [tilespmem:v5+s22+$0x0], $0xffff;
	_ =	sdelay $0x5  }
0x111: {  	v3 =	vadd.f32 v4, v3;
	_ =	sdelay $0x1  }
0x112: {  	vm0 =	vlt.f32 v3, $0.0e+00;
	v4 =	vmul.f32 $2.000000030e-01, v3;
	_ =	sdelay $0x1  }
0x113: {  	v3 =	vsel vm0, v4, v3  }
0x114: {  	v3 =	vmul.f32 $1.442695020e+00, v3;
	_ =	sdelay $0x1  }
0x115: {  	v4 =	vor.u32 $0x6, v2;
	(erf) = vpow2.f32 v3;
	_ =	sdelay $0x6  }
0x116: {  	v3 =	vor.u32 $0x7, v1;
	v1 =	vor.u32 $0xF, v1;
	_ =	sdelay $0x1  }
0x117: {  	v5 =	vpop (erf)  }
0x118: {  	v5 =	vpsel !p2, $0x0, v5  }
0x119: {  	[tilespmem:v4+s29+$0x0] =	vst.idx.msk $0xffff, v5  }
0x11a: {  	v3 =	vld.idx.msk [tilespmem:v3+s21+$0x0], $0xffff  }
0x11b: {  	v1 =	vld.idx.msk [tilespmem:v1+s22+$0x0], $0xffff;
	_ =	sdelay $0x5  }
0x11c: {  	v1 =	vadd.f32 v1, v3;
	_ =	sdelay $0x1  }
0x11d: {  	vm0 =	vlt.f32 v1, $0.0e+00;
	v3 =	vmul.f32 $2.000000030e-01, v1  }
.Ltmp2:
0x11e: {  	(pc) =	sbr.rel @p3 .LBB2_3-.Ltmp2, $4  }
0x11f: {  	v1 =	vsel vm0, v3, v1  }
0x120: {  	v1 =	vmul.f32 $1.442695020e+00, v1  }
0x121: {  	v2 =	vor.u32 $0x7, v2  }
0x122: {  	(erf) = vpow2.f32 v1  }
0x123: {  	_ =	sdelay $0x7  }
0x124: {  	v1 =	vpop (erf)  }
0x125: {  	v1 =	vpsel !p2, $0x0, v1  }
0x126: {  	[tilespmem:v2+s29+$0x0] =	vst.idx.msk $0xffff, v1  }
0x127: {  	[spmem:s1] =	stream.indirect.scatter.add.f32 [tilespmem:s29], [sflag:$0x7], $0x8, s18, s20, $0xb8;
	[tilespmem:$0x3D88] =	vst v63  }
0x128: {  	_ =	swait.ge [sflag:s30], $0x400  }
0x129: {  	[sflag:s30] =	ssyncset.done $0x0  }
0x12a: {  	s6 =	sadd.s32 s7, s15;
	p2 =	seq.s32 s11, $0x28;
	[sflag:s30] =	ssyncadd.s32 $0xFFFFFC00  }
0x12b: {  	[hbm4b:s6+s2] =	stream.linear.scatter [tilespmem:s29], [sflag:$0x5], $0x400, $0x38;
	[tilespmem:$0x3D88] =	vst v63  }
0x12c: {  	s6 =	sadd.s32 @!p2 s12, s13  }
0x12d: {  	s6 =	sshll.u32 @!p2 s6, $0x4  }
0x12e: {  	s6 =	sand.u32 @!p2 $0x1FFFFFE0, s6  }
0x12f: {  	s16 =	simm.s32 @!p2 $0x0;
	s15 =	sadd.s32 @!p2 s4, s6  }
0x130: {  	[tilespmem:s16], [sflag:$0x1] =	stream.linear.gather @!p2 [hbm4b:s15+s16], $0x80, $0x38;
	[tilespmem:$0x3D88] =	vst v63  }
0x131: {  	s6 =	sadd.s32 @!p2 s5, s6;
	s15 =	simm.s32 @!p2 $0x100  }
0x132: {  	[tilespmem:s15], [sflag:$0x1] =	stream.linear.gather @!p2 [hbm4b:s6+s16], $0x80, $0x38;
	[tilespmem:$0x3D88] =	vst v63  }
0x133: {  	s6 =	simm.s32 @!p2 $0x1  }
0x134: {  	_ =	swait.ge @!p2 [sflag:s6], $0x80  }
0x135: {  	[sflag:s6] =	ssyncset.done @!p2 $0x0  }
0x136: {  	[sflag:s6] =	ssyncadd.s32 @!p2 $0xFFFFFF80  }
0x137: {  	_ =	swait.ge @!p2 [sflag:s6], $0x80  }
0x138: {  	[sflag:s6] =	ssyncset.done @!p2 $0x0  }
0x139: {  	s9 =	simm.s32 @!p2 $0x200;
	[sflag:s6] =	ssyncadd.s32 @!p2 $0xFFFFFF80;
	s6 =	simm.s32 @!p2 $0x80  }
0x13a: {  	[tilespmem:s9], [sflag:$0x3] =	stream.indirect.gather @!p2 [hbm4b:s3+s6], $0x10, s16, s6, $0xb8;
	[tilespmem:$0x3D88] =	vst v63  }
0x13b: {  	s9 =	simm.s32 @!p2 $0x1200  }
0x13c: {  	[tilespmem:s9], [sflag:$0x3] =	stream.indirect.gather @!p2 [hbm4b:s3+s6], $0x10, s15, s6, $0xb8;
	[tilespmem:$0x3D88] =	vst v63  }
0x13d: {  	_ =	swait.ge [sflag:s31], $0x800  }
0x13e: {  	[sflag:s31] =	ssyncset.done $0x0  }
0x13f: {  	s16 =	simm.s32 $0x0;
	[sflag:s31] =	ssyncadd.s32 $0xFFFFF800  }
0x140: {  	v1 =	vor.u32 s16, v0;
	_ =	swait.ge [sflag:s31], $0x800  }
0x141: {  	v2 =	vshll.u32 v1, $0x4;
	[sflag:s31] =	ssyncset.done $0x0  }
0x142: {  	s9 =	simm.s32 @!p1 $0x6;
	v3 =	vor.u32 $0x8, v2;
	[sflag:s31] =	ssyncadd.s32 $0xFFFFF800  }
0x143: {  	_ =	swait.ge @!p1 [sflag:s9], $0x400  }
0x144: {  	[sflag:s9] =	ssyncset.done @!p1 $0x0  }
0x145: {  	[sflag:s9] =	ssyncadd.s32 @!p1 $0xFFFFFC00  }
0x146: {  	v4 =	vld.idx.msk [tilespmem:v2+s25+$0x0], $0xffff  }
0x147: {  	v3 =	vld.idx.msk [tilespmem:v3+s26+$0x0], $0xffff;
	_ =	sdelay $0x4  }
0x148: {  	v3 =	vadd.f32 v3, v4;
	_ =	sdelay $0x1  }
0x149: {  	v4 =	vmul.f32 $2.000000030e-01, v3  }
0x14a: {  	vm0 =	vlt.f32 v3, $0.0e+00  }
0x14b: {  	v3 =	vsel vm0, v4, v3  }
0x14c: {  	v3 =	vmul.f32 $1.442695020e+00, v3;
	_ =	sdelay $0x1  }
0x14d: {  	(erf) = vpow2.f32 v3;
	_ =	sdelay $0x3  }
0x14e: {  	s9 =	sor.u32 @!p2 $0x1, s12  }
0x14f: {  	s9 =	simm.s32 @p2 $0x51  }
0x150: {  	v1 =	vshll.u32 v1, $0x3;
	s9 =	sadd.s32 s8, s9  }
0x151: {  	s15 =	sshll.u32 s9, $0x7;
	v3 =	vor.u32 $0x1, v2  }
0x152: {  	v42 =	vor.u32 $0x9, v2;
	s6 =	sor.u32 s15, s16  }
0x153: {  	p1 =	slt.u32 s6, $0x50910;
	v5 =	vpop (erf)  }
0x154: {  	v5 =	vpsel !p1, $0x0, v5  }
0x155: {  	[tilespmem:v1+s0+$0x0] =	vst.idx.msk $0xffff, v5  }
0x156: {  	v3 =	vld.idx.msk [tilespmem:v3+s25+$0x0], $0xffff  }
0x157: {  	v4 =	vld.idx.msk [tilespmem:v42+s26+$0x0], $0xffff;
	_ =	sdelay $0x4  }
0x158: {  	v3 =	vadd.f32 v4, v3;
	_ =	sdelay $0x1  }
0x159: {  	v4 =	vmul.f32 $2.000000030e-01, v3  }
0x15a: {  	vm9 =	vlt.f32 v3, $0.0e+00  }
0x15b: {  	v3 =	vsel vm9, v4, v3  }
0x15c: {  	v3 =	vmul.f32 $1.442695020e+00, v3;
	_ =	sdelay $0x1  }
0x15d: {  	(erf) = vpow2.f32 v3;
	_ =	sdelay $0x5  }
0x15e: {  	v3 =	vor.u32 $0x1, v1  }
0x15f: {  	v43 =	vor.u32 $0x2, v2  }
0x160: {  	v44 =	vor.u32 $0xA, v2  }
0x161: {  	v6 =	vpop (erf)  }
0x162: {  	v6 =	vpsel !p1, $0x0, v6  }
0x163: {  	[tilespmem:v3+s0+$0x0] =	vst.idx.msk $0xffff, v6  }
0x164: {  	v3 =	vld.idx.msk [tilespmem:v43+s25+$0x0], $0xffff  }
0x165: {  	v45 =	vld.idx.msk [tilespmem:v44+s26+$0x0], $0xffff;
	_ =	sdelay $0x4  }
0x166: {  	v3 =	vadd.f32 v45, v3;
	_ =	sdelay $0x1  }
0x167: {  	v4 =	vmul.f32 $2.000000030e-01, v3  }
0x168: {  	vm10 =	vlt.f32 v3, $0.0e+00  }
0x169: {  	v3 =	vsel vm10, v4, v3  }
0x16a: {  	v3 =	vmul.f32 $1.442695020e+00, v3;
	_ =	sdelay $0x1  }
0x16b: {  	(erf) = vpow2.f32 v3;
	_ =	sdelay $0x5  }
0x16c: {  	v3 =	vor.u32 $0x2, v1  }
0x16d: {  	v46 =	vor.u32 $0x3, v2  }
0x16e: {  	v47 =	vor.u32 $0xB, v2  }
0x16f: {  	v48 =	vpop (erf)  }
0x170: {  	v6 =	vpsel !p1, $0x0, v48  }
0x171: {  	[tilespmem:v3+s0+$0x0] =	vst.idx.msk $0xffff, v6  }
0x172: {  	v3 =	vld.idx.msk [tilespmem:v46+s25+$0x0], $0xffff  }
0x173: {  	v49 =	vld.idx.msk [tilespmem:v47+s26+$0x0], $0xffff;
	_ =	sdelay $0x4  }
0x174: {  	v3 =	vadd.f32 v49, v3;
	_ =	sdelay $0x1  }
0x175: {  	v4 =	vmul.f32 $2.000000030e-01, v3  }
0x176: {  	vm11 =	vlt.f32 v3, $0.0e+00  }
0x177: {  	v3 =	vsel vm11, v4, v3  }
0x178: {  	v3 =	vmul.f32 $1.442695020e+00, v3;
	_ =	sdelay $0x1  }
0x179: {  	(erf) = vpow2.f32 v3;
	_ =	sdelay $0x5  }
0x17a: {  	v3 =	vor.u32 $0x3, v1  }
0x17b: {  	v50 =	vor.u32 $0x4, v2  }
0x17c: {  	v51 =	vor.u32 $0xC, v2  }
0x17d: {  	v52 =	vpop (erf)  }
0x17e: {  	v6 =	vpsel !p1, $0x0, v52  }
0x17f: {  	[tilespmem:v3+s0+$0x0] =	vst.idx.msk $0xffff, v6  }
0x180: {  	v3 =	vld.idx.msk [tilespmem:v50+s25+$0x0], $0xffff  }
0x181: {  	v53 =	vld.idx.msk [tilespmem:v51+s26+$0x0], $0xffff;
	_ =	sdelay $0x4  }
0x182: {  	v3 =	vadd.f32 v53, v3;
	_ =	sdelay $0x1  }
0x183: {  	v4 =	vmul.f32 $2.000000030e-01, v3  }
0x184: {  	vm12 =	vlt.f32 v3, $0.0e+00  }
0x185: {  	v3 =	vsel vm12, v4, v3  }
0x186: {  	v3 =	vmul.f32 $1.442695020e+00, v3;
	_ =	sdelay $0x1  }
0x187: {  	(erf) = vpow2.f32 v3;
	_ =	sdelay $0x5  }
0x188: {  	v3 =	vor.u32 $0x4, v1  }
0x189: {  	v54 =	vor.u32 $0x5, v2  }
0x18a: {  	v55 =	vor.u32 $0xD, v2  }
0x18b: {  	v56 =	vpop (erf)  }
0x18c: {  	v6 =	vpsel !p1, $0x0, v56  }
0x18d: {  	[tilespmem:v3+s0+$0x0] =	vst.idx.msk $0xffff, v6  }
0x18e: {  	v3 =	vld.idx.msk [tilespmem:v54+s25+$0x0], $0xffff  }
0x18f: {  	v57 =	vld.idx.msk [tilespmem:v55+s26+$0x0], $0xffff;
	_ =	sdelay $0x4  }
0x190: {  	v3 =	vadd.f32 v57, v3;
	_ =	sdelay $0x1  }
0x191: {  	v4 =	vmul.f32 $2.000000030e-01, v3  }
0x192: {  	vm13 =	vlt.f32 v3, $0.0e+00  }
0x193: {  	v3 =	vsel vm13, v4, v3  }
0x194: {  	v3 =	vmul.f32 $1.442695020e+00, v3;
	_ =	sdelay $0x1  }
0x195: {  	(erf) = vpow2.f32 v3;
	_ =	sdelay $0x5  }
0x196: {  	v3 =	vor.u32 $0x5, v1  }
0x197: {  	v58 =	vor.u32 $0x6, v2  }
0x198: {  	v59 =	vor.u32 $0xE, v2  }
0x199: {  	v60 =	vpop (erf)  }
0x19a: {  	v6 =	vpsel !p1, $0x0, v60  }
0x19b: {  	[tilespmem:v3+s0+$0x0] =	vst.idx.msk $0xffff, v6  }
0x19c: {  	v3 =	vld.idx.msk [tilespmem:v58+s25+$0x0], $0xffff  }
0x19d: {  	v61 =	vld.idx.msk [tilespmem:v59+s26+$0x0], $0xffff;
	_ =	sdelay $0x4  }
0x19e: {  	v3 =	vadd.f32 v61, v3;
	_ =	sdelay $0x1  }
0x19f: {  	v4 =	vmul.f32 $2.000000030e-01, v3  }
0x1a0: {  	vm14 =	vlt.f32 v3, $0.0e+00  }
0x1a1: {  	v3 =	vsel vm14, v4, v3  }
0x1a2: {  	v3 =	vmul.f32 $1.442695020e+00, v3;
	_ =	sdelay $0x1  }
0x1a3: {  	(erf) = vpow2.f32 v3;
	_ =	sdelay $0x5  }
0x1a4: {  	v3 =	vor.u32 $0x6, v1  }
0x1a5: {  	v62 =	vor.u32 $0x7, v2  }
0x1a6: {  	v2 =	vor.u32 $0xF, v2  }
0x1a7: {  	v63 =	vpop (erf)  }
0x1a8: {  	v5 =	vpsel !p1, $0x0, v63  }
0x1a9: {  	[tilespmem:v3+s0+$0x0] =	vst.idx.msk $0xffff, v5  }
0x1aa: {  	v3 =	vld.idx.msk [tilespmem:v62+s25+$0x0], $0xffff  }
0x1ab: {  	v2 =	vld.idx.msk [tilespmem:v2+s26+$0x0], $0xffff;
	_ =	sdelay $0x4  }
0x1ac: {  	v2 =	vadd.f32 v2, v3;
	_ =	sdelay $0x1  }
0x1ad: {  	v3 =	vmul.f32 $2.000000030e-01, v2  }
0x1ae: {  	vm15 =	vlt.f32 v2, $0.0e+00  }
0x1af: {  	v2 =	vsel vm15, v3, v2  }
0x1b0: {  	v3 =	vmul.f32 $1.442695020e+00, v2;
	_ =	sdelay $0x1  }
0x1b1: {  	s16 =	simm.s32 $0x10;
	v2 =	vor.u32 $0x7, v1;
	(erf) = vpow2.f32 v3  }
.LBB2_5:
0x1b2: {  	_ =	sdelay $0x2  }
0x1b3: {  	p3 =	sne.s32 s16, $0x70;
	s6 =	smov.u32 s16;
	s16 =	sadd.s32 $0x10, s16  }
0x1b4: {  	_ = 	snop  }
0x1b5: {  	v3 =	vor.u32 s6, v0  }
0x1b6: {  	v1 =	vshll.u32 v3, $0x4  }
0x1b7: {  	v4 =	vor.u32 $0x8, v1  }
0x1b8: {  	v5 =	vpop (erf)  }
0x1b9: {  	v5 =	vpsel !p1, $0x0, v5  }
0x1ba: {  	[tilespmem:v2+s0+$0x0] =	vst.idx.msk $0xffff, v5  }
0x1bb: {  	v2 =	vld.idx.msk [tilespmem:v1+s25+$0x0], $0xffff  }
0x1bc: {  	v4 =	vld.idx.msk [tilespmem:v4+s26+$0x0], $0xffff;
	_ =	sdelay $0x5  }
0x1bd: {  	v2 =	vadd.f32 v4, v2;
	_ =	sdelay $0x1  }
0x1be: {  	v4 =	vmul.f32 $2.000000030e-01, v2  }
0x1bf: {  	vm0 =	vlt.f32 v2, $0.0e+00  }
0x1c0: {  	v2 =	vsel vm0, v4, v2  }
0x1c1: {  	v2 =	vmul.f32 $1.442695020e+00, v2;
	_ =	sdelay $0x1  }
0x1c2: {  	(erf) = vpow2.f32 v2;
	_ =	sdelay $0x5  }
0x1c3: {  	v2 =	vshll.u32 v3, $0x3  }
0x1c4: {  	v4 =	vor.u32 $0x9, v1;
	v3 =	vor.u32 $0x1, v1  }
0x1c5: {  	s6 =	sor.u32 s15, s6  }
0x1c6: {  	p1 =	slt.u32 s6, $0x50910;
	v5 =	vpop (erf)  }
0x1c7: {  	v5 =	vpsel !p1, $0x0, v5  }
0x1c8: {  	[tilespmem:v2+s0+$0x0] =	vst.idx.msk $0xffff, v5  }
0x1c9: {  	v3 =	vld.idx.msk [tilespmem:v3+s25+$0x0], $0xffff  }
0x1ca: {  	v4 =	vld.idx.msk [tilespmem:v4+s26+$0x0], $0xffff;
	_ =	sdelay $0x5  }
0x1cb: {  	v3 =	vadd.f32 v4, v3;
	_ =	sdelay $0x1  }
0x1cc: {  	vm0 =	vlt.f32 v3, $0.0e+00;
	v4 =	vmul.f32 $2.000000030e-01, v3;
	_ =	sdelay $0x1  }
0x1cd: {  	v3 =	vsel vm0, v4, v3  }
0x1ce: {  	v3 =	vmul.f32 $1.442695020e+00, v3;
	_ =	sdelay $0x1  }
0x1cf: {  	(erf) = vpow2.f32 v3;
	_ =	sdelay $0x4  }
0x1d0: {  	v3 =	vor.u32 $0x1, v2;
	_ =	sdelay $0x1  }
0x1d1: {  	v5 =	vor.u32 $0xA, v1;
	v4 =	vor.u32 $0x2, v1;
	_ =	sdelay $0x1  }
0x1d2: {  	v6 =	vpop (erf)  }
0x1d3: {  	v6 =	vpsel !p1, $0x0, v6  }
0x1d4: {  	[tilespmem:v3+s0+$0x0] =	vst.idx.msk $0xffff, v6  }
0x1d5: {  	v3 =	vld.idx.msk [tilespmem:v4+s25+$0x0], $0xffff  }
0x1d6: {  	v4 =	vld.idx.msk [tilespmem:v5+s26+$0x0], $0xffff;
	_ =	sdelay $0x5  }
0x1d7: {  	v3 =	vadd.f32 v4, v3;
	_ =	sdelay $0x1  }
0x1d8: {  	vm0 =	vlt.f32 v3, $0.0e+00;
	v4 =	vmul.f32 $2.000000030e-01, v3;
	_ =	sdelay $0x1  }
0x1d9: {  	v3 =	vsel vm0, v4, v3  }
0x1da: {  	v3 =	vmul.f32 $1.442695020e+00, v3;
	_ =	sdelay $0x1  }
0x1db: {  	(erf) = vpow2.f32 v3;
	_ =	sdelay $0x3  }
0x1dc: {  	v3 =	vor.u32 $0x2, v2;
	_ =	sdelay $0x2  }
0x1dd: {  	v5 =	vor.u32 $0xB, v1;
	v4 =	vor.u32 $0x3, v1;
	_ =	sdelay $0x1  }
0x1de: {  	v6 =	vpop (erf)  }
0x1df: {  	v6 =	vpsel !p1, $0x0, v6  }
0x1e0: {  	[tilespmem:v3+s0+$0x0] =	vst.idx.msk $0xffff, v6  }
0x1e1: {  	v3 =	vld.idx.msk [tilespmem:v4+s25+$0x0], $0xffff  }
0x1e2: {  	v4 =	vld.idx.msk [tilespmem:v5+s26+$0x0], $0xffff;
	_ =	sdelay $0x5  }
0x1e3: {  	v3 =	vadd.f32 v4, v3;
	_ =	sdelay $0x1  }
0x1e4: {  	vm0 =	vlt.f32 v3, $0.0e+00;
	v4 =	vmul.f32 $2.000000030e-01, v3;
	_ =	sdelay $0x1  }
0x1e5: {  	v3 =	vsel vm0, v4, v3  }
0x1e6: {  	v3 =	vmul.f32 $1.442695020e+00, v3;
	_ =	sdelay $0x1  }
0x1e7: {  	(erf) = vpow2.f32 v3;
	_ =	sdelay $0x2  }
0x1e8: {  	v3 =	vor.u32 $0x3, v2;
	_ =	sdelay $0x3  }
0x1e9: {  	v5 =	vor.u32 $0xC, v1;
	v4 =	vor.u32 $0x4, v1;
	_ =	sdelay $0x1  }
0x1ea: {  	v6 =	vpop (erf)  }
0x1eb: {  	v6 =	vpsel !p1, $0x0, v6  }
0x1ec: {  	[tilespmem:v3+s0+$0x0] =	vst.idx.msk $0xffff, v6  }
0x1ed: {  	v3 =	vld.idx.msk [tilespmem:v4+s25+$0x0], $0xffff  }
0x1ee: {  	v4 =	vld.idx.msk [tilespmem:v5+s26+$0x0], $0xffff;
	_ =	sdelay $0x5  }
0x1ef: {  	v3 =	vadd.f32 v4, v3;
	_ =	sdelay $0x1  }
0x1f0: {  	vm0 =	vlt.f32 v3, $0.0e+00;
	v4 =	vmul.f32 $2.000000030e-01, v3;
	_ =	sdelay $0x1  }
0x1f1: {  	v3 =	vsel vm0, v4, v3  }
0x1f2: {  	v3 =	vmul.f32 $1.442695020e+00, v3;
	_ =	sdelay $0x1  }
0x1f3: {  	(erf) = vpow2.f32 v3;
	_ =	sdelay $0x1  }
0x1f4: {  	v3 =	vor.u32 $0x4, v2;
	_ =	sdelay $0x4  }
0x1f5: {  	v5 =	vor.u32 $0xD, v1;
	v4 =	vor.u32 $0x5, v1;
	_ =	sdelay $0x1  }
0x1f6: {  	v6 =	vpop (erf)  }
0x1f7: {  	v6 =	vpsel !p1, $0x0, v6  }
0x1f8: {  	[tilespmem:v3+s0+$0x0] =	vst.idx.msk $0xffff, v6  }
0x1f9: {  	v3 =	vld.idx.msk [tilespmem:v4+s25+$0x0], $0xffff  }
0x1fa: {  	v4 =	vld.idx.msk [tilespmem:v5+s26+$0x0], $0xffff;
	_ =	sdelay $0x5  }
0x1fb: {  	v3 =	vadd.f32 v4, v3;
	_ =	sdelay $0x1  }
0x1fc: {  	vm0 =	vlt.f32 v3, $0.0e+00;
	v4 =	vmul.f32 $2.000000030e-01, v3;
	_ =	sdelay $0x1  }
0x1fd: {  	v3 =	vsel vm0, v4, v3  }
0x1fe: {  	v3 =	vmul.f32 $1.442695020e+00, v3;
	_ =	sdelay $0x1  }
0x1ff: {  	(erf) = vpow2.f32 v3  }
0x200: {  	v3 =	vor.u32 $0x5, v2;
	_ =	sdelay $0x5  }
0x201: {  	v5 =	vor.u32 $0xE, v1;
	v4 =	vor.u32 $0x6, v1;
	_ =	sdelay $0x1  }
0x202: {  	v6 =	vpop (erf)  }
0x203: {  	v6 =	vpsel !p1, $0x0, v6  }
0x204: {  	[tilespmem:v3+s0+$0x0] =	vst.idx.msk $0xffff, v6  }
0x205: {  	v3 =	vld.idx.msk [tilespmem:v4+s25+$0x0], $0xffff  }
0x206: {  	v4 =	vld.idx.msk [tilespmem:v5+s26+$0x0], $0xffff;
	_ =	sdelay $0x5  }
0x207: {  	v3 =	vadd.f32 v4, v3;
	_ =	sdelay $0x1  }
0x208: {  	vm0 =	vlt.f32 v3, $0.0e+00;
	v4 =	vmul.f32 $2.000000030e-01, v3;
	_ =	sdelay $0x1  }
0x209: {  	v3 =	vsel vm0, v4, v3  }
0x20a: {  	v3 =	vmul.f32 $1.442695020e+00, v3;
	_ =	sdelay $0x1  }
0x20b: {  	v4 =	vor.u32 $0x6, v2;
	(erf) = vpow2.f32 v3;
	_ =	sdelay $0x6  }
0x20c: {  	v3 =	vor.u32 $0x7, v1;
	v1 =	vor.u32 $0xF, v1;
	_ =	sdelay $0x1  }
0x20d: {  	v5 =	vpop (erf)  }
0x20e: {  	v5 =	vpsel !p1, $0x0, v5  }
0x20f: {  	[tilespmem:v4+s0+$0x0] =	vst.idx.msk $0xffff, v5  }
0x210: {  	v3 =	vld.idx.msk [tilespmem:v3+s25+$0x0], $0xffff  }
0x211: {  	v1 =	vld.idx.msk [tilespmem:v1+s26+$0x0], $0xffff;
	_ =	sdelay $0x5  }
0x212: {  	v1 =	vadd.f32 v1, v3;
	_ =	sdelay $0x1  }
0x213: {  	vm0 =	vlt.f32 v1, $0.0e+00;
	v3 =	vmul.f32 $2.000000030e-01, v1  }
.Ltmp3:
0x214: {  	(pc) =	sbr.rel @p3 .LBB2_5-.Ltmp3, $4  }
0x215: {  	v1 =	vsel vm0, v3, v1  }
0x216: {  	v1 =	vmul.f32 $1.442695020e+00, v1  }
0x217: {  	v2 =	vor.u32 $0x7, v2  }
0x218: {  	(erf) = vpow2.f32 v1  }
0x219: {  	_ =	sdelay $0x7  }
0x21a: {  	v1 =	vpop (erf)  }
0x21b: {  	v1 =	vpsel !p1, $0x0, v1  }
0x21c: {  	[tilespmem:v2+s0+$0x0] =	vst.idx.msk $0xffff, v1  }
0x21d: {  	[spmem:s1] =	stream.indirect.scatter.add.f32 [tilespmem:s0], [sflag:$0x7], $0x8, s23, s20, $0xb8;
	[tilespmem:$0x3D88] =	vst v63  }
.Ltmp4:
0x21e: {  	_ = 	snop;
	(pc) =	sbr.rel @p2 .LBB2_8-.Ltmp4, $4  }
0x21f: {  	_ =	swait.ge [sflag:s30], $0x400  }
0x220: {  	s6 =	sand.u32 $0x1FFFFF80, s15;
	[sflag:s30] =	ssyncset.done $0x0  }
0x221: {  	s6 =	sadd.s32 s7, s6;
	[sflag:s30] =	ssyncadd.s32 $0xFFFFFC00  }
0x222: {  	[hbm4b:s6+s2] =	stream.linear.scatter [tilespmem:s0], [sflag:$0x6], $0x400, $0x38;
	[tilespmem:$0x3D88] =	vst v63  }
0x223: {  	s6 =	sadd.s32 s12, s14  }
0x224: {  	s6 =	sshll.u32 s6, $0x4  }
.Ltmp5:
0x225: {  	s6 =	sand.u32 $0x1FFFFFF0, s6;
	(pc) =	sbr.rel .LBB2_2-.Ltmp5, $4  }
0x226: {  	s9 =	sadd.s32 s4, s6  }
0x227: {  	[tilespmem:s20], [sflag:$0x2] =	stream.linear.gather [hbm4b:s9+s2], $0x80, $0x38;
	[tilespmem:$0x3D88] =	vst v63  }
0x228: {  	s11 =	sadd.s32 $0x1, s11;
	s6 =	sadd.s32 s5, s6  }
0x229: {  	[tilespmem:s23], [sflag:$0x2] =	stream.linear.gather [hbm4b:s6+s2], $0x80, $0x38;
	[tilespmem:$0x3D88] =	vst v63  }
.LBB2_9:
0x22a: {  	_ =	sfence.sel $0x180000  }
0x22b: {  	[bflag:$0x0] =	sbarrier.arrive $0xFFFF  }
0x22c: {  	_ =	strace $0x90000047  }
0x22d: {  	[bflag:$0x2] =	sbarrier.arrive $0xFFFF  }
0x22e: {  	s0 =	rddreg [dreg:$0x2]  }
0x22f: {  	s0 =	sadd.s32 @!p0 $0x100000, s0  }
0x230: {  	[sflag:s0] =	ssyncadd.tile.s32 @!p0 $0x1;
	_ =	shalt  }
.Lfunc_end2:
_tile_overlayer_lowered:
.L_overlay_start_2:
0x231: {  	(tag) =	ssettag $0x2  }
0x232: {  	s0 =	rddreg [dreg:$0x0];
	s2 =	stileid.u32  }
0x233: {  	s1 =	rddreg [dreg:$0x1];
	p0 =	sne.s32 s2, $0x0  }
0x234: {  	s3 =	rddreg [dreg:$0x2];
	[bflag:$0x3] =	sbarrier.arrive $0xFFFF;
	s2 =	simm.s32 @!p0 $0x1C07  }
0x235: {  	[timem:s3], [sflag:s2] =	dma.local @!p0 [hbm:s0], s1  }
0x236: {  	s0 =	simm.s32 @!p0 $0x7  }
0x237: {  	_ =	swait.ge @!p0 [sflag:s0], s1  }
0x238: {  	s1 =	ssub.s32 @!p0 $0x0, s1;
	[sflag:s0] =	ssyncset.done @!p0 $0x0  }
0x239: {  	[sflag:s0] =	ssyncadd.s32 @!p0 s1  }
0x23a: {  	[bflag:$0x3] =	sbarrier.arrive $0xFFFF  }
0x23b: {  	_ =	shalt  }

</sc_bundles>
